<compile_context>
chip_gen: v7x
topology: tpu7x:2x2x1
jax: 0.10.2.dev20260603
libtpu: 0.0.44.dev20260713+nightly
codegen_flags: <defaults>
</compile_context>

<pallas_src>
import functools

import jax
import jax.numpy as jnp
from jax import lax
from jax.experimental import pallas as pl
from jax.experimental.pallas import tpu as pltpu
from jax.experimental.pallas import tpu_sc as plsc

N = 10000
E = 320000
H = 128
HH = H // 2
NC = 2
NS = 16
K = 128
EP = 323584
NROW = 10240
RPT = NROW // NS

_f32 = jnp.float32


def _mesh():
    return plsc.VectorSubcoreMesh(core_axis_name="c", subcore_axis_name="s")


_SC_PARAMS = pltpu.CompilerParams(use_tc_tiling_on_sc=False)


def _zero_vmem2d(buf, rows, width):
    @pl.loop(0, rows)
    def _(i):
        @pl.loop(0, width, step=16)
        def _(j):
            buf[i, pl.ds(j, 16)] = jnp.zeros((16,), _f32)


def _fill_ones2d(buf, rows, width):
    @pl.loop(0, rows)
    def _(i):
        @pl.loop(0, width, step=16)
        def _(j):
            buf[i, pl.ds(j, 16)] = jnp.ones((16,), _f32)


def _zero_shared_rows(zbuf, zrows, table, row0, nrows):
    full, rem = nrows // zrows, nrows % zrows
    for q in range(full):
        pltpu.sync_copy(zbuf, table.at[pl.ds(row0 + q * zrows, zrows)])
    if rem:
        pltpu.sync_copy(zbuf.at[pl.ds(0, rem)],
                        table.at[pl.ds(row0 + full * zrows, rem)])


def _sc_degree(dst2):
    nchunk = EP // (K * NC * NS)

    @functools.partial(
        pl.kernel,
        out_type=jax.ShapeDtypeStruct((NC, NROW, 16), _f32),
        mesh=_mesh(),
        compiler_params=_SC_PARAMS,
        scratch_types=[
            pltpu.VMEM((nchunk, K), jnp.int32),
            pltpu.VMEM((K, 16), _f32),
            pltpu.VMEM((80, 16), _f32),
            pltpu.VMEM_SHARED((NROW, 16), _f32),
            pltpu.SemaphoreType.DMA,
        ],
    )
    def k(dst_hbm, out_hbm, dst2_v, ones_v, zb_v, table_sh, sem):
        c = lax.axis_index("c")
        s = lax.axis_index("s")
        wid = c * NS + s
        _fill_ones2d(ones_v, K, 16)
        _zero_vmem2d(zb_v, 80, 16)
        _zero_shared_rows(zb_v, 80, table_sh, s * RPT, RPT)
        pltpu.sync_copy(dst_hbm.at[pl.ds(wid * nchunk, nchunk)], dst2_v)
        plsc.subcore_barrier()

        @pl.loop(0, nchunk)
        def _(j):
            pltpu.async_copy(ones_v, table_sh.at[dst2_v.at[j]], sem,
                             add=True)

        @pl.loop(0, nchunk)
        def _(j):
            pltpu.make_async_copy(ones_v, table_sh.at[dst2_v.at[0]],
                                  sem).wait()

        plsc.subcore_barrier()
        pltpu.sync_copy(table_sh.at[pl.ds(s * RPT, RPT)],
                        out_hbm.at[c, pl.ds(s * RPT, RPT)])

    return k(dst2)


def _add_offset(idx2_v, nrows, off):
    @pl.loop(0, nrows)
    def _(i):
        @pl.loop(0, K, step=16)
        def _(j):
            idx2_v[i, pl.ds(j, 16)] = idx2_v[i, pl.ds(j, 16)] + off


def _pipe_gather_scatter(nchunk, streams):
    def start_g(j, b):
        for (src_hbm, idx2_v, _, bufs, gsems, _ss, _t) in streams:
            pltpu.async_copy(src_hbm.at[idx2_v.at[j]], bufs[b], gsems[b])

    def wait_g(b):
        for (src_hbm, idx2_v, _, bufs, gsems, _ss, _t) in streams:
            pltpu.make_async_copy(src_hbm.at[idx2_v.at[0]], bufs[b],
                                  gsems[b]).wait()

    def scat(j, b):
        for (_s, _i, dst2_v, bufs, _gs, _ss, table_sh) in streams:
            pltpu.sync_copy(bufs[b], table_sh.at[dst2_v.at[j]], add=True)

    start_g(0, 0)
    start_g(1, 1)

    @pl.loop(0, nchunk, step=2)
    def _(j):
        wait_g(0)
        scat(j, 0)

        @pl.when(j + 2 < nchunk)
        def _():
            start_g(j + 2, 0)

        @pl.when(j + 1 < nchunk)
        def _():
            wait_g(1)
            scat(j + 1, 1)

        @pl.when(j + 3 < nchunk)
        def _():
            start_g(j + 3, 1)


def _sc_gcn_agg(xwp4, src2, dst2):
    nchunk = EP // (K * NS)

    @functools.partial(
        pl.kernel,
        out_type=jax.ShapeDtypeStruct((NC, 2, NROW, HH), _f32),
        mesh=_mesh(),
        compiler_params=_SC_PARAMS,
        scratch_types=[
            pltpu.VMEM((nchunk, K), jnp.int32),
            pltpu.VMEM((nchunk, K), jnp.int32),
            pltpu.VMEM((K, HH), _f32),
            pltpu.VMEM((K, HH), _f32),
            pltpu.VMEM_SHARED((NROW, HH), _f32),
            pltpu.SemaphoreType.DMA,
            pltpu.SemaphoreType.DMA,
            pltpu.SemaphoreType.DMA,
            pltpu.SemaphoreType.DMA,
        ],
    )
    def k(x_hbm, src_hbm, dst_hbm, out_hbm, src2_v, dst2_v, buf0, buf1,
          table_sh, sem0, sem1, sem2, sem3):
        c = lax.axis_index("c")
        s = lax.axis_index("s")
        pltpu.sync_copy(src_hbm.at[pl.ds(s * nchunk, nchunk)], src2_v)
        pltpu.sync_copy(dst_hbm.at[pl.ds(s * nchunk, nchunk)], dst2_v)
        _add_offset(src2_v, nchunk, c * (2 * N))
        for q in range(2):
            if q == 1:
                _add_offset(src2_v, nchunk, N)
            _zero_vmem2d(buf0, K, HH)
            _zero_shared_rows(buf0, K, table_sh, s * RPT, RPT)
            plsc.subcore_barrier()
            _pipe_gather_scatter(
                nchunk,
                [(x_hbm, src2_v, dst2_v, (buf0, buf1), (sem0, sem1),
                  (sem2, sem3), table_sh)])
            plsc.subcore_barrier()
            pltpu.sync_copy(table_sh.at[pl.ds(s * RPT, RPT)],
                            out_hbm.at[c, q, pl.ds(s * RPT, RPT)])

    return k(xwp4, src2, dst2)


HA = HH + 16


def _sc_attn(m2, src2, dst2):
    nchunk = EP // (K * NS)

    @functools.partial(
        pl.kernel,
        out_type=jax.ShapeDtypeStruct((NC, NROW, HA), _f32),
        mesh=_mesh(),
        compiler_params=_SC_PARAMS,
        scratch_types=[
            pltpu.VMEM((nchunk, K), jnp.int32),
            pltpu.VMEM((nchunk, K), jnp.int32),
            pltpu.VMEM((K, HA), _f32),
            pltpu.VMEM((K, HA), _f32),
            pltpu.VMEM_SHARED((NROW, HA), _f32),
            pltpu.SemaphoreType.DMA,
            pltpu.SemaphoreType.DMA,
            pltpu.SemaphoreType.DMA,
            pltpu.SemaphoreType.DMA,
        ],
    )
    def k(m_hbm, src_hbm, dst_hbm, out_hbm, src2_v, dst2_v, buf0, buf1,
          table_sh, sem0, sem1, sem2, sem3):
        c = lax.axis_index("c")
        s = lax.axis_index("s")
        pltpu.sync_copy(src_hbm.at[pl.ds(s * nchunk, nchunk)], src2_v)
        pltpu.sync_copy(dst_hbm.at[pl.ds(s * nchunk, nchunk)], dst2_v)
        _add_offset(src2_v, nchunk, c * N)
        _zero_vmem2d(buf0, K, HA)
        _zero_shared_rows(buf0, K, table_sh, s * RPT, RPT)
        plsc.subcore_barrier()
        _pipe_gather_scatter(
            nchunk,
            [(m_hbm, src2_v, dst2_v, (buf0, buf1), (sem0, sem1),
              (sem2, sem3), table_sh)])
        plsc.subcore_barrier()
        pltpu.sync_copy(table_sh.at[pl.ds(s * RPT, RPT)],
                        out_hbm.at[c, pl.ds(s * RPT, RPT)])

    return k(m2, src2, dst2)


BN = 1000
_GRID = N // BN
_HI = lax.Precision.DEFAULT


def _dot(a, b):
    return jnp.dot(a, b, preferred_element_type=_f32, precision=_HI)


def _lrelu_(v):
    return jnp.where(v > 0, v, 0.2 * v)


def _mlp3_(v, W1, b1, W2, b2, W3, b3):
    v = _lrelu_(_dot(v, W1) + b1)
    v = _lrelu_(_dot(v, W2) + b2)
    return _dot(v, W3) + b3


def _tc_xwp(x, Wg2, deg2):
    def body(x_ref, w_ref, deg_ref, o_ref):
        q = (pl.program_id(0) // _GRID) % 2
        deg = deg_ref[0, 0, :, 0] + deg_ref[0, 1, :, 0] + 1.0
        dinv = lax.rsqrt(deg)[:, None]
        xw = _dot(x_ref[...], w_ref[0])
        half = jnp.where(q == 0, xw[:, :HH], xw[:, HH:])
        o_ref[...] = half * dinv

    return pl.pallas_call(
        body,
        grid=(4 * _GRID,),
        in_specs=[
            pl.BlockSpec((BN, H), lambda i: (i % _GRID, 0)),
            pl.BlockSpec((1, H, H), lambda i: (i // (2 * _GRID), 0, 0)),
            pl.BlockSpec((1, NC, BN, 16), lambda i: (0, 0, i % _GRID, 0)),
        ],
        out_specs=pl.BlockSpec((BN, HH), lambda i: (i, 0)),
        out_shape=jax.ShapeDtypeStruct((4 * N, HH), _f32),
    )(x, Wg2, deg2[None])


def _tc_gcn_post(agg4, xwp4, deg2, bgo, bgt, Wa, ba):
    def body(agg_ref, xo0_ref, xo1_ref, xt0_ref, xt1_ref, deg_ref,
             bgo_ref, bgt_ref, wao_ref, wat_ref, ba_ref,
             ro_ref, rt_ref, sc_ref, g_ref):
        i = pl.program_id(0)
        deg = deg_ref[0, 0, :, 0] + deg_ref[0, 1, :, 0] + 1.0
        dinv = lax.rsqrt(deg)[:, None]
        agg_o = jnp.concatenate([agg_ref[0, 0, 0], agg_ref[0, 0, 1]], axis=1)
        agg_t = jnp.concatenate([agg_ref[0, 1, 0], agg_ref[0, 1, 1]], axis=1)
        xwp_o = jnp.concatenate([xo0_ref[...], xo1_ref[...]], axis=1)
        xwp_t = jnp.concatenate([xt0_ref[...], xt1_ref[...]], axis=1)
        ro = jnp.maximum((agg_o + xwp_o) * dinv + bgo_ref[...], 0.0)
        rt = jnp.maximum((agg_t + xwp_t) * dinv + bgt_ref[...], 0.0)
        sc = _lrelu_(_dot(ro, wao_ref[...]) + _dot(rt, wat_ref[...])
                     + ba_ref[...])
        ro_ref[...] = ro
        rt_ref[...] = rt
        sc_ref[...] = sc

        @pl.when(i == 0)
        def _():
            g_ref[...] = jnp.full((1, 1), -jnp.inf, _f32)

        g_ref[...] = jnp.maximum(g_ref[...], jnp.max(sc))

    hspec = pl.BlockSpec((BN, HH), lambda i: (i, 0))
    return pl.pallas_call(
        body,
        grid=(_GRID,),
        in_specs=[
            pl.BlockSpec((1, NC, 2, BN, HH), lambda i: (0, 0, 0, i, 0)),
            pl.BlockSpec((BN, HH), lambda i: (i, 0)),
            pl.BlockSpec((BN, HH), lambda i: (_GRID + i, 0)),
            pl.BlockSpec((BN, HH), lambda i: (2 * _GRID + i, 0)),
            pl.BlockSpec((BN, HH), lambda i: (3 * _GRID + i, 0)),
            pl.BlockSpec((1, NC, BN, 16), lambda i: (0, 0, i, 0)),
            pl.BlockSpec((1, H), lambda i: (0, 0)),
            pl.BlockSpec((1, H), lambda i: (0, 0)),
            pl.BlockSpec((H, 1), lambda i: (0, 0)),
            pl.BlockSpec((H, 1), lambda i: (0, 0)),
            pl.BlockSpec((1, 1), lambda i: (0, 0)),
        ],
        out_specs=[
            pl.BlockSpec((BN, H), lambda i: (i, 0)),
            pl.BlockSpec((BN, H), lambda i: (i, 0)),
            pl.BlockSpec((BN, 1), lambda i: (i, 0)),
            pl.BlockSpec((1, 1), lambda i: (0, 0)),
        ],
        out_shape=[
            jax.ShapeDtypeStruct((N, H), _f32),
            jax.ShapeDtypeStruct((N, H), _f32),
            jax.ShapeDtypeStruct((N, 1), _f32),
            jax.ShapeDtypeStruct((1, 1), _f32),
        ],
    )(agg4[None], xwp4, xwp4, xwp4, xwp4, deg2[None], bgo, bgt,
      Wa[:H], Wa[H:], ba)


def _tc_msg(score, g, t2, r_t, d1W, d1b, d2W, d2b, d3W, d3b):
    def body(sc_ref, g_ref, rt_ref, t_ref, w1, b1, w2, b2, w3, b3,
             m_ref, pt_ref):
        q = pl.program_id(0) // _GRID
        ms = jnp.where(t_ref[...] > 0,
                       jnp.exp(sc_ref[...] - g_ref[...]), 0.0)
        rt = rt_ref[...]
        half = jnp.where(q == 0, rt[:, :HH], rt[:, HH:])
        m_ref[...] = jnp.concatenate(
            [ms * half, jnp.broadcast_to(ms, (BN, 16))], axis=1)
        pt_ref[...] = jax.nn.sigmoid(
            _mlp3_(rt, w1[...], b1[...], w2[...], b2[...], w3[...],
                   b3[...]))

    wspec = pl.BlockSpec((H, H), lambda i: (0, 0))
    bspec = pl.BlockSpec((1, H), lambda i: (0, 0))
    return pl.pallas_call(
        body,
        grid=(2 * _GRID,),
        in_specs=[
            pl.BlockSpec((BN, 1), lambda i: (i % _GRID, 0)),
            pl.BlockSpec((1, 1), lambda i: (0, 0)),
            pl.BlockSpec((BN, H), lambda i: (i % _GRID, 0)),
            pl.BlockSpec((BN, 1), lambda i: (i % _GRID, 0)),
            wspec, bspec, wspec, bspec,
            pl.BlockSpec((H, 1), lambda i: (0, 0)),
            pl.BlockSpec((1, 1), lambda i: (0, 0)),
        ],
        out_specs=[
            pl.BlockSpec((BN, HA), lambda i: (i, 0)),
            pl.BlockSpec((BN, 1), lambda i: (i % _GRID, 0)),
        ],
        out_shape=[
            jax.ShapeDtypeStruct((2 * N, HA), _f32),
            jax.ShapeDtypeStruct((N, 1), _f32),
        ],
    )(score, g, r_t, t2, d1W, d1b, d2W, d2b, d3W, d3b)


def _tc_final(h4, r_o, t2, We, be, p1, p0):
    p1aW, p1ab, p1bW, p1bb, p1cW, p1cb = p1
    p0aW, p0ab, p0bW, p0bb, p0cW, p0cb = p0

    def body(h_ref, ro_ref, t_ref, wer, weh, be_ref,
             w1a, b1a, w1b, b1b, w1c, b1c,
             w0a, b0a, w0b, b0b, w0c, b0c, z2_ref, pred_ref):
        ssum = h_ref[0, 0, :, HH]
        rec = (1.0 / (ssum + 1e-9))[:, None]
        h_lo = h_ref[0, 0, :, :HH] * rec
        h_hi = h_ref[0, 1, :, :HH] * rec
        hrow = jnp.concatenate([h_lo, h_hi], axis=1)
        z2 = (_dot(ro_ref[...], wer[...]) + _dot(hrow, weh[...])
              + be_ref[...])
        z2_ref[...] = z2
        pv1 = _mlp3_(z2, w1a[...], b1a[...], w1b[...], b1b[...],
                     w1c[...], b1c[...])
        pv0 = _mlp3_(z2, w0a[...], b0a[...], w0b[...], b0b[...],
                     w0c[...], b0c[...])
        pred_ref[...] = jnp.where(t_ref[...] > 0, pv1, pv0)

    wspec = pl.BlockSpec((H, H), lambda i: (0, 0))
    bspec = pl.BlockSpec((1, H), lambda i: (0, 0))
    cspec = pl.BlockSpec((H, 1), lambda i: (0, 0))
    sspec = pl.BlockSpec((1, 1), lambda i: (0, 0))
    return pl.pallas_call(
        body,
        grid=(_GRID,),
        in_specs=[
            pl.BlockSpec((1, NC, BN, HA), lambda i: (0, 0, i, 0)),
            pl.BlockSpec((BN, H), lambda i: (i, 0)),
            pl.BlockSpec((BN, 1), lambda i: (i, 0)),
            wspec, wspec, bspec,
            wspec, bspec, wspec, bspec, cspec, sspec,
            wspec, bspec, wspec, bspec, cspec, sspec,
        ],
        out_specs=[
            pl.BlockSpec((BN, H), lambda i: (i, 0)),
            pl.BlockSpec((BN, 1), lambda i: (i, 0)),
        ],
        out_shape=[
            jax.ShapeDtypeStruct((N, H), _f32),
            jax.ShapeDtypeStruct((N, 1), _f32),
        ],
    )(h4[None], r_o, t2, We[:H], We[H:], be,
      p1aW, p1ab, p1bW, p1bb, p1cW, p1cb,
      p0aW, p0ab, p0bW, p0bb, p0cW, p0cb)


def kernel(x, t, z, edge_index, Wgo, bgo, Wgt, bgt, Wa, ba, We, be,
           d1W, d1b, d2W, d2b, d3W, d3b, p1aW, p1ab, p1bW, p1bb, p1cW,
           p1cb, p0aW, p0ab, p0bW, p0bb, p0cW, p0cb):
    src = edge_index[0]
    dst = edge_index[1]
    t2 = t[:, None]
    Wg2 = jnp.stack([Wgo, Wgt])
    bgo2, bgt2, be2 = bgo[None], bgt[None], be[None]
    ba2 = ba[None]
    d1b2, d2b2, d3b2 = d1b[None], d2b[None], d3b[None]
    p1ab2, p1bb2, p1cb2 = p1ab[None], p1bb[None], p1cb[None]
    p0ab2, p0bb2, p0cb2 = p0ab[None], p0bb[None], p0cb[None]

    pad = EP - E
    srcp = jnp.concatenate([src, jnp.zeros((pad,), jnp.int32)])
    dstp = jnp.concatenate([dst, jnp.full((pad,), N, jnp.int32)])
    src2 = srcp.reshape(EP // K, K)
    dst2 = dstp.reshape(EP // K, K)
    deg2 = _sc_degree(dst2)
    xwp4 = _tc_xwp(x, Wg2, deg2)
    agg4 = _sc_gcn_agg(xwp4, src2, dst2)
    r_o, r_t, score, g = _tc_gcn_post(agg4, xwp4, deg2, bgo2, bgt2,
                                      Wa, ba2)
    m2, pred_t = _tc_msg(score, g, t2, r_t, d1W, d1b2, d2W, d2b2,
                         d3W, d3b2)
    h4 = _sc_attn(m2, src2, dst2)
    z2, pred = _tc_final(h4, r_o, t2, We, be2,
                         (p1aW, p1ab2, p1bW, p1bb2, p1cW, p1cb2),
                         (p0aW, p0ab2, p0bW, p0bb2, p0cW, p0cb2))
    return (pred_t, pred, z2)

# --- scband reference (transcript-rebuilt; emitter-appended) ---
"""Pipeline reference for scband-spnet-17411797418341 (READ-ONLY COPY).

The authoritative reference and input builder live on the scoring server;
editing this copy changes nothing except your own understanding.
"""

import jax, jax.numpy as jnp
import numpy as np

N = 10000
E = 320000
D = 128
H = 128

def _lrelu(v):
    return jnp.where(v > 0, v, 0.2 * v)

def _linp(key, fan_in, fan_out):
    k1, k2 = jax.random.split(key)
    lim = 1.0 / np.sqrt(fan_in)
    W = jax.random.uniform(k1, (fan_in, fan_out), jnp.float32, -lim, lim)
    b = jax.random.uniform(k2, (fan_out,), jnp.float32, -lim, lim)
    return W, b

def setup_inputs(seed: int = 0):
    key = jax.random.key(seed)
    ks = jax.random.split(key, 20)
    inp = {}
    inp['x'] = jax.random.normal(ks[0], (N, D), jnp.float32)
    inp['t'] = jax.random.randint(ks[1], (N,), 0, 2, jnp.int32)
    inp['z'] = jax.random.normal(ks[2], (N, H), jnp.float32)
    inp['edge_index'] = jax.random.randint(ks[3], (2, E), 0, N, jnp.int32)
    inp['Wgo'], inp['bgo'] = _linp(ks[4], D, H)
    inp['Wgt'], inp['bgt'] = _linp(ks[5], D, H)
    inp['Wa'], inp['ba'] = _linp(ks[6], 2 * H, 1)
    inp['We'], inp['be'] = _linp(ks[7], 2 * H, H)
    inp['d1W'], inp['d1b'] = _linp(ks[8], H, H)
    inp['d2W'], inp['d2b'] = _linp(ks[9], H, H)
    inp['d3W'], inp['d3b'] = _linp(ks[10], H, 1)
    inp['p1aW'], inp['p1ab'] = _linp(ks[11], H, H)
    inp['p1bW'], inp['p1bb'] = _linp(ks[12], H, H)
    inp['p1cW'], inp['p1cb'] = _linp(ks[13], H, 1)
    inp['p0aW'], inp['p0ab'] = _linp(ks[14], H, H)
    inp['p0bW'], inp['p0bb'] = _linp(ks[15], H, H)
    inp['p0cW'], inp['p0cb'] = _linp(ks[16], H, 1)
    return inp

def _gcn(x, W, b, src, dst):
    # GCNConv with add_self_loops=True: D^{-1/2}(A+I)D^{-1/2} X W + b
    xw = x @ W
    deg = jnp.zeros((N,), jnp.float32).at[dst].add(1.0) + 1.0
    dinv = 1.0 / jnp.sqrt(deg)
    coef = dinv[src] * dinv[dst]
    out = jnp.zeros((N, xw.shape[1]), jnp.float32).at[dst].add(xw[src] * coef[:, None])
    out = out + xw * (dinv * dinv)[:, None] + b
    return out

def _mlp3(v, W1, b1, W2, b2, W3, b3):
    v = _lrelu(v @ W1 + b1)
    v = _lrelu(v @ W2 + b2)
    return v @ W3 + b3

def reference(x, t, z, edge_index, Wgo, bgo, Wgt, bgt, Wa, ba, We, be, d1W, d1b, d2W, d2b, d3W, d3b, p1aW, p1ab, p1bW, p1bb, p1cW, p1cb, p0aW, p0ab, p0bW, p0bb, p0cW, p0cb):
    src = edge_index[0]
    dst = edge_index[1]
    r_o = jax.nn.relu(_gcn(x, Wgo, bgo, src, dst))
    r_t = jax.nn.relu(_gcn(x, Wgt, bgt, src, dst))
    cat = jnp.concatenate([r_o, r_t], axis=-1)
    # MaskedAttentionLayer(2*hidden, 1): per-edge attention score from source cat-features,
    # masked by treatment indicator of source node, softmax-normalized per destination,
    # aggregating r_t messages.
    score = _lrelu(cat @ Wa + ba)[:, 0]
    e = score[src]
    mask = (t[src] > 0)
    e = jnp.where(mask, e, -1e9)
    emax = jax.ops.segment_max(e, dst, num_segments=N)
    emax = jnp.where(jnp.isfinite(emax), emax, 0.0)
    ee = jnp.exp(e - emax[dst]) * mask.astype(jnp.float32)
    denom = jax.ops.segment_sum(ee, dst, num_segments=N) + 1e-9
    alpha = ee / denom[dst]
    h = jnp.zeros((N, H), jnp.float32).at[dst].add(alpha[:, None] * r_t[src])
    z2 = jnp.concatenate([r_o, h], axis=-1) @ We + be
    pred_t = jax.nn.sigmoid(_mlp3(r_t, d1W, d1b, d2W, d2b, d3W, d3b))
    pred_1 = _mlp3(z2, p1aW, p1ab, p1bW, p1bb, p1cW, p1cb)
    pred_0 = _mlp3(z2, p0aW, p0ab, p0bW, p0bb, p0cW, p0cb)
    pred = jnp.where(t > 0, pred_1[:, 0], pred_0[:, 0])
    return (pred_t, pred[:, None], z2)

if __name__ == "__main__":
    import jax
    _d = setup_inputs()
    print(jax.jit(kernel)(*tuple(_d.values())))

</pallas_src>

<mosaic_0001>
#map = affine_map<(d0, d1) -> (0, 0)>
#map1 = affine_map<(d0, d1) -> (0, 0, 0)>
module attributes {stable_mosaic.version = 14 : i64} {
  func.func @k(%arg0: i32, %arg1: i32, %arg2: memref<20000x80xf32, #tpu.memory_space<hbm>>, %arg3: memref<2528x128xi32, #tpu.memory_space<hbm>>, %arg4: memref<2528x128xi32, #tpu.memory_space<hbm>>, %arg5: memref<2x10240x80xf32, #tpu.memory_space<hbm>>, %arg6: memref<158x128xi32, #tpu.memory_space<vmem>>, %arg7: memref<158x128xi32, #tpu.memory_space<vmem>>, %arg8: memref<128x80xf32, #tpu.memory_space<vmem>>, %arg9: memref<128x80xf32, #tpu.memory_space<vmem>>, %arg10: memref<10240x80xf32, #tpu.memory_space<vmem_shared>>, %arg11: memref<!tpu.dma_semaphore, #tpu.memory_space<semaphore_mem>>, %arg12: memref<!tpu.dma_semaphore, #tpu.memory_space<semaphore_mem>>, %arg13: memref<!tpu.dma_semaphore, #tpu.memory_space<semaphore_mem>>, %arg14: memref<!tpu.dma_semaphore, #tpu.memory_space<semaphore_mem>>) attributes {dimension_semantics = [#tpu.dimension_semantics<core_parallel>, #tpu.dimension_semantics<subcore_parallel>], iteration_bounds = array<i64: 2, 16>, scalar_prefetch = 0 : i64, scratch_operands = 9 : i64, tpu.core_type = #tpu.core_type<sc_vector_subcore>, window_params = [{transform_indices = #map}, {transform_indices = #map}, {transform_indices = #map}, {transform_indices = #map1}]} {
    %mul3A = arith.constant 158 : i32
    %mul3A_0 = arith.muli %arg1, %mul3A : i32
    "tpu.region"() ({
      %run_scoped3A = tpu.sem_alloc : memref<!tpu.dma_semaphore, #tpu.memory_space<semaphore_mem>>
      %dma_start3A_48 = arith.constant 0 : i32
      %dma_start3A_49 = tpu.memref_slice %arg3[%mul3A_0, %dma_start3A_48] : memref<2528x128xi32, #tpu.memory_space<hbm>> -> memref<158x128xi32, #tpu.memory_space<hbm>>
      %dma_start3A_50 = arith.constant 0 : i32
      %dma_start3A_51 = tpu.memref_slice %arg3[%mul3A_0, %dma_start3A_50] : memref<2528x128xi32, #tpu.memory_space<hbm>> -> memref<158x128xi32, #tpu.memory_space<hbm>>
      tpu.enqueue_dma source(%dma_start3A_51 : memref<158x128xi32, #tpu.memory_space<hbm>>) target(%arg6 : memref<158x128xi32, #tpu.memory_space<vmem>>) target_semaphore(%run_scoped3A : memref<!tpu.dma_semaphore, #tpu.memory_space<semaphore_mem>>)
      %dma_wait3A = arith.constant 0 : i32
      %dma_wait3A_52 = tpu.memref_slice %arg3[%mul3A_0, %dma_wait3A] : memref<2528x128xi32, #tpu.memory_space<hbm>> -> memref<158x128xi32, #tpu.memory_space<hbm>>
      %dma_wait3A_53 = arith.constant 0 : i32
      %dma_wait3A_54 = tpu.memref_slice %arg3[%mul3A_0, %dma_wait3A_53] : memref<2528x128xi32, #tpu.memory_space<hbm>> -> memref<158x128xi32, #tpu.memory_space<hbm>>
      tpu.wait_dma2 semaphore(%run_scoped3A : memref<!tpu.dma_semaphore, #tpu.memory_space<semaphore_mem>>) src(%dma_wait3A_54 : memref<158x128xi32, #tpu.memory_space<hbm>>) dst(%arg6 : memref<158x128xi32, #tpu.memory_space<vmem>>)
      tpu.yield
    }) : () -> ()
    %mul3A_1 = arith.constant 158 : i32
    %mul3A_2 = arith.muli %arg1, %mul3A_1 : i32
    "tpu.region"() ({
      %run_scoped3A = tpu.sem_alloc : memref<!tpu.dma_semaphore, #tpu.memory_space<semaphore_mem>>
      %dma_start3A_48 = arith.constant 0 : i32
      %dma_start3A_49 = tpu.memref_slice %arg4[%mul3A_2, %dma_start3A_48] : memref<2528x128xi32, #tpu.memory_space<hbm>> -> memref<158x128xi32, #tpu.memory_space<hbm>>
      %dma_start3A_50 = arith.constant 0 : i32
      %dma_start3A_51 = tpu.memref_slice %arg4[%mul3A_2, %dma_start3A_50] : memref<2528x128xi32, #tpu.memory_space<hbm>> -> memref<158x128xi32, #tpu.memory_space<hbm>>
      tpu.enqueue_dma source(%dma_start3A_51 : memref<158x128xi32, #tpu.memory_space<hbm>>) target(%arg7 : memref<158x128xi32, #tpu.memory_space<vmem>>) target_semaphore(%run_scoped3A : memref<!tpu.dma_semaphore, #tpu.memory_space<semaphore_mem>>)
      %dma_wait3A = arith.constant 0 : i32
      %dma_wait3A_52 = tpu.memref_slice %arg4[%mul3A_2, %dma_wait3A] : memref<2528x128xi32, #tpu.memory_space<hbm>> -> memref<158x128xi32, #tpu.memory_space<hbm>>
      %dma_wait3A_53 = arith.constant 0 : i32
      %dma_wait3A_54 = tpu.memref_slice %arg4[%mul3A_2, %dma_wait3A_53] : memref<2528x128xi32, #tpu.memory_space<hbm>> -> memref<158x128xi32, #tpu.memory_space<hbm>>
      tpu.wait_dma2 semaphore(%run_scoped3A : memref<!tpu.dma_semaphore, #tpu.memory_space<semaphore_mem>>) src(%dma_wait3A_54 : memref<158x128xi32, #tpu.memory_space<hbm>>) dst(%arg7 : memref<158x128xi32, #tpu.memory_space<vmem>>)
      tpu.yield
    }) : () -> ()
    %mul3A_3 = arith.constant 10000 : i32
    %mul3A_4 = arith.muli %arg0, %mul3A_3 : i32
    %scan3A = arith.constant 0 : i32
    %scan3A_5 = arith.constant 158 : i32
    %scan3A_6 = arith.addi %scan3A, %scan3A_5 : i32
    %scan3A_7 = arith.constant 1 : i32
    scf.for %scan3A_48 = %scan3A to %scan3A_6 step %scan3A_7  : i32 {
      %mul3A_49 = arith.constant 1 : i32
      %mul3A_50 = arith.muli %scan3A_48, %mul3A_49 : i32
      %add3A_51 = arith.constant 0 : i32
      %add3A_52 = arith.addi %add3A_51, %mul3A_50 : i32
      %scan3A_53 = arith.constant 0 : i32
      %scan3A_54 = arith.constant 8 : i32
      %scan3A_55 = arith.addi %scan3A_53, %scan3A_54 : i32
      %scan3A_56 = arith.constant 1 : i32
      scf.for %scan3A_58 = %scan3A_53 to %scan3A_55 step %scan3A_56  : i32 {
        %mul3A_59 = arith.constant 16 : i32
        %mul3A_60 = arith.muli %scan3A_58, %mul3A_59 : i32
        %add3A_61 = arith.constant 0 : i32
        %add3A_62 = arith.addi %add3A_61, %mul3A_60 : i32
        %get3A = arith.index_cast %add3A_52 : i32 to index
        %get3A_63 = arith.index_cast %add3A_62 : i32 to index
        %get3A_64 = tpu.vector_load %arg6[%get3A, %get3A_63] {strides = array<i32>} : memref<158x128xi32, #tpu.memory_space<vmem>>, vector<1x16xi32>,
        %get3A_65 = vector.shape_cast %get3A_64 : vector<1x16xi32> to vector<16xi32>
        %add3A_66 = vector.broadcast %mul3A_4 : i32 to vector<16xi32>
        %add3A_67 = arith.addi %get3A_65, %add3A_66 : vector<16xi32>
        %swap3A = arith.index_cast %add3A_52 : i32 to index
        %swap3A_68 = arith.index_cast %add3A_62 : i32 to index
        %swap3A_69 = tpu.vector_load %arg6[%swap3A, %swap3A_68] {strides = array<i32>} : memref<158x128xi32, #tpu.memory_space<vmem>>, vector<1x16xi32>,
        %swap3A_70 = vector.shape_cast %swap3A_69 : vector<1x16xi32> to vector<16xi32>
        %swap3A_71 = vector.shape_cast %add3A_67 : vector<16xi32> to vector<1x16xi32>
        tpu.vector_store %arg6[%swap3A, %swap3A_68], %swap3A_71 {strides = array<i32>} : memref<158x128xi32, #tpu.memory_space<vmem>>, vector<1x16xi32>,
      }
      %scan3A_57 = arith.constant 8 : i32
    }
    %scan3A_8 = arith.constant 158 : i32
    %scan3A_9 = arith.constant 0 : i32
    %scan3A_10 = arith.constant 128 : i32
    %scan3A_11 = arith.addi %scan3A_9, %scan3A_10 : i32
    %scan3A_12 = arith.constant 1 : i32
    scf.for %scan3A_48 = %scan3A_9 to %scan3A_11 step %scan3A_12  : i32 {
      %mul3A_49 = arith.constant 1 : i32
      %mul3A_50 = arith.muli %scan3A_48, %mul3A_49 : i32
      %add3A_51 = arith.constant 0 : i32
      %add3A_52 = arith.addi %add3A_51, %mul3A_50 : i32
      %scan3A_53 = arith.constant 0 : i32
      %scan3A_54 = arith.constant 5 : i32
      %scan3A_55 = arith.addi %scan3A_53, %scan3A_54 : i32
      %scan3A_56 = arith.constant 1 : i32
      scf.for %scan3A_58 = %scan3A_53 to %scan3A_55 step %scan3A_56  : i32 {
        %mul3A_59 = arith.constant 16 : i32
        %mul3A_60 = arith.muli %scan3A_58, %mul3A_59 : i32
        %add3A_61 = arith.constant 0 : i32
        %add3A_62 = arith.addi %add3A_61, %mul3A_60 : i32
        %broadcast_in_dim3A = arith.constant 0.000000e+00 : f32
        %broadcast_in_dim3A_63 = vector.broadcast %broadcast_in_dim3A : f32 to vector<16xf32>
        %swap3A = arith.index_cast %add3A_52 : i32 to index
        %swap3A_64 = arith.index_cast %add3A_62 : i32 to index
        %swap3A_65 = tpu.vector_load %arg8[%swap3A, %swap3A_64] {strides = array<i32>} : memref<128x80xf32, #tpu.memory_space<vmem>>, vector<1x16xf32>,
        %swap3A_66 = vector.shape_cast %swap3A_65 : vector<1x16xf32> to vector<16xf32>
        %swap3A_67 = vector.shape_cast %broadcast_in_dim3A_63 : vector<16xf32> to vector<1x16xf32>
        tpu.vector_store %arg8[%swap3A, %swap3A_64], %swap3A_67 {strides = array<i32>} : memref<128x80xf32, #tpu.memory_space<vmem>>, vector<1x16xf32>,
      }
      %scan3A_57 = arith.constant 5 : i32
    }
    %scan3A_13 = arith.constant 128 : i32
    %mul3A_14 = arith.constant 640 : i32
    %mul3A_15 = arith.muli %arg1, %mul3A_14 : i32
    %add3A = arith.constant 0 : i32
    %add3A_16 = arith.addi %mul3A_15, %add3A : i32
    "tpu.region"() ({
      %run_scoped3A = tpu.sem_alloc : memref<!tpu.dma_semaphore, #tpu.memory_space<semaphore_mem>>
      %dma_start3A_48 = arith.constant 0 : i32
      %dma_start3A_49 = tpu.memref_slice %arg10[%add3A_16, %dma_start3A_48] : memref<10240x80xf32, #tpu.memory_space<vmem_shared>> -> memref<128x80xf32, #tpu.memory_space<vmem_shared>>
      %dma_start3A_50 = arith.constant 0 : i32
      %dma_start3A_51 = tpu.memref_slice %arg10[%add3A_16, %dma_start3A_50] : memref<10240x80xf32, #tpu.memory_space<vmem_shared>> -> memref<128x80xf32, #tpu.memory_space<vmem_shared>>
      tpu.enqueue_dma source(%arg8 : memref<128x80xf32, #tpu.memory_space<vmem>>) target(%dma_start3A_51 : memref<128x80xf32, #tpu.memory_space<vmem_shared>>) target_semaphore(%run_scoped3A : memref<!tpu.dma_semaphore, #tpu.memory_space<semaphore_mem>>)
      %dma_wait3A = arith.constant 0 : i32
      %dma_wait3A_52 = tpu.memref_slice %arg10[%add3A_16, %dma_wait3A] : memref<10240x80xf32, #tpu.memory_space<vmem_shared>> -> memref<128x80xf32, #tpu.memory_space<vmem_shared>>
      %dma_wait3A_53 = arith.constant 0 : i32
      %dma_wait3A_54 = tpu.memref_slice %arg10[%add3A_16, %dma_wait3A_53] : memref<10240x80xf32, #tpu.memory_space<vmem_shared>> -> memref<128x80xf32, #tpu.memory_space<vmem_shared>>
      tpu.wait_dma2 semaphore(%run_scoped3A : memref<!tpu.dma_semaphore, #tpu.memory_space<semaphore_mem>>) src(%arg8 : memref<128x80xf32, #tpu.memory_space<vmem>>) dst(%dma_wait3A_54 : memref<128x80xf32, #tpu.memory_space<vmem_shared>>)
      tpu.yield
    }) : () -> ()
    %add3A_17 = arith.constant 128 : i32
    %add3A_18 = arith.addi %mul3A_15, %add3A_17 : i32
    "tpu.region"() ({
      %run_scoped3A = tpu.sem_alloc : memref<!tpu.dma_semaphore, #tpu.memory_space<semaphore_mem>>
      %dma_start3A_48 = arith.constant 0 : i32
      %dma_start3A_49 = tpu.memref_slice %arg10[%add3A_18, %dma_start3A_48] : memref<10240x80xf32, #tpu.memory_space<vmem_shared>> -> memref<128x80xf32, #tpu.memory_space<vmem_shared>>
      %dma_start3A_50 = arith.constant 0 : i32
      %dma_start3A_51 = tpu.memref_slice %arg10[%add3A_18, %dma_start3A_50] : memref<10240x80xf32, #tpu.memory_space<vmem_shared>> -> memref<128x80xf32, #tpu.memory_space<vmem_shared>>
      tpu.enqueue_dma source(%arg8 : memref<128x80xf32, #tpu.memory_space<vmem>>) target(%dma_start3A_51 : memref<128x80xf32, #tpu.memory_space<vmem_shared>>) target_semaphore(%run_scoped3A : memref<!tpu.dma_semaphore, #tpu.memory_space<semaphore_mem>>)
      %dma_wait3A = arith.constant 0 : i32
      %dma_wait3A_52 = tpu.memref_slice %arg10[%add3A_18, %dma_wait3A] : memref<10240x80xf32, #tpu.memory_space<vmem_shared>> -> memref<128x80xf32, #tpu.memory_space<vmem_shared>>
      %dma_wait3A_53 = arith.constant 0 : i32
      %dma_wait3A_54 = tpu.memref_slice %arg10[%add3A_18, %dma_wait3A_53] : memref<10240x80xf32, #tpu.memory_space<vmem_shared>> -> memref<128x80xf32, #tpu.memory_space<vmem_shared>>
      tpu.wait_dma2 semaphore(%run_scoped3A : memref<!tpu.dma_semaphore, #tpu.memory_space<semaphore_mem>>) src(%arg8 : memref<128x80xf32, #tpu.memory_space<vmem>>) dst(%dma_wait3A_54 : memref<128x80xf32, #tpu.memory_space<vmem_shared>>)
      tpu.yield
    }) : () -> ()
    %add3A_19 = arith.constant 256 : i32
    %add3A_20 = arith.addi %mul3A_15, %add3A_19 : i32
    "tpu.region"() ({
      %run_scoped3A = tpu.sem_alloc : memref<!tpu.dma_semaphore, #tpu.memory_space<semaphore_mem>>
      %dma_start3A_48 = arith.constant 0 : i32
      %dma_start3A_49 = tpu.memref_slice %arg10[%add3A_20, %dma_start3A_48] : memref<10240x80xf32, #tpu.memory_space<vmem_shared>> -> memref<128x80xf32, #tpu.memory_space<vmem_shared>>
      %dma_start3A_50 = arith.constant 0 : i32
      %dma_start3A_51 = tpu.memref_slice %arg10[%add3A_20, %dma_start3A_50] : memref<10240x80xf32, #tpu.memory_space<vmem_shared>> -> memref<128x80xf32, #tpu.memory_space<vmem_shared>>
      tpu.enqueue_dma source(%arg8 : memref<128x80xf32, #tpu.memory_space<vmem>>) target(%dma_start3A_51 : memref<128x80xf32, #tpu.memory_space<vmem_shared>>) target_semaphore(%run_scoped3A : memref<!tpu.dma_semaphore, #tpu.memory_space<semaphore_mem>>)
      %dma_wait3A = arith.constant 0 : i32
      %dma_wait3A_52 = tpu.memref_slice %arg10[%add3A_20, %dma_wait3A] : memref<10240x80xf32, #tpu.memory_space<vmem_shared>> -> memref<128x80xf32, #tpu.memory_space<vmem_shared>>
      %dma_wait3A_53 = arith.constant 0 : i32
      %dma_wait3A_54 = tpu.memref_slice %arg10[%add3A_20, %dma_wait3A_53] : memref<10240x80xf32, #tpu.memory_space<vmem_shared>> -> memref<128x80xf32, #tpu.memory_space<vmem_shared>>
      tpu.wait_dma2 semaphore(%run_scoped3A : memref<!tpu.dma_semaphore, #tpu.memory_space<semaphore_mem>>) src(%arg8 : memref<128x80xf32, #tpu.memory_space<vmem>>) dst(%dma_wait3A_54 : memref<128x80xf32, #tpu.memory_space<vmem_shared>>)
      tpu.yield
    }) : () -> ()
    %add3A_21 = arith.constant 384 : i32
    %add3A_22 = arith.addi %mul3A_15, %add3A_21 : i32
    "tpu.region"() ({
      %run_scoped3A = tpu.sem_alloc : memref<!tpu.dma_semaphore, #tpu.memory_space<semaphore_mem>>
      %dma_start3A_48 = arith.constant 0 : i32
      %dma_start3A_49 = tpu.memref_slice %arg10[%add3A_22, %dma_start3A_48] : memref<10240x80xf32, #tpu.memory_space<vmem_shared>> -> memref<128x80xf32, #tpu.memory_space<vmem_shared>>
      %dma_start3A_50 = arith.constant 0 : i32
      %dma_start3A_51 = tpu.memref_slice %arg10[%add3A_22, %dma_start3A_50] : memref<10240x80xf32, #tpu.memory_space<vmem_shared>> -> memref<128x80xf32, #tpu.memory_space<vmem_shared>>
      tpu.enqueue_dma source(%arg8 : memref<128x80xf32, #tpu.memory_space<vmem>>) target(%dma_start3A_51 : memref<128x80xf32, #tpu.memory_space<vmem_shared>>) target_semaphore(%run_scoped3A : memref<!tpu.dma_semaphore, #tpu.memory_space<semaphore_mem>>)
      %dma_wait3A = arith.constant 0 : i32
      %dma_wait3A_52 = tpu.memref_slice %arg10[%add3A_22, %dma_wait3A] : memref<10240x80xf32, #tpu.memory_space<vmem_shared>> -> memref<128x80xf32, #tpu.memory_space<vmem_shared>>
      %dma_wait3A_53 = arith.constant 0 : i32
      %dma_wait3A_54 = tpu.memref_slice %arg10[%add3A_22, %dma_wait3A_53] : memref<10240x80xf32, #tpu.memory_space<vmem_shared>> -> memref<128x80xf32, #tpu.memory_space<vmem_shared>>
      tpu.wait_dma2 semaphore(%run_scoped3A : memref<!tpu.dma_semaphore, #tpu.memory_space<semaphore_mem>>) src(%arg8 : memref<128x80xf32, #tpu.memory_space<vmem>>) dst(%dma_wait3A_54 : memref<128x80xf32, #tpu.memory_space<vmem_shared>>)
      tpu.yield
    }) : () -> ()
    %add3A_23 = arith.constant 512 : i32
    %add3A_24 = arith.addi %mul3A_15, %add3A_23 : i32
    "tpu.region"() ({
      %run_scoped3A = tpu.sem_alloc : memref<!tpu.dma_semaphore, #tpu.memory_space<semaphore_mem>>
      %dma_start3A_48 = arith.constant 0 : i32
      %dma_start3A_49 = tpu.memref_slice %arg10[%add3A_24, %dma_start3A_48] : memref<10240x80xf32, #tpu.memory_space<vmem_shared>> -> memref<128x80xf32, #tpu.memory_space<vmem_shared>>
      %dma_start3A_50 = arith.constant 0 : i32
      %dma_start3A_51 = tpu.memref_slice %arg10[%add3A_24, %dma_start3A_50] : memref<10240x80xf32, #tpu.memory_space<vmem_shared>> -> memref<128x80xf32, #tpu.memory_space<vmem_shared>>
      tpu.enqueue_dma source(%arg8 : memref<128x80xf32, #tpu.memory_space<vmem>>) target(%dma_start3A_51 : memref<128x80xf32, #tpu.memory_space<vmem_shared>>) target_semaphore(%run_scoped3A : memref<!tpu.dma_semaphore, #tpu.memory_space<semaphore_mem>>)
      %dma_wait3A = arith.constant 0 : i32
      %dma_wait3A_52 = tpu.memref_slice %arg10[%add3A_24, %dma_wait3A] : memref<10240x80xf32, #tpu.memory_space<vmem_shared>> -> memref<128x80xf32, #tpu.memory_space<vmem_shared>>
      %dma_wait3A_53 = arith.constant 0 : i32
      %dma_wait3A_54 = tpu.memref_slice %arg10[%add3A_24, %dma_wait3A_53] : memref<10240x80xf32, #tpu.memory_space<vmem_shared>> -> memref<128x80xf32, #tpu.memory_space<vmem_shared>>
      tpu.wait_dma2 semaphore(%run_scoped3A : memref<!tpu.dma_semaphore, #tpu.memory_space<semaphore_mem>>) src(%arg8 : memref<128x80xf32, #tpu.memory_space<vmem>>) dst(%dma_wait3A_54 : memref<128x80xf32, #tpu.memory_space<vmem_shared>>)
      tpu.yield
    }) : () -> ()
    %barrier3A = arith.constant 0 : index
    tpu.barrier barrier_id(%barrier3A)
    %dma_start3A = arith.constant 0 : i32
    %dma_start3A_25 = arith.constant 0 : i32
    %dma_start3A_26 = tpu.memref_slice %arg6[%dma_start3A, %dma_start3A_25] : memref<158x128xi32, #tpu.memory_space<vmem>> -> memref<1x128xi32, #tpu.memory_space<vmem>>
    %dma_start3A_27 = tpu.memref_squeeze %dma_start3A_26 : memref<1x128xi32, #tpu.memory_space<vmem>> -> memref<128xi32, #tpu.memory_space<vmem>>
    %dma_start3A_28 = arith.constant 0 : i32
    %dma_start3A_29 = arith.constant 0 : i32
    %dma_start3A_30 = tpu.memref_slice %arg2[%dma_start3A_28, %dma_start3A_29] : memref<20000x80xf32, #tpu.memory_space<hbm>> -> memref<20000x80xf32, #tpu.memory_space<hbm>>
    tpu.enqueue_indirect_dma source(%dma_start3A_30 : memref<20000x80xf32, #tpu.memory_space<hbm>>) target(%arg8 : memref<128x80xf32, #tpu.memory_space<vmem>>) offsets(%dma_start3A_27 : memref<128xi32, #tpu.memory_space<vmem>>) semaphore(%arg11 : memref<!tpu.dma_semaphore, #tpu.memory_space<semaphore_mem>>)
    %dma_start3A_31 = arith.constant 1 : i32
    %dma_start3A_32 = arith.constant 0 : i32
    %dma_start3A_33 = tpu.memref_slice %arg6[%dma_start3A_31, %dma_start3A_32] : memref<158x128xi32, #tpu.memory_space<vmem>> -> memref<1x128xi32, #tpu.memory_space<vmem>>
    %dma_start3A_34 = tpu.memref_squeeze %dma_start3A_33 : memref<1x128xi32, #tpu.memory_space<vmem>> -> memref<128xi32, #tpu.memory_space<vmem>>
    %dma_start3A_35 = arith.constant 0 : i32
    %dma_start3A_36 = arith.constant 0 : i32
    %dma_start3A_37 = tpu.memref_slice %arg2[%dma_start3A_35, %dma_start3A_36] : memref<20000x80xf32, #tpu.memory_space<hbm>> -> memref<20000x80xf32, #tpu.memory_space<hbm>>
    tpu.enqueue_indirect_dma source(%dma_start3A_37 : memref<20000x80xf32, #tpu.memory_space<hbm>>) target(%arg9 : memref<128x80xf32, #tpu.memory_space<vmem>>) offsets(%dma_start3A_34 : memref<128xi32, #tpu.memory_space<vmem>>) semaphore(%arg12 : memref<!tpu.dma_semaphore, #tpu.memory_space<semaphore_mem>>)
    %scan3A_38 = arith.constant 0 : i32
    %scan3A_39 = arith.constant 79 : i32
    %scan3A_40 = arith.addi %scan3A_38, %scan3A_39 : i32
    %scan3A_41 = arith.constant 1 : i32
    scf.for %scan3A_48 = %scan3A_38 to %scan3A_40 step %scan3A_41  : i32 {
      %mul3A_49 = arith.constant 2 : i32
      %mul3A_50 = arith.muli %scan3A_48, %mul3A_49 : i32
      %add3A_51 = arith.constant 0 : i32
      %add3A_52 = arith.addi %add3A_51, %mul3A_50 : i32
      %dma_wait3A = arith.constant 0 : i32
      %dma_wait3A_53 = arith.constant 0 : i32
      %dma_wait3A_54 = tpu.memref_slice %arg6[%dma_wait3A, %dma_wait3A_53] : memref<158x128xi32, #tpu.memory_space<vmem>> -> memref<1x128xi32, #tpu.memory_space<vmem>>
      %dma_wait3A_55 = tpu.memref_squeeze %dma_wait3A_54 : memref<1x128xi32, #tpu.memory_space<vmem>> -> memref<128xi32, #tpu.memory_space<vmem>>
      %dma_wait3A_56 = arith.constant 0 : i32
      %dma_wait3A_57 = arith.constant 0 : i32
      %dma_wait3A_58 = tpu.memref_slice %arg2[%dma_wait3A_56, %dma_wait3A_57] : memref<20000x80xf32, #tpu.memory_space<hbm>> -> memref<20000x80xf32, #tpu.memory_space<hbm>>
      tpu.wait_indirect_dma semaphore(%arg11 : memref<!tpu.dma_semaphore, #tpu.memory_space<semaphore_mem>>) src(%dma_wait3A_58 : memref<20000x80xf32, #tpu.memory_space<hbm>>) dst(%arg8 : memref<128x80xf32, #tpu.memory_space<vmem>>)
      "tpu.region"() ({
        %run_scoped3A = tpu.sem_alloc : memref<!tpu.dma_semaphore, #tpu.memory_space<semaphore_mem>>
        %dma_start3A_77 = arith.constant 0 : i32
        %dma_start3A_78 = tpu.memref_slice %arg7[%add3A_52, %dma_start3A_77] : memref<158x128xi32, #tpu.memory_space<vmem>> -> memref<1x128xi32, #tpu.memory_space<vmem>>
        %dma_start3A_79 = tpu.memref_squeeze %dma_start3A_78 : memref<1x128xi32, #tpu.memory_space<vmem>> -> memref<128xi32, #tpu.memory_space<vmem>>
        %dma_start3A_80 = arith.constant 0 : i32
        %dma_start3A_81 = arith.constant 0 : i32
        %dma_start3A_82 = tpu.memref_slice %arg10[%dma_start3A_80, %dma_start3A_81] : memref<10240x80xf32, #tpu.memory_space<vmem_shared>> -> memref<10240x80xf32, #tpu.memory_space<vmem_shared>>
        tpu.enqueue_indirect_dma source(%arg8 : memref<128x80xf32, #tpu.memory_space<vmem>>) target(%dma_start3A_82 : memref<10240x80xf32, #tpu.memory_space<vmem_shared>>) offsets(%dma_start3A_79 : memref<128xi32, #tpu.memory_space<vmem>>) semaphore(%run_scoped3A : memref<!tpu.dma_semaphore, #tpu.memory_space<semaphore_mem>>) {add = true}
        %dma_wait3A_83 = arith.constant 0 : i32
        %dma_wait3A_84 = tpu.memref_slice %arg7[%add3A_52, %dma_wait3A_83] : memref<158x128xi32, #tpu.memory_space<vmem>> -> memref<1x128xi32, #tpu.memory_space<vmem>>
        %dma_wait3A_85 = tpu.memref_squeeze %dma_wait3A_84 : memref<1x128xi32, #tpu.memory_space<vmem>> -> memref<128xi32, #tpu.memory_space<vmem>>
        %dma_wait3A_86 = arith.constant 0 : i32
        %dma_wait3A_87 = arith.constant 0 : i32
        %dma_wait3A_88 = tpu.memref_slice %arg10[%dma_wait3A_86, %dma_wait3A_87] : memref<10240x80xf32, #tpu.memory_space<vmem_shared>> -> memref<10240x80xf32, #tpu.memory_space<vmem_shared>>
        tpu.wait_indirect_dma semaphore(%run_scoped3A : memref<!tpu.dma_semaphore, #tpu.memory_space<semaphore_mem>>) src(%arg8 : memref<128x80xf32, #tpu.memory_space<vmem>>) dst(%dma_wait3A_88 : memref<10240x80xf32, #tpu.memory_space<vmem_shared>>)
        tpu.yield
      }) : () -> ()
      %add3A_59 = arith.constant 2 : i32
      %add3A_60 = arith.addi %add3A_52, %add3A_59 : i32
      %lt3A = arith.constant 158 : i32
      %lt3A_61 = arith.cmpi slt, %add3A_60, %lt3A : i32
      %convert_element_type3A = arith.extui %lt3A_61 : i1 to i32
      %cond3A = arith.constant 0 : i32
      %cond3A_62 = arith.cmpi ne, %convert_element_type3A, %cond3A : i32
      scf.if %cond3A_62 {
        %add3A_77 = arith.constant 2 : i32
        %add3A_78 = arith.addi %add3A_52, %add3A_77 : i32
        %dma_start3A_79 = arith.constant 0 : i32
        %dma_start3A_80 = tpu.memref_slice %arg6[%add3A_78, %dma_start3A_79] : memref<158x128xi32, #tpu.memory_space<vmem>> -> memref<1x128xi32, #tpu.memory_space<vmem>>
        %dma_start3A_81 = tpu.memref_squeeze %dma_start3A_80 : memref<1x128xi32, #tpu.memory_space<vmem>> -> memref<128xi32, #tpu.memory_space<vmem>>
        %dma_start3A_82 = arith.constant 0 : i32
        %dma_start3A_83 = arith.constant 0 : i32
        %dma_start3A_84 = tpu.memref_slice %arg2[%dma_start3A_82, %dma_start3A_83] : memref<20000x80xf32, #tpu.memory_space<hbm>> -> memref<20000x80xf32, #tpu.memory_space<hbm>>
        tpu.enqueue_indirect_dma source(%dma_start3A_84 : memref<20000x80xf32, #tpu.memory_space<hbm>>) target(%arg8 : memref<128x80xf32, #tpu.memory_space<vmem>>) offsets(%dma_start3A_81 : memref<128xi32, #tpu.memory_space<vmem>>) semaphore(%arg11 : memref<!tpu.dma_semaphore, #tpu.memory_space<semaphore_mem>>)
      } else {
      }
      %add3A_63 = arith.constant 1 : i32
      %add3A_64 = arith.addi %add3A_52, %add3A_63 : i32
      %lt3A_65 = arith.constant 158 : i32
      %lt3A_66 = arith.cmpi slt, %add3A_64, %lt3A_65 : i32
      %convert_element_type3A_67 = arith.extui %lt3A_66 : i1 to i32
      %cond3A_68 = arith.constant 0 : i32
      %cond3A_69 = arith.cmpi ne, %convert_element_type3A_67, %cond3A_68 : i32
      scf.if %cond3A_69 {
        %dma_wait3A_77 = arith.constant 0 : i32
        %dma_wait3A_78 = arith.constant 0 : i32
        %dma_wait3A_79 = tpu.memref_slice %arg6[%dma_wait3A_77, %dma_wait3A_78] : memref<158x128xi32, #tpu.memory_space<vmem>> -> memref<1x128xi32, #tpu.memory_space<vmem>>
        %dma_wait3A_80 = tpu.memref_squeeze %dma_wait3A_79 : memref<1x128xi32, #tpu.memory_space<vmem>> -> memref<128xi32, #tpu.memory_space<vmem>>
        %dma_wait3A_81 = arith.constant 0 : i32
        %dma_wait3A_82 = arith.constant 0 : i32
        %dma_wait3A_83 = tpu.memref_slice %arg2[%dma_wait3A_81, %dma_wait3A_82] : memref<20000x80xf32, #tpu.memory_space<hbm>> -> memref<20000x80xf32, #tpu.memory_space<hbm>>
        tpu.wait_indirect_dma semaphore(%arg12 : memref<!tpu.dma_semaphore, #tpu.memory_space<semaphore_mem>>) src(%dma_wait3A_83 : memref<20000x80xf32, #tpu.memory_space<hbm>>) dst(%arg9 : memref<128x80xf32, #tpu.memory_space<vmem>>)
        %add3A_84 = arith.constant 1 : i32
        %add3A_85 = arith.addi %add3A_52, %add3A_84 : i32
        "tpu.region"() ({
          %run_scoped3A = tpu.sem_alloc : memref<!tpu.dma_semaphore, #tpu.memory_space<semaphore_mem>>
          %dma_start3A_86 = arith.constant 0 : i32
          %dma_start3A_87 = tpu.memref_slice %arg7[%add3A_85, %dma_start3A_86] : memref<158x128xi32, #tpu.memory_space<vmem>> -> memref<1x128xi32, #tpu.memory_space<vmem>>
          %dma_start3A_88 = tpu.memref_squeeze %dma_start3A_87 : memref<1x128xi32, #tpu.memory_space<vmem>> -> memref<128xi32, #tpu.memory_space<vmem>>
          %dma_start3A_89 = arith.constant 0 : i32
          %dma_start3A_90 = arith.constant 0 : i32
          %dma_start3A_91 = tpu.memref_slice %arg10[%dma_start3A_89, %dma_start3A_90] : memref<10240x80xf32, #tpu.memory_space<vmem_shared>> -> memref<10240x80xf32, #tpu.memory_space<vmem_shared>>
          tpu.enqueue_indirect_dma source(%arg9 : memref<128x80xf32, #tpu.memory_space<vmem>>) target(%dma_start3A_91 : memref<10240x80xf32, #tpu.memory_space<vmem_shared>>) offsets(%dma_start3A_88 : memref<128xi32, #tpu.memory_space<vmem>>) semaphore(%run_scoped3A : memref<!tpu.dma_semaphore, #tpu.memory_space<semaphore_mem>>) {add = true}
          %dma_wait3A_92 = arith.constant 0 : i32
          %dma_wait3A_93 = tpu.memref_slice %arg7[%add3A_85, %dma_wait3A_92] : memref<158x128xi32, #tpu.memory_space<vmem>> -> memref<1x128xi32, #tpu.memory_space<vmem>>
          %dma_wait3A_94 = tpu.memref_squeeze %dma_wait3A_93 : memref<1x128xi32, #tpu.memory_space<vmem>> -> memref<128xi32, #tpu.memory_space<vmem>>
          %dma_wait3A_95 = arith.constant 0 : i32
          %dma_wait3A_96 = arith.constant 0 : i32
          %dma_wait3A_97 = tpu.memref_slice %arg10[%dma_wait3A_95, %dma_wait3A_96] : memref<10240x80xf32, #tpu.memory_space<vmem_shared>> -> memref<10240x80xf32, #tpu.memory_space<vmem_shared>>
          tpu.wait_indirect_dma semaphore(%run_scoped3A : memref<!tpu.dma_semaphore, #tpu.memory_space<semaphore_mem>>) src(%arg9 : memref<128x80xf32, #tpu.memory_space<vmem>>) dst(%dma_wait3A_97 : memref<10240x80xf32, #tpu.memory_space<vmem_shared>>)
          tpu.yield
        }) : () -> ()
      } else {
      }
      %add3A_70 = arith.constant 3 : i32
      %add3A_71 = arith.addi %add3A_52, %add3A_70 : i32
      %lt3A_72 = arith.constant 158 : i32
      %lt3A_73 = arith.cmpi slt, %add3A_71, %lt3A_72 : i32
      %convert_element_type3A_74 = arith.extui %lt3A_73 : i1 to i32
      %cond3A_75 = arith.constant 0 : i32
      %cond3A_76 = arith.cmpi ne, %convert_element_type3A_74, %cond3A_75 : i32
      scf.if %cond3A_76 {
        %add3A_77 = arith.constant 3 : i32
        %add3A_78 = arith.addi %add3A_52, %add3A_77 : i32
        %dma_start3A_79 = arith.constant 0 : i32
        %dma_start3A_80 = tpu.memref_slice %arg6[%add3A_78, %dma_start3A_79] : memref<158x128xi32, #tpu.memory_space<vmem>> -> memref<1x128xi32, #tpu.memory_space<vmem>>
        %dma_start3A_81 = tpu.memref_squeeze %dma_start3A_80 : memref<1x128xi32, #tpu.memory_space<vmem>> -> memref<128xi32, #tpu.memory_space<vmem>>
        %dma_start3A_82 = arith.constant 0 : i32
        %dma_start3A_83 = arith.constant 0 : i32
        %dma_start3A_84 = tpu.memref_slice %arg2[%dma_start3A_82, %dma_start3A_83] : memref<20000x80xf32, #tpu.memory_space<hbm>> -> memref<20000x80xf32, #tpu.memory_space<hbm>>
        tpu.enqueue_indirect_dma source(%dma_start3A_84 : memref<20000x80xf32, #tpu.memory_space<hbm>>) target(%arg9 : memref<128x80xf32, #tpu.memory_space<vmem>>) offsets(%dma_start3A_81 : memref<128xi32, #tpu.memory_space<vmem>>) semaphore(%arg12 : memref<!tpu.dma_semaphore, #tpu.memory_space<semaphore_mem>>)
      } else {
      }
    }
    %scan3A_42 = arith.constant 79 : i32
    %barrier3A_43 = arith.constant 0 : index
    tpu.barrier barrier_id(%barrier3A_43)
    %mul3A_44 = arith.constant 640 : i32
    %mul3A_45 = arith.muli %arg1, %mul3A_44 : i32
    %mul3A_46 = arith.constant 640 : i32
    %mul3A_47 = arith.muli %arg1, %mul3A_46 : i32
    "tpu.region"() ({
      %run_scoped3A = tpu.sem_alloc : memref<!tpu.dma_semaphore, #tpu.memory_space<semaphore_mem>>
      %dma_start3A_48 = arith.constant 0 : i32
      %dma_start3A_49 = tpu.memref_slice %arg5[%arg0, %mul3A_47, %dma_start3A_48] : memref<2x10240x80xf32, #tpu.memory_space<hbm>> -> memref<1x640x80xf32, #tpu.memory_space<hbm>>
      %dma_start3A_50 = tpu.memref_squeeze %dma_start3A_49 : memref<1x640x80xf32, #tpu.memory_space<hbm>> -> memref<640x80xf32, #tpu.memory_space<hbm>>
      %dma_start3A_51 = arith.constant 0 : i32
      %dma_start3A_52 = tpu.memref_slice %arg10[%mul3A_45, %dma_start3A_51] : memref<10240x80xf32, #tpu.memory_space<vmem_shared>> -> memref<640x80xf32, #tpu.memory_space<vmem_shared>>
      tpu.enqueue_dma source(%dma_start3A_52 : memref<640x80xf32, #tpu.memory_space<vmem_shared>>) target(%dma_start3A_50 : memref<640x80xf32, #tpu.memory_space<hbm>>) target_semaphore(%run_scoped3A : memref<!tpu.dma_semaphore, #tpu.memory_space<semaphore_mem>>)
      %dma_wait3A = arith.constant 0 : i32
      %dma_wait3A_53 = tpu.memref_slice %arg5[%arg0, %mul3A_47, %dma_wait3A] : memref<2x10240x80xf32, #tpu.memory_space<hbm>> -> memref<1x640x80xf32, #tpu.memory_space<hbm>>
      %dma_wait3A_54 = tpu.memref_squeeze %dma_wait3A_53 : memref<1x640x80xf32, #tpu.memory_space<hbm>> -> memref<640x80xf32, #tpu.memory_space<hbm>>
      %dma_wait3A_55 = arith.constant 0 : i32
      %dma_wait3A_56 = tpu.memref_slice %arg10[%mul3A_45, %dma_wait3A_55] : memref<10240x80xf32, #tpu.memory_space<vmem_shared>> -> memref<640x80xf32, #tpu.memory_space<vmem_shared>>
      tpu.wait_dma2 semaphore(%run_scoped3A : memref<!tpu.dma_semaphore, #tpu.memory_space<semaphore_mem>>) src(%dma_wait3A_56 : memref<640x80xf32, #tpu.memory_space<vmem_shared>>) dst(%dma_wait3A_54 : memref<640x80xf32, #tpu.memory_space<hbm>>)
      tpu.yield
    }) : () -> ()
    return
  }
}

#map = affine_map<(d0, d1) -> (0, 0)>
#map1 = affine_map<(d0, d1) -> (0, 0, 0)>
module attributes {stable_mosaic.version = 14 : i64} {
  func.func @k(%arg0: i32, %arg1: i32, %arg2: memref<2528x128xi32, #tpu.memory_space<hbm>>, %arg3: memref<2x10240x16xf32, #tpu.memory_space<hbm>>, %arg4: memref<79x128xi32, #tpu.memory_space<vmem>>, %arg5: memref<128x16xf32, #tpu.memory_space<vmem>>, %arg6: memref<80x16xf32, #tpu.memory_space<vmem>>, %arg7: memref<10240x16xf32, #tpu.memory_space<vmem_shared>>, %arg8: memref<!tpu.dma_semaphore, #tpu.memory_space<semaphore_mem>>) attributes {dimension_semantics = [#tpu.dimension_semantics<core_parallel>, #tpu.dimension_semantics<subcore_parallel>], iteration_bounds = array<i64: 2, 16>, scalar_prefetch = 0 : i64, scratch_operands = 5 : i64, tpu.core_type = #tpu.core_type<sc_vector_subcore>, window_params = [{transform_indices = #map}, {transform_indices = #map1}]} {
    %mul3A = arith.constant 16 : i32
    %mul3A_0 = arith.muli %arg0, %mul3A : i32
    %add3A = arith.addi %mul3A_0, %arg1 : i32
    %scan3A = arith.constant 0 : i32
    %scan3A_1 = arith.constant 128 : i32
    %scan3A_2 = arith.addi %scan3A, %scan3A_1 : i32
    %scan3A_3 = arith.constant 1 : i32
    scf.for %scan3A_45 = %scan3A to %scan3A_2 step %scan3A_3  : i32 {
      %mul3A_46 = arith.constant 1 : i32
      %mul3A_47 = arith.muli %scan3A_45, %mul3A_46 : i32
      %add3A_48 = arith.constant 0 : i32
      %add3A_49 = arith.addi %add3A_48, %mul3A_47 : i32
      %scan3A_50 = arith.constant 0 : i32
      %mul3A_51 = arith.constant 16 : i32
      %mul3A_52 = arith.muli %scan3A_50, %mul3A_51 : i32
      %add3A_53 = arith.constant 0 : i32
      %add3A_54 = arith.addi %add3A_53, %mul3A_52 : i32
      %broadcast_in_dim3A = arith.constant 1.000000e+00 : f32
      %broadcast_in_dim3A_55 = vector.broadcast %broadcast_in_dim3A : f32 to vector<16xf32>
      %swap3A = arith.index_cast %add3A_49 : i32 to index
      %swap3A_56 = arith.index_cast %add3A_54 : i32 to index
      %swap3A_57 = tpu.vector_load %arg5[%swap3A, %swap3A_56] {strides = array<i32>} : memref<128x16xf32, #tpu.memory_space<vmem>>, vector<1x16xf32>,
      %swap3A_58 = vector.shape_cast %swap3A_57 : vector<1x16xf32> to vector<16xf32>
      %swap3A_59 = vector.shape_cast %broadcast_in_dim3A_55 : vector<16xf32> to vector<1x16xf32>
      tpu.vector_store %arg5[%swap3A, %swap3A_56], %swap3A_59 {strides = array<i32>} : memref<128x16xf32, #tpu.memory_space<vmem>>, vector<1x16xf32>,
      %scan3A_60 = arith.constant 1 : i32
    }
    %scan3A_4 = arith.constant 128 : i32
    %scan3A_5 = arith.constant 0 : i32
    %scan3A_6 = arith.constant 80 : i32
    %scan3A_7 = arith.addi %scan3A_5, %scan3A_6 : i32
    %scan3A_8 = arith.constant 1 : i32
    scf.for %scan3A_45 = %scan3A_5 to %scan3A_7 step %scan3A_8  : i32 {
      %mul3A_46 = arith.constant 1 : i32
      %mul3A_47 = arith.muli %scan3A_45, %mul3A_46 : i32
      %add3A_48 = arith.constant 0 : i32
      %add3A_49 = arith.addi %add3A_48, %mul3A_47 : i32
      %scan3A_50 = arith.constant 0 : i32
      %mul3A_51 = arith.constant 16 : i32
      %mul3A_52 = arith.muli %scan3A_50, %mul3A_51 : i32
      %add3A_53 = arith.constant 0 : i32
      %add3A_54 = arith.addi %add3A_53, %mul3A_52 : i32
      %broadcast_in_dim3A = arith.constant 0.000000e+00 : f32
      %broadcast_in_dim3A_55 = vector.broadcast %broadcast_in_dim3A : f32 to vector<16xf32>
      %swap3A = arith.index_cast %add3A_49 : i32 to index
      %swap3A_56 = arith.index_cast %add3A_54 : i32 to index
      %swap3A_57 = tpu.vector_load %arg6[%swap3A, %swap3A_56] {strides = array<i32>} : memref<80x16xf32, #tpu.memory_space<vmem>>, vector<1x16xf32>,
      %swap3A_58 = vector.shape_cast %swap3A_57 : vector<1x16xf32> to vector<16xf32>
      %swap3A_59 = vector.shape_cast %broadcast_in_dim3A_55 : vector<16xf32> to vector<1x16xf32>
      tpu.vector_store %arg6[%swap3A, %swap3A_56], %swap3A_59 {strides = array<i32>} : memref<80x16xf32, #tpu.memory_space<vmem>>, vector<1x16xf32>,
      %scan3A_60 = arith.constant 1 : i32
    }
    %scan3A_9 = arith.constant 80 : i32
    %mul3A_10 = arith.constant 640 : i32
    %mul3A_11 = arith.muli %arg1, %mul3A_10 : i32
    %add3A_12 = arith.constant 0 : i32
    %add3A_13 = arith.addi %mul3A_11, %add3A_12 : i32
    "tpu.region"() ({
      %run_scoped3A = tpu.sem_alloc : memref<!tpu.dma_semaphore, #tpu.memory_space<semaphore_mem>>
      %dma_start3A = arith.constant 0 : i32
      %dma_start3A_45 = tpu.memref_slice %arg7[%add3A_13, %dma_start3A] : memref<10240x16xf32, #tpu.memory_space<vmem_shared>> -> memref<80x16xf32, #tpu.memory_space<vmem_shared>>
      %dma_start3A_46 = arith.constant 0 : i32
      %dma_start3A_47 = tpu.memref_slice %arg7[%add3A_13, %dma_start3A_46] : memref<10240x16xf32, #tpu.memory_space<vmem_shared>> -> memref<80x16xf32, #tpu.memory_space<vmem_shared>>
      tpu.enqueue_dma source(%arg6 : memref<80x16xf32, #tpu.memory_space<vmem>>) target(%dma_start3A_47 : memref<80x16xf32, #tpu.memory_space<vmem_shared>>) target_semaphore(%run_scoped3A : memref<!tpu.dma_semaphore, #tpu.memory_space<semaphore_mem>>)
      %dma_wait3A = arith.constant 0 : i32
      %dma_wait3A_48 = tpu.memref_slice %arg7[%add3A_13, %dma_wait3A] : memref<10240x16xf32, #tpu.memory_space<vmem_shared>> -> memref<80x16xf32, #tpu.memory_space<vmem_shared>>
      %dma_wait3A_49 = arith.constant 0 : i32
      %dma_wait3A_50 = tpu.memref_slice %arg7[%add3A_13, %dma_wait3A_49] : memref<10240x16xf32, #tpu.memory_space<vmem_shared>> -> memref<80x16xf32, #tpu.memory_space<vmem_shared>>
      tpu.wait_dma2 semaphore(%run_scoped3A : memref<!tpu.dma_semaphore, #tpu.memory_space<semaphore_mem>>) src(%arg6 : memref<80x16xf32, #tpu.memory_space<vmem>>) dst(%dma_wait3A_50 : memref<80x16xf32, #tpu.memory_space<vmem_shared>>)
      tpu.yield
    }) : () -> ()
    %add3A_14 = arith.constant 80 : i32
    %add3A_15 = arith.addi %mul3A_11, %add3A_14 : i32
    "tpu.region"() ({
      %run_scoped3A = tpu.sem_alloc : memref<!tpu.dma_semaphore, #tpu.memory_space<semaphore_mem>>
      %dma_start3A = arith.constant 0 : i32
      %dma_start3A_45 = tpu.memref_slice %arg7[%add3A_15, %dma_start3A] : memref<10240x16xf32, #tpu.memory_space<vmem_shared>> -> memref<80x16xf32, #tpu.memory_space<vmem_shared>>
      %dma_start3A_46 = arith.constant 0 : i32
      %dma_start3A_47 = tpu.memref_slice %arg7[%add3A_15, %dma_start3A_46] : memref<10240x16xf32, #tpu.memory_space<vmem_shared>> -> memref<80x16xf32, #tpu.memory_space<vmem_shared>>
      tpu.enqueue_dma source(%arg6 : memref<80x16xf32, #tpu.memory_space<vmem>>) target(%dma_start3A_47 : memref<80x16xf32, #tpu.memory_space<vmem_shared>>) target_semaphore(%run_scoped3A : memref<!tpu.dma_semaphore, #tpu.memory_space<semaphore_mem>>)
      %dma_wait3A = arith.constant 0 : i32
      %dma_wait3A_48 = tpu.memref_slice %arg7[%add3A_15, %dma_wait3A] : memref<10240x16xf32, #tpu.memory_space<vmem_shared>> -> memref<80x16xf32, #tpu.memory_space<vmem_shared>>
      %dma_wait3A_49 = arith.constant 0 : i32
      %dma_wait3A_50 = tpu.memref_slice %arg7[%add3A_15, %dma_wait3A_49] : memref<10240x16xf32, #tpu.memory_space<vmem_shared>> -> memref<80x16xf32, #tpu.memory_space<vmem_shared>>
      tpu.wait_dma2 semaphore(%run_scoped3A : memref<!tpu.dma_semaphore, #tpu.memory_space<semaphore_mem>>) src(%arg6 : memref<80x16xf32, #tpu.memory_space<vmem>>) dst(%dma_wait3A_50 : memref<80x16xf32, #tpu.memory_space<vmem_shared>>)
      tpu.yield
    }) : () -> ()
    %add3A_16 = arith.constant 160 : i32
    %add3A_17 = arith.addi %mul3A_11, %add3A_16 : i32
    "tpu.region"() ({
      %run_scoped3A = tpu.sem_alloc : memref<!tpu.dma_semaphore, #tpu.memory_space<semaphore_mem>>
      %dma_start3A = arith.constant 0 : i32
      %dma_start3A_45 = tpu.memref_slice %arg7[%add3A_17, %dma_start3A] : memref<10240x16xf32, #tpu.memory_space<vmem_shared>> -> memref<80x16xf32, #tpu.memory_space<vmem_shared>>
      %dma_start3A_46 = arith.constant 0 : i32
      %dma_start3A_47 = tpu.memref_slice %arg7[%add3A_17, %dma_start3A_46] : memref<10240x16xf32, #tpu.memory_space<vmem_shared>> -> memref<80x16xf32, #tpu.memory_space<vmem_shared>>
      tpu.enqueue_dma source(%arg6 : memref<80x16xf32, #tpu.memory_space<vmem>>) target(%dma_start3A_47 : memref<80x16xf32, #tpu.memory_space<vmem_shared>>) target_semaphore(%run_scoped3A : memref<!tpu.dma_semaphore, #tpu.memory_space<semaphore_mem>>)
      %dma_wait3A = arith.constant 0 : i32
      %dma_wait3A_48 = tpu.memref_slice %arg7[%add3A_17, %dma_wait3A] : memref<10240x16xf32, #tpu.memory_space<vmem_shared>> -> memref<80x16xf32, #tpu.memory_space<vmem_shared>>
      %dma_wait3A_49 = arith.constant 0 : i32
      %dma_wait3A_50 = tpu.memref_slice %arg7[%add3A_17, %dma_wait3A_49] : memref<10240x16xf32, #tpu.memory_space<vmem_shared>> -> memref<80x16xf32, #tpu.memory_space<vmem_shared>>
      tpu.wait_dma2 semaphore(%run_scoped3A : memref<!tpu.dma_semaphore, #tpu.memory_space<semaphore_mem>>) src(%arg6 : memref<80x16xf32, #tpu.memory_space<vmem>>) dst(%dma_wait3A_50 : memref<80x16xf32, #tpu.memory_space<vmem_shared>>)
      tpu.yield
    }) : () -> ()
    %add3A_18 = arith.constant 240 : i32
    %add3A_19 = arith.addi %mul3A_11, %add3A_18 : i32
    "tpu.region"() ({
      %run_scoped3A = tpu.sem_alloc : memref<!tpu.dma_semaphore, #tpu.memory_space<semaphore_mem>>
      %dma_start3A = arith.constant 0 : i32
      %dma_start3A_45 = tpu.memref_slice %arg7[%add3A_19, %dma_start3A] : memref<10240x16xf32, #tpu.memory_space<vmem_shared>> -> memref<80x16xf32, #tpu.memory_space<vmem_shared>>
      %dma_start3A_46 = arith.constant 0 : i32
      %dma_start3A_47 = tpu.memref_slice %arg7[%add3A_19, %dma_start3A_46] : memref<10240x16xf32, #tpu.memory_space<vmem_shared>> -> memref<80x16xf32, #tpu.memory_space<vmem_shared>>
      tpu.enqueue_dma source(%arg6 : memref<80x16xf32, #tpu.memory_space<vmem>>) target(%dma_start3A_47 : memref<80x16xf32, #tpu.memory_space<vmem_shared>>) target_semaphore(%run_scoped3A : memref<!tpu.dma_semaphore, #tpu.memory_space<semaphore_mem>>)
      %dma_wait3A = arith.constant 0 : i32
      %dma_wait3A_48 = tpu.memref_slice %arg7[%add3A_19, %dma_wait3A] : memref<10240x16xf32, #tpu.memory_space<vmem_shared>> -> memref<80x16xf32, #tpu.memory_space<vmem_shared>>
      %dma_wait3A_49 = arith.constant 0 : i32
      %dma_wait3A_50 = tpu.memref_slice %arg7[%add3A_19, %dma_wait3A_49] : memref<10240x16xf32, #tpu.memory_space<vmem_shared>> -> memref<80x16xf32, #tpu.memory_space<vmem_shared>>
      tpu.wait_dma2 semaphore(%run_scoped3A : memref<!tpu.dma_semaphore, #tpu.memory_space<semaphore_mem>>) src(%arg6 : memref<80x16xf32, #tpu.memory_space<vmem>>) dst(%dma_wait3A_50 : memref<80x16xf32, #tpu.memory_space<vmem_shared>>)
      tpu.yield
    }) : () -> ()
    %add3A_20 = arith.constant 320 : i32
    %add3A_21 = arith.addi %mul3A_11, %add3A_20 : i32
    "tpu.region"() ({
      %run_scoped3A = tpu.sem_alloc : memref<!tpu.dma_semaphore, #tpu.memory_space<semaphore_mem>>
      %dma_start3A = arith.constant 0 : i32
      %dma_start3A_45 = tpu.memref_slice %arg7[%add3A_21, %dma_start3A] : memref<10240x16xf32, #tpu.memory_space<vmem_shared>> -> memref<80x16xf32, #tpu.memory_space<vmem_shared>>
      %dma_start3A_46 = arith.constant 0 : i32
      %dma_start3A_47 = tpu.memref_slice %arg7[%add3A_21, %dma_start3A_46] : memref<10240x16xf32, #tpu.memory_space<vmem_shared>> -> memref<80x16xf32, #tpu.memory_space<vmem_shared>>
      tpu.enqueue_dma source(%arg6 : memref<80x16xf32, #tpu.memory_space<vmem>>) target(%dma_start3A_47 : memref<80x16xf32, #tpu.memory_space<vmem_shared>>) target_semaphore(%run_scoped3A : memref<!tpu.dma_semaphore, #tpu.memory_space<semaphore_mem>>)
      %dma_wait3A = arith.constant 0 : i32
      %dma_wait3A_48 = tpu.memref_slice %arg7[%add3A_21, %dma_wait3A] : memref<10240x16xf32, #tpu.memory_space<vmem_shared>> -> memref<80x16xf32, #tpu.memory_space<vmem_shared>>
      %dma_wait3A_49 = arith.constant 0 : i32
      %dma_wait3A_50 = tpu.memref_slice %arg7[%add3A_21, %dma_wait3A_49] : memref<10240x16xf32, #tpu.memory_space<vmem_shared>> -> memref<80x16xf32, #tpu.memory_space<vmem_shared>>
      tpu.wait_dma2 semaphore(%run_scoped3A : memref<!tpu.dma_semaphore, #tpu.memory_space<semaphore_mem>>) src(%arg6 : memref<80x16xf32, #tpu.memory_space<vmem>>) dst(%dma_wait3A_50 : memref<80x16xf32, #tpu.memory_space<vmem_shared>>)
      tpu.yield
    }) : () -> ()
    %add3A_22 = arith.constant 400 : i32
    %add3A_23 = arith.addi %mul3A_11, %add3A_22 : i32
    "tpu.region"() ({
      %run_scoped3A = tpu.sem_alloc : memref<!tpu.dma_semaphore, #tpu.memory_space<semaphore_mem>>
      %dma_start3A = arith.constant 0 : i32
      %dma_start3A_45 = tpu.memref_slice %arg7[%add3A_23, %dma_start3A] : memref<10240x16xf32, #tpu.memory_space<vmem_shared>> -> memref<80x16xf32, #tpu.memory_space<vmem_shared>>
      %dma_start3A_46 = arith.constant 0 : i32
      %dma_start3A_47 = tpu.memref_slice %arg7[%add3A_23, %dma_start3A_46] : memref<10240x16xf32, #tpu.memory_space<vmem_shared>> -> memref<80x16xf32, #tpu.memory_space<vmem_shared>>
      tpu.enqueue_dma source(%arg6 : memref<80x16xf32, #tpu.memory_space<vmem>>) target(%dma_start3A_47 : memref<80x16xf32, #tpu.memory_space<vmem_shared>>) target_semaphore(%run_scoped3A : memref<!tpu.dma_semaphore, #tpu.memory_space<semaphore_mem>>)
      %dma_wait3A = arith.constant 0 : i32
      %dma_wait3A_48 = tpu.memref_slice %arg7[%add3A_23, %dma_wait3A] : memref<10240x16xf32, #tpu.memory_space<vmem_shared>> -> memref<80x16xf32, #tpu.memory_space<vmem_shared>>
      %dma_wait3A_49 = arith.constant 0 : i32
      %dma_wait3A_50 = tpu.memref_slice %arg7[%add3A_23, %dma_wait3A_49] : memref<10240x16xf32, #tpu.memory_space<vmem_shared>> -> memref<80x16xf32, #tpu.memory_space<vmem_shared>>
      tpu.wait_dma2 semaphore(%run_scoped3A : memref<!tpu.dma_semaphore, #tpu.memory_space<semaphore_mem>>) src(%arg6 : memref<80x16xf32, #tpu.memory_space<vmem>>) dst(%dma_wait3A_50 : memref<80x16xf32, #tpu.memory_space<vmem_shared>>)
      tpu.yield
    }) : () -> ()
    %add3A_24 = arith.constant 480 : i32
    %add3A_25 = arith.addi %mul3A_11, %add3A_24 : i32
    "tpu.region"() ({
      %run_scoped3A = tpu.sem_alloc : memref<!tpu.dma_semaphore, #tpu.memory_space<semaphore_mem>>
      %dma_start3A = arith.constant 0 : i32
      %dma_start3A_45 = tpu.memref_slice %arg7[%add3A_25, %dma_start3A] : memref<10240x16xf32, #tpu.memory_space<vmem_shared>> -> memref<80x16xf32, #tpu.memory_space<vmem_shared>>
      %dma_start3A_46 = arith.constant 0 : i32
      %dma_start3A_47 = tpu.memref_slice %arg7[%add3A_25, %dma_start3A_46] : memref<10240x16xf32, #tpu.memory_space<vmem_shared>> -> memref<80x16xf32, #tpu.memory_space<vmem_shared>>
      tpu.enqueue_dma source(%arg6 : memref<80x16xf32, #tpu.memory_space<vmem>>) target(%dma_start3A_47 : memref<80x16xf32, #tpu.memory_space<vmem_shared>>) target_semaphore(%run_scoped3A : memref<!tpu.dma_semaphore, #tpu.memory_space<semaphore_mem>>)
      %dma_wait3A = arith.constant 0 : i32
      %dma_wait3A_48 = tpu.memref_slice %arg7[%add3A_25, %dma_wait3A] : memref<10240x16xf32, #tpu.memory_space<vmem_shared>> -> memref<80x16xf32, #tpu.memory_space<vmem_shared>>
      %dma_wait3A_49 = arith.constant 0 : i32
      %dma_wait3A_50 = tpu.memref_slice %arg7[%add3A_25, %dma_wait3A_49] : memref<10240x16xf32, #tpu.memory_space<vmem_shared>> -> memref<80x16xf32, #tpu.memory_space<vmem_shared>>
      tpu.wait_dma2 semaphore(%run_scoped3A : memref<!tpu.dma_semaphore, #tpu.memory_space<semaphore_mem>>) src(%arg6 : memref<80x16xf32, #tpu.memory_space<vmem>>) dst(%dma_wait3A_50 : memref<80x16xf32, #tpu.memory_space<vmem_shared>>)
      tpu.yield
    }) : () -> ()
    %add3A_26 = arith.constant 560 : i32
    %add3A_27 = arith.addi %mul3A_11, %add3A_26 : i32
    "tpu.region"() ({
      %run_scoped3A = tpu.sem_alloc : memref<!tpu.dma_semaphore, #tpu.memory_space<semaphore_mem>>
      %dma_start3A = arith.constant 0 : i32
      %dma_start3A_45 = tpu.memref_slice %arg7[%add3A_27, %dma_start3A] : memref<10240x16xf32, #tpu.memory_space<vmem_shared>> -> memref<80x16xf32, #tpu.memory_space<vmem_shared>>
      %dma_start3A_46 = arith.constant 0 : i32
      %dma_start3A_47 = tpu.memref_slice %arg7[%add3A_27, %dma_start3A_46] : memref<10240x16xf32, #tpu.memory_space<vmem_shared>> -> memref<80x16xf32, #tpu.memory_space<vmem_shared>>
      tpu.enqueue_dma source(%arg6 : memref<80x16xf32, #tpu.memory_space<vmem>>) target(%dma_start3A_47 : memref<80x16xf32, #tpu.memory_space<vmem_shared>>) target_semaphore(%run_scoped3A : memref<!tpu.dma_semaphore, #tpu.memory_space<semaphore_mem>>)
      %dma_wait3A = arith.constant 0 : i32
      %dma_wait3A_48 = tpu.memref_slice %arg7[%add3A_27, %dma_wait3A] : memref<10240x16xf32, #tpu.memory_space<vmem_shared>> -> memref<80x16xf32, #tpu.memory_space<vmem_shared>>
      %dma_wait3A_49 = arith.constant 0 : i32
      %dma_wait3A_50 = tpu.memref_slice %arg7[%add3A_27, %dma_wait3A_49] : memref<10240x16xf32, #tpu.memory_space<vmem_shared>> -> memref<80x16xf32, #tpu.memory_space<vmem_shared>>
      tpu.wait_dma2 semaphore(%run_scoped3A : memref<!tpu.dma_semaphore, #tpu.memory_space<semaphore_mem>>) src(%arg6 : memref<80x16xf32, #tpu.memory_space<vmem>>) dst(%dma_wait3A_50 : memref<80x16xf32, #tpu.memory_space<vmem_shared>>)
      tpu.yield
    }) : () -> ()
    %mul3A_28 = arith.constant 79 : i32
    %mul3A_29 = arith.muli %add3A, %mul3A_28 : i32
    "tpu.region"() ({
      %run_scoped3A = tpu.sem_alloc : memref<!tpu.dma_semaphore, #tpu.memory_space<semaphore_mem>>
      %dma_start3A = arith.constant 0 : i32
      %dma_start3A_45 = tpu.memref_slice %arg2[%mul3A_29, %dma_start3A] : memref<2528x128xi32, #tpu.memory_space<hbm>> -> memref<79x128xi32, #tpu.memory_space<hbm>>
      %dma_start3A_46 = arith.constant 0 : i32
      %dma_start3A_47 = tpu.memref_slice %arg2[%mul3A_29, %dma_start3A_46] : memref<2528x128xi32, #tpu.memory_space<hbm>> -> memref<79x128xi32, #tpu.memory_space<hbm>>
      tpu.enqueue_dma source(%dma_start3A_47 : memref<79x128xi32, #tpu.memory_space<hbm>>) target(%arg4 : memref<79x128xi32, #tpu.memory_space<vmem>>) target_semaphore(%run_scoped3A : memref<!tpu.dma_semaphore, #tpu.memory_space<semaphore_mem>>)
      %dma_wait3A = arith.constant 0 : i32
      %dma_wait3A_48 = tpu.memref_slice %arg2[%mul3A_29, %dma_wait3A] : memref<2528x128xi32, #tpu.memory_space<hbm>> -> memref<79x128xi32, #tpu.memory_space<hbm>>
      %dma_wait3A_49 = arith.constant 0 : i32
      %dma_wait3A_50 = tpu.memref_slice %arg2[%mul3A_29, %dma_wait3A_49] : memref<2528x128xi32, #tpu.memory_space<hbm>> -> memref<79x128xi32, #tpu.memory_space<hbm>>
      tpu.wait_dma2 semaphore(%run_scoped3A : memref<!tpu.dma_semaphore, #tpu.memory_space<semaphore_mem>>) src(%dma_wait3A_50 : memref<79x128xi32, #tpu.memory_space<hbm>>) dst(%arg4 : memref<79x128xi32, #tpu.memory_space<vmem>>)
      tpu.yield
    }) : () -> ()
    %barrier3A = arith.constant 0 : index
    tpu.barrier barrier_id(%barrier3A)
    %scan3A_30 = arith.constant 0 : i32
    %scan3A_31 = arith.constant 79 : i32
    %scan3A_32 = arith.addi %scan3A_30, %scan3A_31 : i32
    %scan3A_33 = arith.constant 1 : i32
    scf.for %scan3A_45 = %scan3A_30 to %scan3A_32 step %scan3A_33  : i32 {
      %mul3A_46 = arith.constant 1 : i32
      %mul3A_47 = arith.muli %scan3A_45, %mul3A_46 : i32
      %add3A_48 = arith.constant 0 : i32
      %add3A_49 = arith.addi %add3A_48, %mul3A_47 : i32
      %dma_start3A = arith.constant 0 : i32
      %dma_start3A_50 = tpu.memref_slice %arg4[%add3A_49, %dma_start3A] : memref<79x128xi32, #tpu.memory_space<vmem>> -> memref<1x128xi32, #tpu.memory_space<vmem>>
      %dma_start3A_51 = tpu.memref_squeeze %dma_start3A_50 : memref<1x128xi32, #tpu.memory_space<vmem>> -> memref<128xi32, #tpu.memory_space<vmem>>
      %dma_start3A_52 = arith.constant 0 : i32
      %dma_start3A_53 = arith.constant 0 : i32
      %dma_start3A_54 = tpu.memref_slice %arg7[%dma_start3A_52, %dma_start3A_53] : memref<10240x16xf32, #tpu.memory_space<vmem_shared>> -> memref<10240x16xf32, #tpu.memory_space<vmem_shared>>
      tpu.enqueue_indirect_dma source(%arg5 : memref<128x16xf32, #tpu.memory_space<vmem>>) target(%dma_start3A_54 : memref<10240x16xf32, #tpu.memory_space<vmem_shared>>) offsets(%dma_start3A_51 : memref<128xi32, #tpu.memory_space<vmem>>) semaphore(%arg8 : memref<!tpu.dma_semaphore, #tpu.memory_space<semaphore_mem>>) {add = true}
    }
    %scan3A_34 = arith.constant 79 : i32
    %scan3A_35 = arith.constant 0 : i32
    %scan3A_36 = arith.constant 79 : i32
    %scan3A_37 = arith.addi %scan3A_35, %scan3A_36 : i32
    %scan3A_38 = arith.constant 1 : i32
    scf.for %scan3A_45 = %scan3A_35 to %scan3A_37 step %scan3A_38  : i32 {
      %mul3A_46 = arith.constant 1 : i32
      %mul3A_47 = arith.muli %scan3A_45, %mul3A_46 : i32
      %add3A_48 = arith.constant 0 : i32
      %add3A_49 = arith.addi %add3A_48, %mul3A_47 : i32
      %dma_wait3A = arith.constant 0 : i32
      %dma_wait3A_50 = arith.constant 0 : i32
      %dma_wait3A_51 = tpu.memref_slice %arg4[%dma_wait3A, %dma_wait3A_50] : memref<79x128xi32, #tpu.memory_space<vmem>> -> memref<1x128xi32, #tpu.memory_space<vmem>>
      %dma_wait3A_52 = tpu.memref_squeeze %dma_wait3A_51 : memref<1x128xi32, #tpu.memory_space<vmem>> -> memref<128xi32, #tpu.memory_space<vmem>>
      %dma_wait3A_53 = arith.constant 0 : i32
      %dma_wait3A_54 = arith.constant 0 : i32
      %dma_wait3A_55 = tpu.memref_slice %arg7[%dma_wait3A_53, %dma_wait3A_54] : memref<10240x16xf32, #tpu.memory_space<vmem_shared>> -> memref<10240x16xf32, #tpu.memory_space<vmem_shared>>
      tpu.wait_indirect_dma semaphore(%arg8 : memref<!tpu.dma_semaphore, #tpu.memory_space<semaphore_mem>>) src(%arg5 : memref<128x16xf32, #tpu.memory_space<vmem>>) dst(%dma_wait3A_55 : memref<10240x16xf32, #tpu.memory_space<vmem_shared>>)
    }
    %scan3A_39 = arith.constant 79 : i32
    %barrier3A_40 = arith.constant 0 : index
    tpu.barrier barrier_id(%barrier3A_40)
    %mul3A_41 = arith.constant 640 : i32
    %mul3A_42 = arith.muli %arg1, %mul3A_41 : i32
    %mul3A_43 = arith.constant 640 : i32
    %mul3A_44 = arith.muli %arg1, %mul3A_43 : i32
    "tpu.region"() ({
      %run_scoped3A = tpu.sem_alloc : memref<!tpu.dma_semaphore, #tpu.memory_space<semaphore_mem>>
      %dma_start3A = arith.constant 0 : i32
      %dma_start3A_45 = tpu.memref_slice %arg3[%arg0, %mul3A_44, %dma_start3A] : memref<2x10240x16xf32, #tpu.memory_space<hbm>> -> memref<1x640x16xf32, #tpu.memory_space<hbm>>
      %dma_start3A_46 = tpu.memref_squeeze %dma_start3A_45 : memref<1x640x16xf32, #tpu.memory_space<hbm>> -> memref<640x16xf32, #tpu.memory_space<hbm>>
      %dma_start3A_47 = arith.constant 0 : i32
      %dma_start3A_48 = tpu.memref_slice %arg7[%mul3A_42, %dma_start3A_47] : memref<10240x16xf32, #tpu.memory_space<vmem_shared>> -> memref<640x16xf32, #tpu.memory_space<vmem_shared>>
      tpu.enqueue_dma source(%dma_start3A_48 : memref<640x16xf32, #tpu.memory_space<vmem_shared>>) target(%dma_start3A_46 : memref<640x16xf32, #tpu.memory_space<hbm>>) target_semaphore(%run_scoped3A : memref<!tpu.dma_semaphore, #tpu.memory_space<semaphore_mem>>)
      %dma_wait3A = arith.constant 0 : i32
      %dma_wait3A_49 = tpu.memref_slice %arg3[%arg0, %mul3A_44, %dma_wait3A] : memref<2x10240x16xf32, #tpu.memory_space<hbm>> -> memref<1x640x16xf32, #tpu.memory_space<hbm>>
      %dma_wait3A_50 = tpu.memref_squeeze %dma_wait3A_49 : memref<1x640x16xf32, #tpu.memory_space<hbm>> -> memref<640x16xf32, #tpu.memory_space<hbm>>
      %dma_wait3A_51 = arith.constant 0 : i32
      %dma_wait3A_52 = tpu.memref_slice %arg7[%mul3A_42, %dma_wait3A_51] : memref<10240x16xf32, #tpu.memory_space<vmem_shared>> -> memref<640x16xf32, #tpu.memory_space<vmem_shared>>
      tpu.wait_dma2 semaphore(%run_scoped3A : memref<!tpu.dma_semaphore, #tpu.memory_space<semaphore_mem>>) src(%dma_wait3A_52 : memref<640x16xf32, #tpu.memory_space<vmem_shared>>) dst(%dma_wait3A_50 : memref<640x16xf32, #tpu.memory_space<hbm>>)
      tpu.yield
    }) : () -> ()
    return
  }
}

#map = affine_map<(d0, d1) -> (0, 0)>
#map1 = affine_map<(d0, d1) -> (0, 0, 0, 0)>
module attributes {stable_mosaic.version = 14 : i64} {
  func.func @k(%arg0: i32, %arg1: i32, %arg2: memref<40000x64xf32, #tpu.memory_space<hbm>>, %arg3: memref<2528x128xi32, #tpu.memory_space<hbm>>, %arg4: memref<2528x128xi32, #tpu.memory_space<hbm>>, %arg5: memref<2x2x10240x64xf32, #tpu.memory_space<hbm>>, %arg6: memref<158x128xi32, #tpu.memory_space<vmem>>, %arg7: memref<158x128xi32, #tpu.memory_space<vmem>>, %arg8: memref<128x64xf32, #tpu.memory_space<vmem>>, %arg9: memref<128x64xf32, #tpu.memory_space<vmem>>, %arg10: memref<10240x64xf32, #tpu.memory_space<vmem_shared>>, %arg11: memref<!tpu.dma_semaphore, #tpu.memory_space<semaphore_mem>>, %arg12: memref<!tpu.dma_semaphore, #tpu.memory_space<semaphore_mem>>, %arg13: memref<!tpu.dma_semaphore, #tpu.memory_space<semaphore_mem>>, %arg14: memref<!tpu.dma_semaphore, #tpu.memory_space<semaphore_mem>>) attributes {dimension_semantics = [#tpu.dimension_semantics<core_parallel>, #tpu.dimension_semantics<subcore_parallel>], iteration_bounds = array<i64: 2, 16>, scalar_prefetch = 0 : i64, scratch_operands = 9 : i64, tpu.core_type = #tpu.core_type<sc_vector_subcore>, window_params = [{transform_indices = #map}, {transform_indices = #map}, {transform_indices = #map}, {transform_indices = #map1}]} {
    %mul3A = arith.constant 158 : i32
    %mul3A_0 = arith.muli %arg1, %mul3A : i32
    "tpu.region"() ({
      %run_scoped3A_96 = tpu.sem_alloc : memref<!tpu.dma_semaphore, #tpu.memory_space<semaphore_mem>>
      %dma_start3A_97 = arith.constant 0 : i32
      %dma_start3A_98 = tpu.memref_slice %arg3[%mul3A_0, %dma_start3A_97] : memref<2528x128xi32, #tpu.memory_space<hbm>> -> memref<158x128xi32, #tpu.memory_space<hbm>>
      %dma_start3A_99 = arith.constant 0 : i32
      %dma_start3A_100 = tpu.memref_slice %arg3[%mul3A_0, %dma_start3A_99] : memref<2528x128xi32, #tpu.memory_space<hbm>> -> memref<158x128xi32, #tpu.memory_space<hbm>>
      tpu.enqueue_dma source(%dma_start3A_100 : memref<158x128xi32, #tpu.memory_space<hbm>>) target(%arg6 : memref<158x128xi32, #tpu.memory_space<vmem>>) target_semaphore(%run_scoped3A_96 : memref<!tpu.dma_semaphore, #tpu.memory_space<semaphore_mem>>)
      %dma_wait3A = arith.constant 0 : i32
      %dma_wait3A_101 = tpu.memref_slice %arg3[%mul3A_0, %dma_wait3A] : memref<2528x128xi32, #tpu.memory_space<hbm>> -> memref<158x128xi32, #tpu.memory_space<hbm>>
      %dma_wait3A_102 = arith.constant 0 : i32
      %dma_wait3A_103 = tpu.memref_slice %arg3[%mul3A_0, %dma_wait3A_102] : memref<2528x128xi32, #tpu.memory_space<hbm>> -> memref<158x128xi32, #tpu.memory_space<hbm>>
      tpu.wait_dma2 semaphore(%run_scoped3A_96 : memref<!tpu.dma_semaphore, #tpu.memory_space<semaphore_mem>>) src(%dma_wait3A_103 : memref<158x128xi32, #tpu.memory_space<hbm>>) dst(%arg6 : memref<158x128xi32, #tpu.memory_space<vmem>>)
      tpu.yield
    }) : () -> ()
    %mul3A_1 = arith.constant 158 : i32
    %mul3A_2 = arith.muli %arg1, %mul3A_1 : i32
    "tpu.region"() ({
      %run_scoped3A_96 = tpu.sem_alloc : memref<!tpu.dma_semaphore, #tpu.memory_space<semaphore_mem>>
      %dma_start3A_97 = arith.constant 0 : i32
      %dma_start3A_98 = tpu.memref_slice %arg4[%mul3A_2, %dma_start3A_97] : memref<2528x128xi32, #tpu.memory_space<hbm>> -> memref<158x128xi32, #tpu.memory_space<hbm>>
      %dma_start3A_99 = arith.constant 0 : i32
      %dma_start3A_100 = tpu.memref_slice %arg4[%mul3A_2, %dma_start3A_99] : memref<2528x128xi32, #tpu.memory_space<hbm>> -> memref<158x128xi32, #tpu.memory_space<hbm>>
      tpu.enqueue_dma source(%dma_start3A_100 : memref<158x128xi32, #tpu.memory_space<hbm>>) target(%arg7 : memref<158x128xi32, #tpu.memory_space<vmem>>) target_semaphore(%run_scoped3A_96 : memref<!tpu.dma_semaphore, #tpu.memory_space<semaphore_mem>>)
      %dma_wait3A = arith.constant 0 : i32
      %dma_wait3A_101 = tpu.memref_slice %arg4[%mul3A_2, %dma_wait3A] : memref<2528x128xi32, #tpu.memory_space<hbm>> -> memref<158x128xi32, #tpu.memory_space<hbm>>
      %dma_wait3A_102 = arith.constant 0 : i32
      %dma_wait3A_103 = tpu.memref_slice %arg4[%mul3A_2, %dma_wait3A_102] : memref<2528x128xi32, #tpu.memory_space<hbm>> -> memref<158x128xi32, #tpu.memory_space<hbm>>
      tpu.wait_dma2 semaphore(%run_scoped3A_96 : memref<!tpu.dma_semaphore, #tpu.memory_space<semaphore_mem>>) src(%dma_wait3A_103 : memref<158x128xi32, #tpu.memory_space<hbm>>) dst(%arg7 : memref<158x128xi32, #tpu.memory_space<vmem>>)
      tpu.yield
    }) : () -> ()
    %mul3A_3 = arith.constant 20000 : i32
    %mul3A_4 = arith.muli %arg0, %mul3A_3 : i32
    %scan3A = arith.constant 0 : i32
    %scan3A_5 = arith.constant 158 : i32
    %scan3A_6 = arith.addi %scan3A, %scan3A_5 : i32
    %scan3A_7 = arith.constant 1 : i32
    scf.for %scan3A_96 = %scan3A to %scan3A_6 step %scan3A_7  : i32 {
      %mul3A_97 = arith.constant 1 : i32
      %mul3A_98 = arith.muli %scan3A_96, %mul3A_97 : i32
      %add3A_99 = arith.constant 0 : i32
      %add3A_100 = arith.addi %add3A_99, %mul3A_98 : i32
      %scan3A_101 = arith.constant 0 : i32
      %scan3A_102 = arith.constant 8 : i32
      %scan3A_103 = arith.addi %scan3A_101, %scan3A_102 : i32
      %scan3A_104 = arith.constant 1 : i32
      scf.for %scan3A_106 = %scan3A_101 to %scan3A_103 step %scan3A_104  : i32 {
        %mul3A_107 = arith.constant 16 : i32
        %mul3A_108 = arith.muli %scan3A_106, %mul3A_107 : i32
        %add3A_109 = arith.constant 0 : i32
        %add3A_110 = arith.addi %add3A_109, %mul3A_108 : i32
        %get3A = arith.index_cast %add3A_100 : i32 to index
        %get3A_111 = arith.index_cast %add3A_110 : i32 to index
        %get3A_112 = tpu.vector_load %arg6[%get3A, %get3A_111] {strides = array<i32>} : memref<158x128xi32, #tpu.memory_space<vmem>>, vector<1x16xi32>,
        %get3A_113 = vector.shape_cast %get3A_112 : vector<1x16xi32> to vector<16xi32>
        %add3A_114 = vector.broadcast %mul3A_4 : i32 to vector<16xi32>
        %add3A_115 = arith.addi %get3A_113, %add3A_114 : vector<16xi32>
        %swap3A = arith.index_cast %add3A_100 : i32 to index
        %swap3A_116 = arith.index_cast %add3A_110 : i32 to index
        %swap3A_117 = tpu.vector_load %arg6[%swap3A, %swap3A_116] {strides = array<i32>} : memref<158x128xi32, #tpu.memory_space<vmem>>, vector<1x16xi32>,
        %swap3A_118 = vector.shape_cast %swap3A_117 : vector<1x16xi32> to vector<16xi32>
        %swap3A_119 = vector.shape_cast %add3A_115 : vector<16xi32> to vector<1x16xi32>
        tpu.vector_store %arg6[%swap3A, %swap3A_116], %swap3A_119 {strides = array<i32>} : memref<158x128xi32, #tpu.memory_space<vmem>>, vector<1x16xi32>,
      }
      %scan3A_105 = arith.constant 8 : i32
    }
    %scan3A_8 = arith.constant 158 : i32
    %scan3A_9 = arith.constant 0 : i32
    %scan3A_10 = arith.constant 128 : i32
    %scan3A_11 = arith.addi %scan3A_9, %scan3A_10 : i32
    %scan3A_12 = arith.constant 1 : i32
    scf.for %scan3A_96 = %scan3A_9 to %scan3A_11 step %scan3A_12  : i32 {
      %mul3A_97 = arith.constant 1 : i32
      %mul3A_98 = arith.muli %scan3A_96, %mul3A_97 : i32
      %add3A_99 = arith.constant 0 : i32
      %add3A_100 = arith.addi %add3A_99, %mul3A_98 : i32
      %scan3A_101 = arith.constant 0 : i32
      %scan3A_102 = arith.constant 4 : i32
      %scan3A_103 = arith.addi %scan3A_101, %scan3A_102 : i32
      %scan3A_104 = arith.constant 1 : i32
      scf.for %scan3A_106 = %scan3A_101 to %scan3A_103 step %scan3A_104  : i32 {
        %mul3A_107 = arith.constant 16 : i32
        %mul3A_108 = arith.muli %scan3A_106, %mul3A_107 : i32
        %add3A_109 = arith.constant 0 : i32
        %add3A_110 = arith.addi %add3A_109, %mul3A_108 : i32
        %broadcast_in_dim3A = arith.constant 0.000000e+00 : f32
        %broadcast_in_dim3A_111 = vector.broadcast %broadcast_in_dim3A : f32 to vector<16xf32>
        %swap3A = arith.index_cast %add3A_100 : i32 to index
        %swap3A_112 = arith.index_cast %add3A_110 : i32 to index
        %swap3A_113 = tpu.vector_load %arg8[%swap3A, %swap3A_112] {strides = array<i32>} : memref<128x64xf32, #tpu.memory_space<vmem>>, vector<1x16xf32>,
        %swap3A_114 = vector.shape_cast %swap3A_113 : vector<1x16xf32> to vector<16xf32>
        %swap3A_115 = vector.shape_cast %broadcast_in_dim3A_111 : vector<16xf32> to vector<1x16xf32>
        tpu.vector_store %arg8[%swap3A, %swap3A_112], %swap3A_115 {strides = array<i32>} : memref<128x64xf32, #tpu.memory_space<vmem>>, vector<1x16xf32>,
      }
      %scan3A_105 = arith.constant 4 : i32
    }
    %scan3A_13 = arith.constant 128 : i32
    %mul3A_14 = arith.constant 640 : i32
    %mul3A_15 = arith.muli %arg1, %mul3A_14 : i32
    %add3A = arith.constant 0 : i32
    %add3A_16 = arith.addi %mul3A_15, %add3A : i32
    "tpu.region"() ({
      %run_scoped3A_96 = tpu.sem_alloc : memref<!tpu.dma_semaphore, #tpu.memory_space<semaphore_mem>>
      %dma_start3A_97 = arith.constant 0 : i32
      %dma_start3A_98 = tpu.memref_slice %arg10[%add3A_16, %dma_start3A_97] : memref<10240x64xf32, #tpu.memory_space<vmem_shared>> -> memref<128x64xf32, #tpu.memory_space<vmem_shared>>
      %dma_start3A_99 = arith.constant 0 : i32
      %dma_start3A_100 = tpu.memref_slice %arg10[%add3A_16, %dma_start3A_99] : memref<10240x64xf32, #tpu.memory_space<vmem_shared>> -> memref<128x64xf32, #tpu.memory_space<vmem_shared>>
      tpu.enqueue_dma source(%arg8 : memref<128x64xf32, #tpu.memory_space<vmem>>) target(%dma_start3A_100 : memref<128x64xf32, #tpu.memory_space<vmem_shared>>) target_semaphore(%run_scoped3A_96 : memref<!tpu.dma_semaphore, #tpu.memory_space<semaphore_mem>>)
      %dma_wait3A = arith.constant 0 : i32
      %dma_wait3A_101 = tpu.memref_slice %arg10[%add3A_16, %dma_wait3A] : memref<10240x64xf32, #tpu.memory_space<vmem_shared>> -> memref<128x64xf32, #tpu.memory_space<vmem_shared>>
      %dma_wait3A_102 = arith.constant 0 : i32
      %dma_wait3A_103 = tpu.memref_slice %arg10[%add3A_16, %dma_wait3A_102] : memref<10240x64xf32, #tpu.memory_space<vmem_shared>> -> memref<128x64xf32, #tpu.memory_space<vmem_shared>>
      tpu.wait_dma2 semaphore(%run_scoped3A_96 : memref<!tpu.dma_semaphore, #tpu.memory_space<semaphore_mem>>) src(%arg8 : memref<128x64xf32, #tpu.memory_space<vmem>>) dst(%dma_wait3A_103 : memref<128x64xf32, #tpu.memory_space<vmem_shared>>)
      tpu.yield
    }) : () -> ()
    %add3A_17 = arith.constant 128 : i32
    %add3A_18 = arith.addi %mul3A_15, %add3A_17 : i32
    "tpu.region"() ({
      %run_scoped3A_96 = tpu.sem_alloc : memref<!tpu.dma_semaphore, #tpu.memory_space<semaphore_mem>>
      %dma_start3A_97 = arith.constant 0 : i32
      %dma_start3A_98 = tpu.memref_slice %arg10[%add3A_18, %dma_start3A_97] : memref<10240x64xf32, #tpu.memory_space<vmem_shared>> -> memref<128x64xf32, #tpu.memory_space<vmem_shared>>
      %dma_start3A_99 = arith.constant 0 : i32
      %dma_start3A_100 = tpu.memref_slice %arg10[%add3A_18, %dma_start3A_99] : memref<10240x64xf32, #tpu.memory_space<vmem_shared>> -> memref<128x64xf32, #tpu.memory_space<vmem_shared>>
      tpu.enqueue_dma source(%arg8 : memref<128x64xf32, #tpu.memory_space<vmem>>) target(%dma_start3A_100 : memref<128x64xf32, #tpu.memory_space<vmem_shared>>) target_semaphore(%run_scoped3A_96 : memref<!tpu.dma_semaphore, #tpu.memory_space<semaphore_mem>>)
      %dma_wait3A = arith.constant 0 : i32
      %dma_wait3A_101 = tpu.memref_slice %arg10[%add3A_18, %dma_wait3A] : memref<10240x64xf32, #tpu.memory_space<vmem_shared>> -> memref<128x64xf32, #tpu.memory_space<vmem_shared>>
      %dma_wait3A_102 = arith.constant 0 : i32
      %dma_wait3A_103 = tpu.memref_slice %arg10[%add3A_18, %dma_wait3A_102] : memref<10240x64xf32, #tpu.memory_space<vmem_shared>> -> memref<128x64xf32, #tpu.memory_space<vmem_shared>>
      tpu.wait_dma2 semaphore(%run_scoped3A_96 : memref<!tpu.dma_semaphore, #tpu.memory_space<semaphore_mem>>) src(%arg8 : memref<128x64xf32, #tpu.memory_space<vmem>>) dst(%dma_wait3A_103 : memref<128x64xf32, #tpu.memory_space<vmem_shared>>)
      tpu.yield
    }) : () -> ()
    %add3A_19 = arith.constant 256 : i32
    %add3A_20 = arith.addi %mul3A_15, %add3A_19 : i32
    "tpu.region"() ({
      %run_scoped3A_96 = tpu.sem_alloc : memref<!tpu.dma_semaphore, #tpu.memory_space<semaphore_mem>>
      %dma_start3A_97 = arith.constant 0 : i32
      %dma_start3A_98 = tpu.memref_slice %arg10[%add3A_20, %dma_start3A_97] : memref<10240x64xf32, #tpu.memory_space<vmem_shared>> -> memref<128x64xf32, #tpu.memory_space<vmem_shared>>
      %dma_start3A_99 = arith.constant 0 : i32
      %dma_start3A_100 = tpu.memref_slice %arg10[%add3A_20, %dma_start3A_99] : memref<10240x64xf32, #tpu.memory_space<vmem_shared>> -> memref<128x64xf32, #tpu.memory_space<vmem_shared>>
      tpu.enqueue_dma source(%arg8 : memref<128x64xf32, #tpu.memory_space<vmem>>) target(%dma_start3A_100 : memref<128x64xf32, #tpu.memory_space<vmem_shared>>) target_semaphore(%run_scoped3A_96 : memref<!tpu.dma_semaphore, #tpu.memory_space<semaphore_mem>>)
      %dma_wait3A = arith.constant 0 : i32
      %dma_wait3A_101 = tpu.memref_slice %arg10[%add3A_20, %dma_wait3A] : memref<10240x64xf32, #tpu.memory_space<vmem_shared>> -> memref<128x64xf32, #tpu.memory_space<vmem_shared>>
      %dma_wait3A_102 = arith.constant 0 : i32
      %dma_wait3A_103 = tpu.memref_slice %arg10[%add3A_20, %dma_wait3A_102] : memref<10240x64xf32, #tpu.memory_space<vmem_shared>> -> memref<128x64xf32, #tpu.memory_space<vmem_shared>>
      tpu.wait_dma2 semaphore(%run_scoped3A_96 : memref<!tpu.dma_semaphore, #tpu.memory_space<semaphore_mem>>) src(%arg8 : memref<128x64xf32, #tpu.memory_space<vmem>>) dst(%dma_wait3A_103 : memref<128x64xf32, #tpu.memory_space<vmem_shared>>)
      tpu.yield
    }) : () -> ()
    %add3A_21 = arith.constant 384 : i32
    %add3A_22 = arith.addi %mul3A_15, %add3A_21 : i32
    "tpu.region"() ({
      %run_scoped3A_96 = tpu.sem_alloc : memref<!tpu.dma_semaphore, #tpu.memory_space<semaphore_mem>>
      %dma_start3A_97 = arith.constant 0 : i32
      %dma_start3A_98 = tpu.memref_slice %arg10[%add3A_22, %dma_start3A_97] : memref<10240x64xf32, #tpu.memory_space<vmem_shared>> -> memref<128x64xf32, #tpu.memory_space<vmem_shared>>
      %dma_start3A_99 = arith.constant 0 : i32
      %dma_start3A_100 = tpu.memref_slice %arg10[%add3A_22, %dma_start3A_99] : memref<10240x64xf32, #tpu.memory_space<vmem_shared>> -> memref<128x64xf32, #tpu.memory_space<vmem_shared>>
      tpu.enqueue_dma source(%arg8 : memref<128x64xf32, #tpu.memory_space<vmem>>) target(%dma_start3A_100 : memref<128x64xf32, #tpu.memory_space<vmem_shared>>) target_semaphore(%run_scoped3A_96 : memref<!tpu.dma_semaphore, #tpu.memory_space<semaphore_mem>>)
      %dma_wait3A = arith.constant 0 : i32
      %dma_wait3A_101 = tpu.memref_slice %arg10[%add3A_22, %dma_wait3A] : memref<10240x64xf32, #tpu.memory_space<vmem_shared>> -> memref<128x64xf32, #tpu.memory_space<vmem_shared>>
      %dma_wait3A_102 = arith.constant 0 : i32
      %dma_wait3A_103 = tpu.memref_slice %arg10[%add3A_22, %dma_wait3A_102] : memref<10240x64xf32, #tpu.memory_space<vmem_shared>> -> memref<128x64xf32, #tpu.memory_space<vmem_shared>>
      tpu.wait_dma2 semaphore(%run_scoped3A_96 : memref<!tpu.dma_semaphore, #tpu.memory_space<semaphore_mem>>) src(%arg8 : memref<128x64xf32, #tpu.memory_space<vmem>>) dst(%dma_wait3A_103 : memref<128x64xf32, #tpu.memory_space<vmem_shared>>)
      tpu.yield
    }) : () -> ()
    %add3A_23 = arith.constant 512 : i32
    %add3A_24 = arith.addi %mul3A_15, %add3A_23 : i32
    "tpu.region"() ({
      %run_scoped3A_96 = tpu.sem_alloc : memref<!tpu.dma_semaphore, #tpu.memory_space<semaphore_mem>>
      %dma_start3A_97 = arith.constant 0 : i32
      %dma_start3A_98 = tpu.memref_slice %arg10[%add3A_24, %dma_start3A_97] : memref<10240x64xf32, #tpu.memory_space<vmem_shared>> -> memref<128x64xf32, #tpu.memory_space<vmem_shared>>
      %dma_start3A_99 = arith.constant 0 : i32
      %dma_start3A_100 = tpu.memref_slice %arg10[%add3A_24, %dma_start3A_99] : memref<10240x64xf32, #tpu.memory_space<vmem_shared>> -> memref<128x64xf32, #tpu.memory_space<vmem_shared>>
      tpu.enqueue_dma source(%arg8 : memref<128x64xf32, #tpu.memory_space<vmem>>) target(%dma_start3A_100 : memref<128x64xf32, #tpu.memory_space<vmem_shared>>) target_semaphore(%run_scoped3A_96 : memref<!tpu.dma_semaphore, #tpu.memory_space<semaphore_mem>>)
      %dma_wait3A = arith.constant 0 : i32
      %dma_wait3A_101 = tpu.memref_slice %arg10[%add3A_24, %dma_wait3A] : memref<10240x64xf32, #tpu.memory_space<vmem_shared>> -> memref<128x64xf32, #tpu.memory_space<vmem_shared>>
      %dma_wait3A_102 = arith.constant 0 : i32
      %dma_wait3A_103 = tpu.memref_slice %arg10[%add3A_24, %dma_wait3A_102] : memref<10240x64xf32, #tpu.memory_space<vmem_shared>> -> memref<128x64xf32, #tpu.memory_space<vmem_shared>>
      tpu.wait_dma2 semaphore(%run_scoped3A_96 : memref<!tpu.dma_semaphore, #tpu.memory_space<semaphore_mem>>) src(%arg8 : memref<128x64xf32, #tpu.memory_space<vmem>>) dst(%dma_wait3A_103 : memref<128x64xf32, #tpu.memory_space<vmem_shared>>)
      tpu.yield
    }) : () -> ()
    %barrier3A = arith.constant 0 : index
    tpu.barrier barrier_id(%barrier3A)
    %dma_start3A = arith.constant 0 : i32
    %dma_start3A_25 = arith.constant 0 : i32
    %dma_start3A_26 = tpu.memref_slice %arg6[%dma_start3A, %dma_start3A_25] : memref<158x128xi32, #tpu.memory_space<vmem>> -> memref<1x128xi32, #tpu.memory_space<vmem>>
    %dma_start3A_27 = tpu.memref_squeeze %dma_start3A_26 : memref<1x128xi32, #tpu.memory_space<vmem>> -> memref<128xi32, #tpu.memory_space<vmem>>
    %dma_start3A_28 = arith.constant 0 : i32
    %dma_start3A_29 = arith.constant 0 : i32
    %dma_start3A_30 = tpu.memref_slice %arg2[%dma_start3A_28, %dma_start3A_29] : memref<40000x64xf32, #tpu.memory_space<hbm>> -> memref<40000x64xf32, #tpu.memory_space<hbm>>
    tpu.enqueue_indirect_dma source(%dma_start3A_30 : memref<40000x64xf32, #tpu.memory_space<hbm>>) target(%arg8 : memref<128x64xf32, #tpu.memory_space<vmem>>) offsets(%dma_start3A_27 : memref<128xi32, #tpu.memory_space<vmem>>) semaphore(%arg11 : memref<!tpu.dma_semaphore, #tpu.memory_space<semaphore_mem>>)
    %dma_start3A_31 = arith.constant 1 : i32
    %dma_start3A_32 = arith.constant 0 : i32
    %dma_start3A_33 = tpu.memref_slice %arg6[%dma_start3A_31, %dma_start3A_32] : memref<158x128xi32, #tpu.memory_space<vmem>> -> memref<1x128xi32, #tpu.memory_space<vmem>>
    %dma_start3A_34 = tpu.memref_squeeze %dma_start3A_33 : memref<1x128xi32, #tpu.memory_space<vmem>> -> memref<128xi32, #tpu.memory_space<vmem>>
    %dma_start3A_35 = arith.constant 0 : i32
    %dma_start3A_36 = arith.constant 0 : i32
    %dma_start3A_37 = tpu.memref_slice %arg2[%dma_start3A_35, %dma_start3A_36] : memref<40000x64xf32, #tpu.memory_space<hbm>> -> memref<40000x64xf32, #tpu.memory_space<hbm>>
    tpu.enqueue_indirect_dma source(%dma_start3A_37 : memref<40000x64xf32, #tpu.memory_space<hbm>>) target(%arg9 : memref<128x64xf32, #tpu.memory_space<vmem>>) offsets(%dma_start3A_34 : memref<128xi32, #tpu.memory_space<vmem>>) semaphore(%arg12 : memref<!tpu.dma_semaphore, #tpu.memory_space<semaphore_mem>>)
    %scan3A_38 = arith.constant 0 : i32
    %scan3A_39 = arith.constant 79 : i32
    %scan3A_40 = arith.addi %scan3A_38, %scan3A_39 : i32
    %scan3A_41 = arith.constant 1 : i32
    scf.for %scan3A_96 = %scan3A_38 to %scan3A_40 step %scan3A_41  : i32 {
      %mul3A_97 = arith.constant 2 : i32
      %mul3A_98 = arith.muli %scan3A_96, %mul3A_97 : i32
      %add3A_99 = arith.constant 0 : i32
      %add3A_100 = arith.addi %add3A_99, %mul3A_98 : i32
      %dma_wait3A = arith.constant 0 : i32
      %dma_wait3A_101 = arith.constant 0 : i32
      %dma_wait3A_102 = tpu.memref_slice %arg6[%dma_wait3A, %dma_wait3A_101] : memref<158x128xi32, #tpu.memory_space<vmem>> -> memref<1x128xi32, #tpu.memory_space<vmem>>
      %dma_wait3A_103 = tpu.memref_squeeze %dma_wait3A_102 : memref<1x128xi32, #tpu.memory_space<vmem>> -> memref<128xi32, #tpu.memory_space<vmem>>
      %dma_wait3A_104 = arith.constant 0 : i32
      %dma_wait3A_105 = arith.constant 0 : i32
      %dma_wait3A_106 = tpu.memref_slice %arg2[%dma_wait3A_104, %dma_wait3A_105] : memref<40000x64xf32, #tpu.memory_space<hbm>> -> memref<40000x64xf32, #tpu.memory_space<hbm>>
      tpu.wait_indirect_dma semaphore(%arg11 : memref<!tpu.dma_semaphore, #tpu.memory_space<semaphore_mem>>) src(%dma_wait3A_106 : memref<40000x64xf32, #tpu.memory_space<hbm>>) dst(%arg8 : memref<128x64xf32, #tpu.memory_space<vmem>>)
      "tpu.region"() ({
        %run_scoped3A_125 = tpu.sem_alloc : memref<!tpu.dma_semaphore, #tpu.memory_space<semaphore_mem>>
        %dma_start3A_126 = arith.constant 0 : i32
        %dma_start3A_127 = tpu.memref_slice %arg7[%add3A_100, %dma_start3A_126] : memref<158x128xi32, #tpu.memory_space<vmem>> -> memref<1x128xi32, #tpu.memory_space<vmem>>
        %dma_start3A_128 = tpu.memref_squeeze %dma_start3A_127 : memref<1x128xi32, #tpu.memory_space<vmem>> -> memref<128xi32, #tpu.memory_space<vmem>>
        %dma_start3A_129 = arith.constant 0 : i32
        %dma_start3A_130 = arith.constant 0 : i32
        %dma_start3A_131 = tpu.memref_slice %arg10[%dma_start3A_129, %dma_start3A_130] : memref<10240x64xf32, #tpu.memory_space<vmem_shared>> -> memref<10240x64xf32, #tpu.memory_space<vmem_shared>>
        tpu.enqueue_indirect_dma source(%arg8 : memref<128x64xf32, #tpu.memory_space<vmem>>) target(%dma_start3A_131 : memref<10240x64xf32, #tpu.memory_space<vmem_shared>>) offsets(%dma_start3A_128 : memref<128xi32, #tpu.memory_space<vmem>>) semaphore(%run_scoped3A_125 : memref<!tpu.dma_semaphore, #tpu.memory_space<semaphore_mem>>) {add = true}
        %dma_wait3A_132 = arith.constant 0 : i32
        %dma_wait3A_133 = tpu.memref_slice %arg7[%add3A_100, %dma_wait3A_132] : memref<158x128xi32, #tpu.memory_space<vmem>> -> memref<1x128xi32, #tpu.memory_space<vmem>>
        %dma_wait3A_134 = tpu.memref_squeeze %dma_wait3A_133 : memref<1x128xi32, #tpu.memory_space<vmem>> -> memref<128xi32, #tpu.memory_space<vmem>>
        %dma_wait3A_135 = arith.constant 0 : i32
        %dma_wait3A_136 = arith.constant 0 : i32
        %dma_wait3A_137 = tpu.memref_slice %arg10[%dma_wait3A_135, %dma_wait3A_136] : memref<10240x64xf32, #tpu.memory_space<vmem_shared>> -> memref<10240x64xf32, #tpu.memory_space<vmem_shared>>
        tpu.wait_indirect_dma semaphore(%run_scoped3A_125 : memref<!tpu.dma_semaphore, #tpu.memory_space<semaphore_mem>>) src(%arg8 : memref<128x64xf32, #tpu.memory_space<vmem>>) dst(%dma_wait3A_137 : memref<10240x64xf32, #tpu.memory_space<vmem_shared>>)
        tpu.yield
      }) : () -> ()
      %add3A_107 = arith.constant 2 : i32
      %add3A_108 = arith.addi %add3A_100, %add3A_107 : i32
      %lt3A = arith.constant 158 : i32
      %lt3A_109 = arith.cmpi slt, %add3A_108, %lt3A : i32
      %convert_element_type3A = arith.extui %lt3A_109 : i1 to i32
      %cond3A = arith.constant 0 : i32
      %cond3A_110 = arith.cmpi ne, %convert_element_type3A, %cond3A : i32
      scf.if %cond3A_110 {
        %add3A_125 = arith.constant 2 : i32
        %add3A_126 = arith.addi %add3A_100, %add3A_125 : i32
        %dma_start3A_127 = arith.constant 0 : i32
        %dma_start3A_128 = tpu.memref_slice %arg6[%add3A_126, %dma_start3A_127] : memref<158x128xi32, #tpu.memory_space<vmem>> -> memref<1x128xi32, #tpu.memory_space<vmem>>
        %dma_start3A_129 = tpu.memref_squeeze %dma_start3A_128 : memref<1x128xi32, #tpu.memory_space<vmem>> -> memref<128xi32, #tpu.memory_space<vmem>>
        %dma_start3A_130 = arith.constant 0 : i32
        %dma_start3A_131 = arith.constant 0 : i32
        %dma_start3A_132 = tpu.memref_slice %arg2[%dma_start3A_130, %dma_start3A_131] : memref<40000x64xf32, #tpu.memory_space<hbm>> -> memref<40000x64xf32, #tpu.memory_space<hbm>>
        tpu.enqueue_indirect_dma source(%dma_start3A_132 : memref<40000x64xf32, #tpu.memory_space<hbm>>) target(%arg8 : memref<128x64xf32, #tpu.memory_space<vmem>>) offsets(%dma_start3A_129 : memref<128xi32, #tpu.memory_space<vmem>>) semaphore(%arg11 : memref<!tpu.dma_semaphore, #tpu.memory_space<semaphore_mem>>)
      } else {
      }
      %add3A_111 = arith.constant 1 : i32
      %add3A_112 = arith.addi %add3A_100, %add3A_111 : i32
      %lt3A_113 = arith.constant 158 : i32
      %lt3A_114 = arith.cmpi slt, %add3A_112, %lt3A_113 : i32
      %convert_element_type3A_115 = arith.extui %lt3A_114 : i1 to i32
      %cond3A_116 = arith.constant 0 : i32
      %cond3A_117 = arith.cmpi ne, %convert_element_type3A_115, %cond3A_116 : i32
      scf.if %cond3A_117 {
        %dma_wait3A_125 = arith.constant 0 : i32
        %dma_wait3A_126 = arith.constant 0 : i32
        %dma_wait3A_127 = tpu.memref_slice %arg6[%dma_wait3A_125, %dma_wait3A_126] : memref<158x128xi32, #tpu.memory_space<vmem>> -> memref<1x128xi32, #tpu.memory_space<vmem>>
        %dma_wait3A_128 = tpu.memref_squeeze %dma_wait3A_127 : memref<1x128xi32, #tpu.memory_space<vmem>> -> memref<128xi32, #tpu.memory_space<vmem>>
        %dma_wait3A_129 = arith.constant 0 : i32
        %dma_wait3A_130 = arith.constant 0 : i32
        %dma_wait3A_131 = tpu.memref_slice %arg2[%dma_wait3A_129, %dma_wait3A_130] : memref<40000x64xf32, #tpu.memory_space<hbm>> -> memref<40000x64xf32, #tpu.memory_space<hbm>>
        tpu.wait_indirect_dma semaphore(%arg12 : memref<!tpu.dma_semaphore, #tpu.memory_space<semaphore_mem>>) src(%dma_wait3A_131 : memref<40000x64xf32, #tpu.memory_space<hbm>>) dst(%arg9 : memref<128x64xf32, #tpu.memory_space<vmem>>)
        %add3A_132 = arith.constant 1 : i32
        %add3A_133 = arith.addi %add3A_100, %add3A_132 : i32
        "tpu.region"() ({
          %run_scoped3A_134 = tpu.sem_alloc : memref<!tpu.dma_semaphore, #tpu.memory_space<semaphore_mem>>
          %dma_start3A_135 = arith.constant 0 : i32
          %dma_start3A_136 = tpu.memref_slice %arg7[%add3A_133, %dma_start3A_135] : memref<158x128xi32, #tpu.memory_space<vmem>> -> memref<1x128xi32, #tpu.memory_space<vmem>>
          %dma_start3A_137 = tpu.memref_squeeze %dma_start3A_136 : memref<1x128xi32, #tpu.memory_space<vmem>> -> memref<128xi32, #tpu.memory_space<vmem>>
          %dma_start3A_138 = arith.constant 0 : i32
          %dma_start3A_139 = arith.constant 0 : i32
          %dma_start3A_140 = tpu.memref_slice %arg10[%dma_start3A_138, %dma_start3A_139] : memref<10240x64xf32, #tpu.memory_space<vmem_shared>> -> memref<10240x64xf32, #tpu.memory_space<vmem_shared>>
          tpu.enqueue_indirect_dma source(%arg9 : memref<128x64xf32, #tpu.memory_space<vmem>>) target(%dma_start3A_140 : memref<10240x64xf32, #tpu.memory_space<vmem_shared>>) offsets(%dma_start3A_137 : memref<128xi32, #tpu.memory_space<vmem>>) semaphore(%run_scoped3A_134 : memref<!tpu.dma_semaphore, #tpu.memory_space<semaphore_mem>>) {add = true}
          %dma_wait3A_141 = arith.constant 0 : i32
          %dma_wait3A_142 = tpu.memref_slice %arg7[%add3A_133, %dma_wait3A_141] : memref<158x128xi32, #tpu.memory_space<vmem>> -> memref<1x128xi32, #tpu.memory_space<vmem>>
          %dma_wait3A_143 = tpu.memref_squeeze %dma_wait3A_142 : memref<1x128xi32, #tpu.memory_space<vmem>> -> memref<128xi32, #tpu.memory_space<vmem>>
          %dma_wait3A_144 = arith.constant 0 : i32
          %dma_wait3A_145 = arith.constant 0 : i32
          %dma_wait3A_146 = tpu.memref_slice %arg10[%dma_wait3A_144, %dma_wait3A_145] : memref<10240x64xf32, #tpu.memory_space<vmem_shared>> -> memref<10240x64xf32, #tpu.memory_space<vmem_shared>>
          tpu.wait_indirect_dma semaphore(%run_scoped3A_134 : memref<!tpu.dma_semaphore, #tpu.memory_space<semaphore_mem>>) src(%arg9 : memref<128x64xf32, #tpu.memory_space<vmem>>) dst(%dma_wait3A_146 : memref<10240x64xf32, #tpu.memory_space<vmem_shared>>)
          tpu.yield
        }) : () -> ()
      } else {
      }
      %add3A_118 = arith.constant 3 : i32
      %add3A_119 = arith.addi %add3A_100, %add3A_118 : i32
      %lt3A_120 = arith.constant 158 : i32
      %lt3A_121 = arith.cmpi slt, %add3A_119, %lt3A_120 : i32
      %convert_element_type3A_122 = arith.extui %lt3A_121 : i1 to i32
      %cond3A_123 = arith.constant 0 : i32
      %cond3A_124 = arith.cmpi ne, %convert_element_type3A_122, %cond3A_123 : i32
      scf.if %cond3A_124 {
        %add3A_125 = arith.constant 3 : i32
        %add3A_126 = arith.addi %add3A_100, %add3A_125 : i32
        %dma_start3A_127 = arith.constant 0 : i32
        %dma_start3A_128 = tpu.memref_slice %arg6[%add3A_126, %dma_start3A_127] : memref<158x128xi32, #tpu.memory_space<vmem>> -> memref<1x128xi32, #tpu.memory_space<vmem>>
        %dma_start3A_129 = tpu.memref_squeeze %dma_start3A_128 : memref<1x128xi32, #tpu.memory_space<vmem>> -> memref<128xi32, #tpu.memory_space<vmem>>
        %dma_start3A_130 = arith.constant 0 : i32
        %dma_start3A_131 = arith.constant 0 : i32
        %dma_start3A_132 = tpu.memref_slice %arg2[%dma_start3A_130, %dma_start3A_131] : memref<40000x64xf32, #tpu.memory_space<hbm>> -> memref<40000x64xf32, #tpu.memory_space<hbm>>
        tpu.enqueue_indirect_dma source(%dma_start3A_132 : memref<40000x64xf32, #tpu.memory_space<hbm>>) target(%arg9 : memref<128x64xf32, #tpu.memory_space<vmem>>) offsets(%dma_start3A_129 : memref<128xi32, #tpu.memory_space<vmem>>) semaphore(%arg12 : memref<!tpu.dma_semaphore, #tpu.memory_space<semaphore_mem>>)
      } else {
      }
    }
    %scan3A_42 = arith.constant 79 : i32
    %barrier3A_43 = arith.constant 0 : index
    tpu.barrier barrier_id(%barrier3A_43)
    %mul3A_44 = arith.constant 640 : i32
    %mul3A_45 = arith.muli %arg1, %mul3A_44 : i32
    %mul3A_46 = arith.constant 640 : i32
    %mul3A_47 = arith.muli %arg1, %mul3A_46 : i32
    %run_scoped3A = arith.constant 0 : i32
    "tpu.region"() ({
      %run_scoped3A_96 = tpu.sem_alloc : memref<!tpu.dma_semaphore, #tpu.memory_space<semaphore_mem>>
      %dma_start3A_97 = arith.constant 0 : i32
      %dma_start3A_98 = tpu.memref_slice %arg5[%arg0, %run_scoped3A, %mul3A_47, %dma_start3A_97] : memref<2x2x10240x64xf32, #tpu.memory_space<hbm>> -> memref<1x1x640x64xf32, #tpu.memory_space<hbm>>
      %dma_start3A_99 = tpu.memref_squeeze %dma_start3A_98 : memref<1x1x640x64xf32, #tpu.memory_space<hbm>> -> memref<640x64xf32, #tpu.memory_space<hbm>>
      %dma_start3A_100 = arith.constant 0 : i32
      %dma_start3A_101 = tpu.memref_slice %arg10[%mul3A_45, %dma_start3A_100] : memref<10240x64xf32, #tpu.memory_space<vmem_shared>> -> memref<640x64xf32, #tpu.memory_space<vmem_shared>>
      tpu.enqueue_dma source(%dma_start3A_101 : memref<640x64xf32, #tpu.memory_space<vmem_shared>>) target(%dma_start3A_99 : memref<640x64xf32, #tpu.memory_space<hbm>>) target_semaphore(%run_scoped3A_96 : memref<!tpu.dma_semaphore, #tpu.memory_space<semaphore_mem>>)
      %dma_wait3A = arith.constant 0 : i32
      %dma_wait3A_102 = tpu.memref_slice %arg5[%arg0, %run_scoped3A, %mul3A_47, %dma_wait3A] : memref<2x2x10240x64xf32, #tpu.memory_space<hbm>> -> memref<1x1x640x64xf32, #tpu.memory_space<hbm>>
      %dma_wait3A_103 = tpu.memref_squeeze %dma_wait3A_102 : memref<1x1x640x64xf32, #tpu.memory_space<hbm>> -> memref<640x64xf32, #tpu.memory_space<hbm>>
      %dma_wait3A_104 = arith.constant 0 : i32
      %dma_wait3A_105 = tpu.memref_slice %arg10[%mul3A_45, %dma_wait3A_104] : memref<10240x64xf32, #tpu.memory_space<vmem_shared>> -> memref<640x64xf32, #tpu.memory_space<vmem_shared>>
      tpu.wait_dma2 semaphore(%run_scoped3A_96 : memref<!tpu.dma_semaphore, #tpu.memory_space<semaphore_mem>>) src(%dma_wait3A_105 : memref<640x64xf32, #tpu.memory_space<vmem_shared>>) dst(%dma_wait3A_103 : memref<640x64xf32, #tpu.memory_space<hbm>>)
      tpu.yield
    }) : () -> ()
    %scan3A_48 = arith.constant 0 : i32
    %scan3A_49 = arith.constant 158 : i32
    %scan3A_50 = arith.addi %scan3A_48, %scan3A_49 : i32
    %scan3A_51 = arith.constant 1 : i32
    scf.for %scan3A_96 = %scan3A_48 to %scan3A_50 step %scan3A_51  : i32 {
      %mul3A_97 = arith.constant 1 : i32
      %mul3A_98 = arith.muli %scan3A_96, %mul3A_97 : i32
      %add3A_99 = arith.constant 0 : i32
      %add3A_100 = arith.addi %add3A_99, %mul3A_98 : i32
      %scan3A_101 = arith.constant 0 : i32
      %scan3A_102 = arith.constant 8 : i32
      %scan3A_103 = arith.addi %scan3A_101, %scan3A_102 : i32
      %scan3A_104 = arith.constant 1 : i32
      scf.for %scan3A_106 = %scan3A_101 to %scan3A_103 step %scan3A_104  : i32 {
        %mul3A_107 = arith.constant 16 : i32
        %mul3A_108 = arith.muli %scan3A_106, %mul3A_107 : i32
        %add3A_109 = arith.constant 0 : i32
        %add3A_110 = arith.addi %add3A_109, %mul3A_108 : i32
        %get3A = arith.index_cast %add3A_100 : i32 to index
        %get3A_111 = arith.index_cast %add3A_110 : i32 to index
        %get3A_112 = tpu.vector_load %arg6[%get3A, %get3A_111] {strides = array<i32>} : memref<158x128xi32, #tpu.memory_space<vmem>>, vector<1x16xi32>,
        %get3A_113 = vector.shape_cast %get3A_112 : vector<1x16xi32> to vector<16xi32>
        %add3A_114 = arith.constant 10000 : i32
        %add3A_115 = vector.broadcast %add3A_114 : i32 to vector<16xi32>
        %add3A_116 = arith.addi %get3A_113, %add3A_115 : vector<16xi32>
        %swap3A = arith.index_cast %add3A_100 : i32 to index
        %swap3A_117 = arith.index_cast %add3A_110 : i32 to index
        %swap3A_118 = tpu.vector_load %arg6[%swap3A, %swap3A_117] {strides = array<i32>} : memref<158x128xi32, #tpu.memory_space<vmem>>, vector<1x16xi32>,
        %swap3A_119 = vector.shape_cast %swap3A_118 : vector<1x16xi32> to vector<16xi32>
        %swap3A_120 = vector.shape_cast %add3A_116 : vector<16xi32> to vector<1x16xi32>
        tpu.vector_store %arg6[%swap3A, %swap3A_117], %swap3A_120 {strides = array<i32>} : memref<158x128xi32, #tpu.memory_space<vmem>>, vector<1x16xi32>,
      }
      %scan3A_105 = arith.constant 8 : i32
    }
    %scan3A_52 = arith.constant 158 : i32
    %scan3A_53 = arith.constant 0 : i32
    %scan3A_54 = arith.constant 128 : i32
    %scan3A_55 = arith.addi %scan3A_53, %scan3A_54 : i32
    %scan3A_56 = arith.constant 1 : i32
    scf.for %scan3A_96 = %scan3A_53 to %scan3A_55 step %scan3A_56  : i32 {
      %mul3A_97 = arith.constant 1 : i32
      %mul3A_98 = arith.muli %scan3A_96, %mul3A_97 : i32
      %add3A_99 = arith.constant 0 : i32
      %add3A_100 = arith.addi %add3A_99, %mul3A_98 : i32
      %scan3A_101 = arith.constant 0 : i32
      %scan3A_102 = arith.constant 4 : i32
      %scan3A_103 = arith.addi %scan3A_101, %scan3A_102 : i32
      %scan3A_104 = arith.constant 1 : i32
      scf.for %scan3A_106 = %scan3A_101 to %scan3A_103 step %scan3A_104  : i32 {
        %mul3A_107 = arith.constant 16 : i32
        %mul3A_108 = arith.muli %scan3A_106, %mul3A_107 : i32
        %add3A_109 = arith.constant 0 : i32
        %add3A_110 = arith.addi %add3A_109, %mul3A_108 : i32
        %broadcast_in_dim3A = arith.constant 0.000000e+00 : f32
        %broadcast_in_dim3A_111 = vector.broadcast %broadcast_in_dim3A : f32 to vector<16xf32>
        %swap3A = arith.index_cast %add3A_100 : i32 to index
        %swap3A_112 = arith.index_cast %add3A_110 : i32 to index
        %swap3A_113 = tpu.vector_load %arg8[%swap3A, %swap3A_112] {strides = array<i32>} : memref<128x64xf32, #tpu.memory_space<vmem>>, vector<1x16xf32>,
        %swap3A_114 = vector.shape_cast %swap3A_113 : vector<1x16xf32> to vector<16xf32>
        %swap3A_115 = vector.shape_cast %broadcast_in_dim3A_111 : vector<16xf32> to vector<1x16xf32>
        tpu.vector_store %arg8[%swap3A, %swap3A_112], %swap3A_115 {strides = array<i32>} : memref<128x64xf32, #tpu.memory_space<vmem>>, vector<1x16xf32>,
      }
      %scan3A_105 = arith.constant 4 : i32
    }
    %scan3A_57 = arith.constant 128 : i32
    %mul3A_58 = arith.constant 640 : i32
    %mul3A_59 = arith.muli %arg1, %mul3A_58 : i32
    %add3A_60 = arith.constant 0 : i32
    %add3A_61 = arith.addi %mul3A_59, %add3A_60 : i32
    "tpu.region"() ({
      %run_scoped3A_96 = tpu.sem_alloc : memref<!tpu.dma_semaphore, #tpu.memory_space<semaphore_mem>>
      %dma_start3A_97 = arith.constant 0 : i32
      %dma_start3A_98 = tpu.memref_slice %arg10[%add3A_61, %dma_start3A_97] : memref<10240x64xf32, #tpu.memory_space<vmem_shared>> -> memref<128x64xf32, #tpu.memory_space<vmem_shared>>
      %dma_start3A_99 = arith.constant 0 : i32
      %dma_start3A_100 = tpu.memref_slice %arg10[%add3A_61, %dma_start3A_99] : memref<10240x64xf32, #tpu.memory_space<vmem_shared>> -> memref<128x64xf32, #tpu.memory_space<vmem_shared>>
      tpu.enqueue_dma source(%arg8 : memref<128x64xf32, #tpu.memory_space<vmem>>) target(%dma_start3A_100 : memref<128x64xf32, #tpu.memory_space<vmem_shared>>) target_semaphore(%run_scoped3A_96 : memref<!tpu.dma_semaphore, #tpu.memory_space<semaphore_mem>>)
      %dma_wait3A = arith.constant 0 : i32
      %dma_wait3A_101 = tpu.memref_slice %arg10[%add3A_61, %dma_wait3A] : memref<10240x64xf32, #tpu.memory_space<vmem_shared>> -> memref<128x64xf32, #tpu.memory_space<vmem_shared>>
      %dma_wait3A_102 = arith.constant 0 : i32
      %dma_wait3A_103 = tpu.memref_slice %arg10[%add3A_61, %dma_wait3A_102] : memref<10240x64xf32, #tpu.memory_space<vmem_shared>> -> memref<128x64xf32, #tpu.memory_space<vmem_shared>>
      tpu.wait_dma2 semaphore(%run_scoped3A_96 : memref<!tpu.dma_semaphore, #tpu.memory_space<semaphore_mem>>) src(%arg8 : memref<128x64xf32, #tpu.memory_space<vmem>>) dst(%dma_wait3A_103 : memref<128x64xf32, #tpu.memory_space<vmem_shared>>)
      tpu.yield
    }) : () -> ()
    %add3A_62 = arith.constant 128 : i32
    %add3A_63 = arith.addi %mul3A_59, %add3A_62 : i32
    "tpu.region"() ({
      %run_scoped3A_96 = tpu.sem_alloc : memref<!tpu.dma_semaphore, #tpu.memory_space<semaphore_mem>>
      %dma_start3A_97 = arith.constant 0 : i32
      %dma_start3A_98 = tpu.memref_slice %arg10[%add3A_63, %dma_start3A_97] : memref<10240x64xf32, #tpu.memory_space<vmem_shared>> -> memref<128x64xf32, #tpu.memory_space<vmem_shared>>
      %dma_start3A_99 = arith.constant 0 : i32
      %dma_start3A_100 = tpu.memref_slice %arg10[%add3A_63, %dma_start3A_99] : memref<10240x64xf32, #tpu.memory_space<vmem_shared>> -> memref<128x64xf32, #tpu.memory_space<vmem_shared>>
      tpu.enqueue_dma source(%arg8 : memref<128x64xf32, #tpu.memory_space<vmem>>) target(%dma_start3A_100 : memref<128x64xf32, #tpu.memory_space<vmem_shared>>) target_semaphore(%run_scoped3A_96 : memref<!tpu.dma_semaphore, #tpu.memory_space<semaphore_mem>>)
      %dma_wait3A = arith.constant 0 : i32
      %dma_wait3A_101 = tpu.memref_slice %arg10[%add3A_63, %dma_wait3A] : memref<10240x64xf32, #tpu.memory_space<vmem_shared>> -> memref<128x64xf32, #tpu.memory_space<vmem_shared>>
      %dma_wait3A_102 = arith.constant 0 : i32
      %dma_wait3A_103 = tpu.memref_slice %arg10[%add3A_63, %dma_wait3A_102] : memref<10240x64xf32, #tpu.memory_space<vmem_shared>> -> memref<128x64xf32, #tpu.memory_space<vmem_shared>>
      tpu.wait_dma2 semaphore(%run_scoped3A_96 : memref<!tpu.dma_semaphore, #tpu.memory_space<semaphore_mem>>) src(%arg8 : memref<128x64xf32, #tpu.memory_space<vmem>>) dst(%dma_wait3A_103 : memref<128x64xf32, #tpu.memory_space<vmem_shared>>)
      tpu.yield
    }) : () -> ()
    %add3A_64 = arith.constant 256 : i32
    %add3A_65 = arith.addi %mul3A_59, %add3A_64 : i32
    "tpu.region"() ({
      %run_scoped3A_96 = tpu.sem_alloc : memref<!tpu.dma_semaphore, #tpu.memory_space<semaphore_mem>>
      %dma_start3A_97 = arith.constant 0 : i32
      %dma_start3A_98 = tpu.memref_slice %arg10[%add3A_65, %dma_start3A_97] : memref<10240x64xf32, #tpu.memory_space<vmem_shared>> -> memref<128x64xf32, #tpu.memory_space<vmem_shared>>
      %dma_start3A_99 = arith.constant 0 : i32
      %dma_start3A_100 = tpu.memref_slice %arg10[%add3A_65, %dma_start3A_99] : memref<10240x64xf32, #tpu.memory_space<vmem_shared>> -> memref<128x64xf32, #tpu.memory_space<vmem_shared>>
      tpu.enqueue_dma source(%arg8 : memref<128x64xf32, #tpu.memory_space<vmem>>) target(%dma_start3A_100 : memref<128x64xf32, #tpu.memory_space<vmem_shared>>) target_semaphore(%run_scoped3A_96 : memref<!tpu.dma_semaphore, #tpu.memory_space<semaphore_mem>>)
      %dma_wait3A = arith.constant 0 : i32
      %dma_wait3A_101 = tpu.memref_slice %arg10[%add3A_65, %dma_wait3A] : memref<10240x64xf32, #tpu.memory_space<vmem_shared>> -> memref<128x64xf32, #tpu.memory_space<vmem_shared>>
      %dma_wait3A_102 = arith.constant 0 : i32
      %dma_wait3A_103 = tpu.memref_slice %arg10[%add3A_65, %dma_wait3A_102] : memref<10240x64xf32, #tpu.memory_space<vmem_shared>> -> memref<128x64xf32, #tpu.memory_space<vmem_shared>>
      tpu.wait_dma2 semaphore(%run_scoped3A_96 : memref<!tpu.dma_semaphore, #tpu.memory_space<semaphore_mem>>) src(%arg8 : memref<128x64xf32, #tpu.memory_space<vmem>>) dst(%dma_wait3A_103 : memref<128x64xf32, #tpu.memory_space<vmem_shared>>)
      tpu.yield
    }) : () -> ()
    %add3A_66 = arith.constant 384 : i32
    %add3A_67 = arith.addi %mul3A_59, %add3A_66 : i32
    "tpu.region"() ({
      %run_scoped3A_96 = tpu.sem_alloc : memref<!tpu.dma_semaphore, #tpu.memory_space<semaphore_mem>>
      %dma_start3A_97 = arith.constant 0 : i32
      %dma_start3A_98 = tpu.memref_slice %arg10[%add3A_67, %dma_start3A_97] : memref<10240x64xf32, #tpu.memory_space<vmem_shared>> -> memref<128x64xf32, #tpu.memory_space<vmem_shared>>
      %dma_start3A_99 = arith.constant 0 : i32
      %dma_start3A_100 = tpu.memref_slice %arg10[%add3A_67, %dma_start3A_99] : memref<10240x64xf32, #tpu.memory_space<vmem_shared>> -> memref<128x64xf32, #tpu.memory_space<vmem_shared>>
      tpu.enqueue_dma source(%arg8 : memref<128x64xf32, #tpu.memory_space<vmem>>) target(%dma_start3A_100 : memref<128x64xf32, #tpu.memory_space<vmem_shared>>) target_semaphore(%run_scoped3A_96 : memref<!tpu.dma_semaphore, #tpu.memory_space<semaphore_mem>>)
      %dma_wait3A = arith.constant 0 : i32
      %dma_wait3A_101 = tpu.memref_slice %arg10[%add3A_67, %dma_wait3A] : memref<10240x64xf32, #tpu.memory_space<vmem_shared>> -> memref<128x64xf32, #tpu.memory_space<vmem_shared>>
      %dma_wait3A_102 = arith.constant 0 : i32
      %dma_wait3A_103 = tpu.memref_slice %arg10[%add3A_67, %dma_wait3A_102] : memref<10240x64xf32, #tpu.memory_space<vmem_shared>> -> memref<128x64xf32, #tpu.memory_space<vmem_shared>>
      tpu.wait_dma2 semaphore(%run_scoped3A_96 : memref<!tpu.dma_semaphore, #tpu.memory_space<semaphore_mem>>) src(%arg8 : memref<128x64xf32, #tpu.memory_space<vmem>>) dst(%dma_wait3A_103 : memref<128x64xf32, #tpu.memory_space<vmem_shared>>)
      tpu.yield
    }) : () -> ()
    %add3A_68 = arith.constant 512 : i32
    %add3A_69 = arith.addi %mul3A_59, %add3A_68 : i32
    "tpu.region"() ({
      %run_scoped3A_96 = tpu.sem_alloc : memref<!tpu.dma_semaphore, #tpu.memory_space<semaphore_mem>>
      %dma_start3A_97 = arith.constant 0 : i32
      %dma_start3A_98 = tpu.memref_slice %arg10[%add3A_69, %dma_start3A_97] : memref<10240x64xf32, #tpu.memory_space<vmem_shared>> -> memref<128x64xf32, #tpu.memory_space<vmem_shared>>
      %dma_start3A_99 = arith.constant 0 : i32
      %dma_start3A_100 = tpu.memref_slice %arg10[%add3A_69, %dma_start3A_99] : memref<10240x64xf32, #tpu.memory_space<vmem_shared>> -> memref<128x64xf32, #tpu.memory_space<vmem_shared>>
      tpu.enqueue_dma source(%arg8 : memref<128x64xf32, #tpu.memory_space<vmem>>) target(%dma_start3A_100 : memref<128x64xf32, #tpu.memory_space<vmem_shared>>) target_semaphore(%run_scoped3A_96 : memref<!tpu.dma_semaphore, #tpu.memory_space<semaphore_mem>>)
      %dma_wait3A = arith.constant 0 : i32
      %dma_wait3A_101 = tpu.memref_slice %arg10[%add3A_69, %dma_wait3A] : memref<10240x64xf32, #tpu.memory_space<vmem_shared>> -> memref<128x64xf32, #tpu.memory_space<vmem_shared>>
      %dma_wait3A_102 = arith.constant 0 : i32
      %dma_wait3A_103 = tpu.memref_slice %arg10[%add3A_69, %dma_wait3A_102] : memref<10240x64xf32, #tpu.memory_space<vmem_shared>> -> memref<128x64xf32, #tpu.memory_space<vmem_shared>>
      tpu.wait_dma2 semaphore(%run_scoped3A_96 : memref<!tpu.dma_semaphore, #tpu.memory_space<semaphore_mem>>) src(%arg8 : memref<128x64xf32, #tpu.memory_space<vmem>>) dst(%dma_wait3A_103 : memref<128x64xf32, #tpu.memory_space<vmem_shared>>)
      tpu.yield
    }) : () -> ()
    %barrier3A_70 = arith.constant 0 : index
    tpu.barrier barrier_id(%barrier3A_70)
    %dma_start3A_71 = arith.constant 0 : i32
    %dma_start3A_72 = arith.constant 0 : i32
    %dma_start3A_73 = tpu.memref_slice %arg6[%dma_start3A_71, %dma_start3A_72] : memref<158x128xi32, #tpu.memory_space<vmem>> -> memref<1x128xi32, #tpu.memory_space<vmem>>
    %dma_start3A_74 = tpu.memref_squeeze %dma_start3A_73 : memref<1x128xi32, #tpu.memory_space<vmem>> -> memref<128xi32, #tpu.memory_space<vmem>>
    %dma_start3A_75 = arith.constant 0 : i32
    %dma_start3A_76 = arith.constant 0 : i32
    %dma_start3A_77 = tpu.memref_slice %arg2[%dma_start3A_75, %dma_start3A_76] : memref<40000x64xf32, #tpu.memory_space<hbm>> -> memref<40000x64xf32, #tpu.memory_space<hbm>>
    tpu.enqueue_indirect_dma source(%dma_start3A_77 : memref<40000x64xf32, #tpu.memory_space<hbm>>) target(%arg8 : memref<128x64xf32, #tpu.memory_space<vmem>>) offsets(%dma_start3A_74 : memref<128xi32, #tpu.memory_space<vmem>>) semaphore(%arg11 : memref<!tpu.dma_semaphore, #tpu.memory_space<semaphore_mem>>)
    %dma_start3A_78 = arith.constant 1 : i32
    %dma_start3A_79 = arith.constant 0 : i32
    %dma_start3A_80 = tpu.memref_slice %arg6[%dma_start3A_78, %dma_start3A_79] : memref<158x128xi32, #tpu.memory_space<vmem>> -> memref<1x128xi32, #tpu.memory_space<vmem>>
    %dma_start3A_81 = tpu.memref_squeeze %dma_start3A_80 : memref<1x128xi32, #tpu.memory_space<vmem>> -> memref<128xi32, #tpu.memory_space<vmem>>
    %dma_start3A_82 = arith.constant 0 : i32
    %dma_start3A_83 = arith.constant 0 : i32
    %dma_start3A_84 = tpu.memref_slice %arg2[%dma_start3A_82, %dma_start3A_83] : memref<40000x64xf32, #tpu.memory_space<hbm>> -> memref<40000x64xf32, #tpu.memory_space<hbm>>
    tpu.enqueue_indirect_dma source(%dma_start3A_84 : memref<40000x64xf32, #tpu.memory_space<hbm>>) target(%arg9 : memref<128x64xf32, #tpu.memory_space<vmem>>) offsets(%dma_start3A_81 : memref<128xi32, #tpu.memory_space<vmem>>) semaphore(%arg12 : memref<!tpu.dma_semaphore, #tpu.memory_space<semaphore_mem>>)
    %scan3A_85 = arith.constant 0 : i32
    %scan3A_86 = arith.constant 79 : i32
    %scan3A_87 = arith.addi %scan3A_85, %scan3A_86 : i32
    %scan3A_88 = arith.constant 1 : i32
    scf.for %scan3A_96 = %scan3A_85 to %scan3A_87 step %scan3A_88  : i32 {
      %mul3A_97 = arith.constant 2 : i32
      %mul3A_98 = arith.muli %scan3A_96, %mul3A_97 : i32
      %add3A_99 = arith.constant 0 : i32
      %add3A_100 = arith.addi %add3A_99, %mul3A_98 : i32
      %dma_wait3A = arith.constant 0 : i32
      %dma_wait3A_101 = arith.constant 0 : i32
      %dma_wait3A_102 = tpu.memref_slice %arg6[%dma_wait3A, %dma_wait3A_101] : memref<158x128xi32, #tpu.memory_space<vmem>> -> memref<1x128xi32, #tpu.memory_space<vmem>>
      %dma_wait3A_103 = tpu.memref_squeeze %dma_wait3A_102 : memref<1x128xi32, #tpu.memory_space<vmem>> -> memref<128xi32, #tpu.memory_space<vmem>>
      %dma_wait3A_104 = arith.constant 0 : i32
      %dma_wait3A_105 = arith.constant 0 : i32
      %dma_wait3A_106 = tpu.memref_slice %arg2[%dma_wait3A_104, %dma_wait3A_105] : memref<40000x64xf32, #tpu.memory_space<hbm>> -> memref<40000x64xf32, #tpu.memory_space<hbm>>
      tpu.wait_indirect_dma semaphore(%arg11 : memref<!tpu.dma_semaphore, #tpu.memory_space<semaphore_mem>>) src(%dma_wait3A_106 : memref<40000x64xf32, #tpu.memory_space<hbm>>) dst(%arg8 : memref<128x64xf32, #tpu.memory_space<vmem>>)
      "tpu.region"() ({
        %run_scoped3A_125 = tpu.sem_alloc : memref<!tpu.dma_semaphore, #tpu.memory_space<semaphore_mem>>
        %dma_start3A_126 = arith.constant 0 : i32
        %dma_start3A_127 = tpu.memref_slice %arg7[%add3A_100, %dma_start3A_126] : memref<158x128xi32, #tpu.memory_space<vmem>> -> memref<1x128xi32, #tpu.memory_space<vmem>>
        %dma_start3A_128 = tpu.memref_squeeze %dma_start3A_127 : memref<1x128xi32, #tpu.memory_space<vmem>> -> memref<128xi32, #tpu.memory_space<vmem>>
        %dma_start3A_129 = arith.constant 0 : i32
        %dma_start3A_130 = arith.constant 0 : i32
        %dma_start3A_131 = tpu.memref_slice %arg10[%dma_start3A_129, %dma_start3A_130] : memref<10240x64xf32, #tpu.memory_space<vmem_shared>> -> memref<10240x64xf32, #tpu.memory_space<vmem_shared>>
        tpu.enqueue_indirect_dma source(%arg8 : memref<128x64xf32, #tpu.memory_space<vmem>>) target(%dma_start3A_131 : memref<10240x64xf32, #tpu.memory_space<vmem_shared>>) offsets(%dma_start3A_128 : memref<128xi32, #tpu.memory_space<vmem>>) semaphore(%run_scoped3A_125 : memref<!tpu.dma_semaphore, #tpu.memory_space<semaphore_mem>>) {add = true}
        %dma_wait3A_132 = arith.constant 0 : i32
        %dma_wait3A_133 = tpu.memref_slice %arg7[%add3A_100, %dma_wait3A_132] : memref<158x128xi32, #tpu.memory_space<vmem>> -> memref<1x128xi32, #tpu.memory_space<vmem>>
        %dma_wait3A_134 = tpu.memref_squeeze %dma_wait3A_133 : memref<1x128xi32, #tpu.memory_space<vmem>> -> memref<128xi32, #tpu.memory_space<vmem>>
        %dma_wait3A_135 = arith.constant 0 : i32
        %dma_wait3A_136 = arith.constant 0 : i32
        %dma_wait3A_137 = tpu.memref_slice %arg10[%dma_wait3A_135, %dma_wait3A_136] : memref<10240x64xf32, #tpu.memory_space<vmem_shared>> -> memref<10240x64xf32, #tpu.memory_space<vmem_shared>>
        tpu.wait_indirect_dma semaphore(%run_scoped3A_125 : memref<!tpu.dma_semaphore, #tpu.memory_space<semaphore_mem>>) src(%arg8 : memref<128x64xf32, #tpu.memory_space<vmem>>) dst(%dma_wait3A_137 : memref<10240x64xf32, #tpu.memory_space<vmem_shared>>)
        tpu.yield
      }) : () -> ()
      %add3A_107 = arith.constant 2 : i32
      %add3A_108 = arith.addi %add3A_100, %add3A_107 : i32
      %lt3A = arith.constant 158 : i32
      %lt3A_109 = arith.cmpi slt, %add3A_108, %lt3A : i32
      %convert_element_type3A = arith.extui %lt3A_109 : i1 to i32
      %cond3A = arith.constant 0 : i32
      %cond3A_110 = arith.cmpi ne, %convert_element_type3A, %cond3A : i32
      scf.if %cond3A_110 {
        %add3A_125 = arith.constant 2 : i32
        %add3A_126 = arith.addi %add3A_100, %add3A_125 : i32
        %dma_start3A_127 = arith.constant 0 : i32
        %dma_start3A_128 = tpu.memref_slice %arg6[%add3A_126, %dma_start3A_127] : memref<158x128xi32, #tpu.memory_space<vmem>> -> memref<1x128xi32, #tpu.memory_space<vmem>>
        %dma_start3A_129 = tpu.memref_squeeze %dma_start3A_128 : memref<1x128xi32, #tpu.memory_space<vmem>> -> memref<128xi32, #tpu.memory_space<vmem>>
        %dma_start3A_130 = arith.constant 0 : i32
        %dma_start3A_131 = arith.constant 0 : i32
        %dma_start3A_132 = tpu.memref_slice %arg2[%dma_start3A_130, %dma_start3A_131] : memref<40000x64xf32, #tpu.memory_space<hbm>> -> memref<40000x64xf32, #tpu.memory_space<hbm>>
        tpu.enqueue_indirect_dma source(%dma_start3A_132 : memref<40000x64xf32, #tpu.memory_space<hbm>>) target(%arg8 : memref<128x64xf32, #tpu.memory_space<vmem>>) offsets(%dma_start3A_129 : memref<128xi32, #tpu.memory_space<vmem>>) semaphore(%arg11 : memref<!tpu.dma_semaphore, #tpu.memory_space<semaphore_mem>>)
      } else {
      }
      %add3A_111 = arith.constant 1 : i32
      %add3A_112 = arith.addi %add3A_100, %add3A_111 : i32
      %lt3A_113 = arith.constant 158 : i32
      %lt3A_114 = arith.cmpi slt, %add3A_112, %lt3A_113 : i32
      %convert_element_type3A_115 = arith.extui %lt3A_114 : i1 to i32
      %cond3A_116 = arith.constant 0 : i32
      %cond3A_117 = arith.cmpi ne, %convert_element_type3A_115, %cond3A_116 : i32
      scf.if %cond3A_117 {
        %dma_wait3A_125 = arith.constant 0 : i32
        %dma_wait3A_126 = arith.constant 0 : i32
        %dma_wait3A_127 = tpu.memref_slice %arg6[%dma_wait3A_125, %dma_wait3A_126] : memref<158x128xi32, #tpu.memory_space<vmem>> -> memref<1x128xi32, #tpu.memory_space<vmem>>
        %dma_wait3A_128 = tpu.memref_squeeze %dma_wait3A_127 : memref<1x128xi32, #tpu.memory_space<vmem>> -> memref<128xi32, #tpu.memory_space<vmem>>
        %dma_wait3A_129 = arith.constant 0 : i32
        %dma_wait3A_130 = arith.constant 0 : i32
        %dma_wait3A_131 = tpu.memref_slice %arg2[%dma_wait3A_129, %dma_wait3A_130] : memref<40000x64xf32, #tpu.memory_space<hbm>> -> memref<40000x64xf32, #tpu.memory_space<hbm>>
        tpu.wait_indirect_dma semaphore(%arg12 : memref<!tpu.dma_semaphore, #tpu.memory_space<semaphore_mem>>) src(%dma_wait3A_131 : memref<40000x64xf32, #tpu.memory_space<hbm>>) dst(%arg9 : memref<128x64xf32, #tpu.memory_space<vmem>>)
        %add3A_132 = arith.constant 1 : i32
        %add3A_133 = arith.addi %add3A_100, %add3A_132 : i32
        "tpu.region"() ({
          %run_scoped3A_134 = tpu.sem_alloc : memref<!tpu.dma_semaphore, #tpu.memory_space<semaphore_mem>>
          %dma_start3A_135 = arith.constant 0 : i32
          %dma_start3A_136 = tpu.memref_slice %arg7[%add3A_133, %dma_start3A_135] : memref<158x128xi32, #tpu.memory_space<vmem>> -> memref<1x128xi32, #tpu.memory_space<vmem>>
          %dma_start3A_137 = tpu.memref_squeeze %dma_start3A_136 : memref<1x128xi32, #tpu.memory_space<vmem>> -> memref<128xi32, #tpu.memory_space<vmem>>
          %dma_start3A_138 = arith.constant 0 : i32
          %dma_start3A_139 = arith.constant 0 : i32
          %dma_start3A_140 = tpu.memref_slice %arg10[%dma_start3A_138, %dma_start3A_139] : memref<10240x64xf32, #tpu.memory_space<vmem_shared>> -> memref<10240x64xf32, #tpu.memory_space<vmem_shared>>
          tpu.enqueue_indirect_dma source(%arg9 : memref<128x64xf32, #tpu.memory_space<vmem>>) target(%dma_start3A_140 : memref<10240x64xf32, #tpu.memory_space<vmem_shared>>) offsets(%dma_start3A_137 : memref<128xi32, #tpu.memory_space<vmem>>) semaphore(%run_scoped3A_134 : memref<!tpu.dma_semaphore, #tpu.memory_space<semaphore_mem>>) {add = true}
          %dma_wait3A_141 = arith.constant 0 : i32
          %dma_wait3A_142 = tpu.memref_slice %arg7[%add3A_133, %dma_wait3A_141] : memref<158x128xi32, #tpu.memory_space<vmem>> -> memref<1x128xi32, #tpu.memory_space<vmem>>
          %dma_wait3A_143 = tpu.memref_squeeze %dma_wait3A_142 : memref<1x128xi32, #tpu.memory_space<vmem>> -> memref<128xi32, #tpu.memory_space<vmem>>
          %dma_wait3A_144 = arith.constant 0 : i32
          %dma_wait3A_145 = arith.constant 0 : i32
          %dma_wait3A_146 = tpu.memref_slice %arg10[%dma_wait3A_144, %dma_wait3A_145] : memref<10240x64xf32, #tpu.memory_space<vmem_shared>> -> memref<10240x64xf32, #tpu.memory_space<vmem_shared>>
          tpu.wait_indirect_dma semaphore(%run_scoped3A_134 : memref<!tpu.dma_semaphore, #tpu.memory_space<semaphore_mem>>) src(%arg9 : memref<128x64xf32, #tpu.memory_space<vmem>>) dst(%dma_wait3A_146 : memref<10240x64xf32, #tpu.memory_space<vmem_shared>>)
          tpu.yield
        }) : () -> ()
      } else {
      }
      %add3A_118 = arith.constant 3 : i32
      %add3A_119 = arith.addi %add3A_100, %add3A_118 : i32
      %lt3A_120 = arith.constant 158 : i32
      %lt3A_121 = arith.cmpi slt, %add3A_119, %lt3A_120 : i32
      %convert_element_type3A_122 = arith.extui %lt3A_121 : i1 to i32
      %cond3A_123 = arith.constant 0 : i32
      %cond3A_124 = arith.cmpi ne, %convert_element_type3A_122, %cond3A_123 : i32
      scf.if %cond3A_124 {
        %add3A_125 = arith.constant 3 : i32
        %add3A_126 = arith.addi %add3A_100, %add3A_125 : i32
        %dma_start3A_127 = arith.constant 0 : i32
        %dma_start3A_128 = tpu.memref_slice %arg6[%add3A_126, %dma_start3A_127] : memref<158x128xi32, #tpu.memory_space<vmem>> -> memref<1x128xi32, #tpu.memory_space<vmem>>
        %dma_start3A_129 = tpu.memref_squeeze %dma_start3A_128 : memref<1x128xi32, #tpu.memory_space<vmem>> -> memref<128xi32, #tpu.memory_space<vmem>>
        %dma_start3A_130 = arith.constant 0 : i32
        %dma_start3A_131 = arith.constant 0 : i32
        %dma_start3A_132 = tpu.memref_slice %arg2[%dma_start3A_130, %dma_start3A_131] : memref<40000x64xf32, #tpu.memory_space<hbm>> -> memref<40000x64xf32, #tpu.memory_space<hbm>>
        tpu.enqueue_indirect_dma source(%dma_start3A_132 : memref<40000x64xf32, #tpu.memory_space<hbm>>) target(%arg9 : memref<128x64xf32, #tpu.memory_space<vmem>>) offsets(%dma_start3A_129 : memref<128xi32, #tpu.memory_space<vmem>>) semaphore(%arg12 : memref<!tpu.dma_semaphore, #tpu.memory_space<semaphore_mem>>)
      } else {
      }
    }
    %scan3A_89 = arith.constant 79 : i32
    %barrier3A_90 = arith.constant 0 : index
    tpu.barrier barrier_id(%barrier3A_90)
    %mul3A_91 = arith.constant 640 : i32
    %mul3A_92 = arith.muli %arg1, %mul3A_91 : i32
    %mul3A_93 = arith.constant 640 : i32
    %mul3A_94 = arith.muli %arg1, %mul3A_93 : i32
    %run_scoped3A_95 = arith.constant 1 : i32
    "tpu.region"() ({
      %run_scoped3A_96 = tpu.sem_alloc : memref<!tpu.dma_semaphore, #tpu.memory_space<semaphore_mem>>
      %dma_start3A_97 = arith.constant 0 : i32
      %dma_start3A_98 = tpu.memref_slice %arg5[%arg0, %run_scoped3A_95, %mul3A_94, %dma_start3A_97] : memref<2x2x10240x64xf32, #tpu.memory_space<hbm>> -> memref<1x1x640x64xf32, #tpu.memory_space<hbm>>
      %dma_start3A_99 = tpu.memref_squeeze %dma_start3A_98 : memref<1x1x640x64xf32, #tpu.memory_space<hbm>> -> memref<640x64xf32, #tpu.memory_space<hbm>>
      %dma_start3A_100 = arith.constant 0 : i32
      %dma_start3A_101 = tpu.memref_slice %arg10[%mul3A_92, %dma_start3A_100] : memref<10240x64xf32, #tpu.memory_space<vmem_shared>> -> memref<640x64xf32, #tpu.memory_space<vmem_shared>>
      tpu.enqueue_dma source(%dma_start3A_101 : memref<640x64xf32, #tpu.memory_space<vmem_shared>>) target(%dma_start3A_99 : memref<640x64xf32, #tpu.memory_space<hbm>>) target_semaphore(%run_scoped3A_96 : memref<!tpu.dma_semaphore, #tpu.memory_space<semaphore_mem>>)
      %dma_wait3A = arith.constant 0 : i32
      %dma_wait3A_102 = tpu.memref_slice %arg5[%arg0, %run_scoped3A_95, %mul3A_94, %dma_wait3A] : memref<2x2x10240x64xf32, #tpu.memory_space<hbm>> -> memref<1x1x640x64xf32, #tpu.memory_space<hbm>>
      %dma_wait3A_103 = tpu.memref_squeeze %dma_wait3A_102 : memref<1x1x640x64xf32, #tpu.memory_space<hbm>> -> memref<640x64xf32, #tpu.memory_space<hbm>>
      %dma_wait3A_104 = arith.constant 0 : i32
      %dma_wait3A_105 = tpu.memref_slice %arg10[%mul3A_92, %dma_wait3A_104] : memref<10240x64xf32, #tpu.memory_space<vmem_shared>> -> memref<640x64xf32, #tpu.memory_space<vmem_shared>>
      tpu.wait_dma2 semaphore(%run_scoped3A_96 : memref<!tpu.dma_semaphore, #tpu.memory_space<semaphore_mem>>) src(%dma_wait3A_105 : memref<640x64xf32, #tpu.memory_space<vmem_shared>>) dst(%dma_wait3A_103 : memref<640x64xf32, #tpu.memory_space<hbm>>)
      tpu.yield
    }) : () -> ()
    return
  }
}

module attributes {stable_mosaic.version = 14 : i64} {
  func.func @body(%arg0: i32, %arg1: memref<1000x128xf32, #tpu.memory_space<vmem>>, %arg2: memref<1x128x128xf32, #tpu.memory_space<vmem>>, %arg3: memref<1x2x1000x16xf32, #tpu.memory_space<vmem>>, %arg4: memref<1000x64xf32, #tpu.memory_space<vmem>>) attributes {dimension_semantics = [#tpu.dimension_semantics<arbitrary>], iteration_bounds = array<i64: 40>, scalar_prefetch = 0 : i64, scratch_operands = 0 : i64, tpu.core_type = #tpu.core_type<tc>, window_params = [{transform_indices = @transform_0, window_bounds = array<i64: 1000, 128>}, {transform_indices = @transform_1, window_bounds = array<i64: 1, 128, 128>}, {transform_indices = @transform_2, window_bounds = array<i64: 1, 2, 1000, 16>}, {transform_indices = @transform_3, window_bounds = array<i64: 1000, 64>}]} {
    %jit3A = arith.constant 10 : i32
    %div3A = arith.divsi %arg0, %jit3A : i32
    %sign3A = arith.constant 0 : i32
    %sign3A_0 = arith.cmpi sgt, %arg0, %sign3A : i32
    %sign3A_1 = arith.extui %sign3A_0 : i1 to i32
    %sign3A_2 = arith.constant 0 : i32
    %sign3A_3 = arith.cmpi slt, %arg0, %sign3A_2 : i32
    %sign3A_4 = arith.extui %sign3A_3 : i1 to i32
    %sign3A_5 = arith.subi %sign3A_1, %sign3A_4 : i32
    %sign3A_6 = arith.constant 0 : i32
    %sign3A_7 = arith.cmpi sgt, %jit3A, %sign3A_6 : i32
    %sign3A_8 = arith.extui %sign3A_7 : i1 to i32
    %sign3A_9 = arith.constant 0 : i32
    %sign3A_10 = arith.cmpi slt, %jit3A, %sign3A_9 : i32
    %sign3A_11 = arith.extui %sign3A_10 : i1 to i32
    %sign3A_12 = arith.subi %sign3A_8, %sign3A_11 : i32
    %ne3A = arith.cmpi ne, %sign3A_5, %sign3A_12 : i32
    %rem3A = arith.remsi %arg0, %jit3A : i32
    %ne3A_13 = arith.constant 0 : i32
    %ne3A_14 = arith.cmpi ne, %rem3A, %ne3A_13 : i32
    %and3A = arith.andi %ne3A, %ne3A_14 : i1
    %sub3A = arith.constant 1 : i32
    %sub3A_15 = arith.subi %div3A, %sub3A : i32
    %select_n3A = arith.select %and3A, %sub3A_15, %div3A : i32
    %jit3A_16 = arith.constant 2 : i32
    %eq3A = arith.constant 0 : i32
    %eq3A_17 = arith.cmpi eq, %jit3A_16, %eq3A : i32
    %jit3A_18 = arith.constant 1 : i32
    %select_n3A_19 = arith.select %eq3A_17, %jit3A_18, %jit3A_16 : i32
    %rem3A_20 = arith.remsi %select_n3A, %select_n3A_19 : i32
    %ne3A_21 = arith.constant 0 : i32
    %ne3A_22 = arith.cmpi ne, %rem3A_20, %ne3A_21 : i32
    %lt3A = arith.constant 0 : i32
    %lt3A_23 = arith.cmpi slt, %rem3A_20, %lt3A : i32
    %lt3A_24 = arith.constant 0 : i32
    %lt3A_25 = arith.cmpi slt, %select_n3A_19, %lt3A_24 : i32
    %ne3A_26 = arith.xori %lt3A_23, %lt3A_25 : i1
    %and3A_27 = arith.andi %ne3A_26, %ne3A_22 : i1
    %add3A = arith.addi %rem3A_20, %select_n3A_19 : i32
    %select_n3A_28 = arith.select %and3A_27, %add3A, %rem3A_20 : i32
    %get3A = arith.constant 0 : index
    %get3A_29 = arith.constant 0 : index
    %get3A_30 = arith.constant 0 : index
    %get3A_31 = arith.constant 0 : index
    %get3A_32 = vector.load %arg3[%get3A, %get3A_29, %get3A_30, %get3A_31] : memref<1x2x1000x16xf32, #tpu.memory_space<vmem>>, vector<1x1x1000x1xf32>
    %get3A_33 = vector.shape_cast %get3A_32 : vector<1x1x1000x1xf32> to vector<1000xf32>
    %get3A_34 = arith.constant 0 : index
    %get3A_35 = arith.constant 1 : index
    %get3A_36 = arith.constant 0 : index
    %get3A_37 = arith.constant 0 : index
    %get3A_38 = vector.load %arg3[%get3A_34, %get3A_35, %get3A_36, %get3A_37] : memref<1x2x1000x16xf32, #tpu.memory_space<vmem>>, vector<1x1x1000x1xf32>
    %get3A_39 = vector.shape_cast %get3A_38 : vector<1x1x1000x1xf32> to vector<1000xf32>
    %add3A_40 = arith.addf %get3A_33, %get3A_39 : vector<1000xf32>
    %add3A_41 = arith.constant 1.000000e+00 : f32
    %add3A_42 = vector.broadcast %add3A_41 : f32 to vector<1000xf32>
    %add3A_43 = arith.addf %add3A_40, %add3A_42 : vector<1000xf32>
    %rsqrt3A = math.rsqrt %add3A_43 : vector<1000xf32>
    %broadcast_in_dim3A = vector.shape_cast %rsqrt3A : vector<1000xf32> to vector<1000x1xf32>
    %get3A_44 = arith.constant 0 : index
    %get3A_45 = arith.constant 0 : index
    %get3A_46 = vector.load %arg1[%get3A_44, %get3A_45] : memref<1000x128xf32, #tpu.memory_space<vmem>>, vector<1000x128xf32>
    %get3A_47 = arith.constant 0 : index
    %get3A_48 = arith.constant 0 : index
    %get3A_49 = arith.constant 0 : index
    %get3A_50 = vector.load %arg2[%get3A_47, %get3A_48, %get3A_49] : memref<1x128x128xf32, #tpu.memory_space<vmem>>, vector<1x128x128xf32>
    %get3A_51 = vector.shape_cast %get3A_50 : vector<1x128x128xf32> to vector<128x128xf32>
    %dot_general3A = arith.constant dense<0.000000e+00> : vector<1000x128xf32>
    %dot_general3A_52 = tpu.matmul %get3A_46, %get3A_51, %dot_general3A {dimension_numbers = #tpu.dot_dimension_numbers<[1], [0], [0], [1], [0, 0, 1, 1], [], []>, transpose_lhs_hint = false} : vector<1000x128xf32>, vector<128x128xf32>, vector<1000x128xf32> -> vector<1000x128xf32>
    %eq3A_53 = arith.constant 0 : i32
    %eq3A_54 = arith.cmpi eq, %select_n3A_28, %eq3A_53 : i32
    %slice3A = vector.extract_strided_slice %dot_general3A_52 {offsets = [0, 0], sizes = [1000, 64], strides = [1, 1]} : vector<1000x128xf32> to vector<1000x64xf32>
    %slice3A_55 = vector.extract_strided_slice %dot_general3A_52 {offsets = [0, 64], sizes = [1000, 64], strides = [1, 1]} : vector<1000x128xf32> to vector<1000x64xf32>
    %select_n3A_56 = arith.select %eq3A_54, %slice3A, %slice3A_55 : vector<1000x64xf32>
    %mul3A = vector.broadcast %broadcast_in_dim3A : vector<1000x1xf32> to vector<1000x64xf32>
    %mul3A_57 = arith.mulf %select_n3A_56, %mul3A : vector<1000x64xf32>
    %swap3A = arith.constant 0 : index
    %swap3A_58 = arith.constant 0 : index
    %swap3A_59 = vector.load %arg4[%swap3A, %swap3A_58] : memref<1000x64xf32, #tpu.memory_space<vmem>>, vector<1000x64xf32>
    tpu.vector_store %arg4[%swap3A, %swap3A_58], %mul3A_57 {strides = array<i32>} : memref<1000x64xf32, #tpu.memory_space<vmem>>, vector<1000x64xf32>,
    return
  }
  func.func @transform_0(%arg0: i32) -> (i32, i32) {
    %jit3A = arith.constant 10 : i32
    %eq3A = arith.constant 0 : i32
    %eq3A_0 = arith.cmpi eq, %jit3A, %eq3A : i32
    %jit3A_1 = arith.constant 1 : i32
    %select_n3A = arith.select %eq3A_0, %jit3A_1, %jit3A : i32
    %rem3A = arith.remsi %arg0, %select_n3A : i32
    %ne3A = arith.constant 0 : i32
    %ne3A_2 = arith.cmpi ne, %rem3A, %ne3A : i32
    %lt3A = arith.constant 0 : i32
    %lt3A_3 = arith.cmpi slt, %rem3A, %lt3A : i32
    %lt3A_4 = arith.constant 0 : i32
    %lt3A_5 = arith.cmpi slt, %select_n3A, %lt3A_4 : i32
    %ne3A_6 = arith.xori %lt3A_3, %lt3A_5 : i1
    %and3A = arith.andi %ne3A_6, %ne3A_2 : i1
    %add3A = arith.addi %rem3A, %select_n3A : i32
    %select_n3A_7 = arith.select %and3A, %add3A, %rem3A : i32
    %c0_i32 = arith.constant 0 : i32
    %c0_i32_8 = arith.constant 0 : i32
    return %select_n3A_7, %c0_i32 : i32, i32
  }
  func.func @transform_1(%arg0: i32) -> (i32, i32, i32) {
    %jit3A = arith.constant 20 : i32
    %div3A = arith.divsi %arg0, %jit3A : i32
    %sign3A = arith.constant 0 : i32
    %sign3A_0 = arith.cmpi sgt, %arg0, %sign3A : i32
    %sign3A_1 = arith.extui %sign3A_0 : i1 to i32
    %sign3A_2 = arith.constant 0 : i32
    %sign3A_3 = arith.cmpi slt, %arg0, %sign3A_2 : i32
    %sign3A_4 = arith.extui %sign3A_3 : i1 to i32
    %sign3A_5 = arith.subi %sign3A_1, %sign3A_4 : i32
    %sign3A_6 = arith.constant 0 : i32
    %sign3A_7 = arith.cmpi sgt, %jit3A, %sign3A_6 : i32
    %sign3A_8 = arith.extui %sign3A_7 : i1 to i32
    %sign3A_9 = arith.constant 0 : i32
    %sign3A_10 = arith.cmpi slt, %jit3A, %sign3A_9 : i32
    %sign3A_11 = arith.extui %sign3A_10 : i1 to i32
    %sign3A_12 = arith.subi %sign3A_8, %sign3A_11 : i32
    %ne3A = arith.cmpi ne, %sign3A_5, %sign3A_12 : i32
    %rem3A = arith.remsi %arg0, %jit3A : i32
    %ne3A_13 = arith.constant 0 : i32
    %ne3A_14 = arith.cmpi ne, %rem3A, %ne3A_13 : i32
    %and3A = arith.andi %ne3A, %ne3A_14 : i1
    %sub3A = arith.constant 1 : i32
    %sub3A_15 = arith.subi %div3A, %sub3A : i32
    %select_n3A = arith.select %and3A, %sub3A_15, %div3A : i32
    %c0_i32 = arith.constant 0 : i32
    %c0_i32_16 = arith.constant 0 : i32
    %c0_i32_17 = arith.constant 0 : i32
    return %select_n3A, %c0_i32, %c0_i32_16 : i32, i32, i32
  }
  func.func @transform_2(%arg0: i32) -> (i32, i32, i32, i32) {
    %jit3A = arith.constant 10 : i32
    %eq3A = arith.constant 0 : i32
    %eq3A_0 = arith.cmpi eq, %jit3A, %eq3A : i32
    %jit3A_1 = arith.constant 1 : i32
    %select_n3A = arith.select %eq3A_0, %jit3A_1, %jit3A : i32
    %rem3A = arith.remsi %arg0, %select_n3A : i32
    %ne3A = arith.constant 0 : i32
    %ne3A_2 = arith.cmpi ne, %rem3A, %ne3A : i32
    %lt3A = arith.constant 0 : i32
    %lt3A_3 = arith.cmpi slt, %rem3A, %lt3A : i32
    %lt3A_4 = arith.constant 0 : i32
    %lt3A_5 = arith.cmpi slt, %select_n3A, %lt3A_4 : i32
    %ne3A_6 = arith.xori %lt3A_3, %lt3A_5 : i1
    %and3A = arith.andi %ne3A_6, %ne3A_2 : i1
    %add3A = arith.addi %rem3A, %select_n3A : i32
    %select_n3A_7 = arith.select %and3A, %add3A, %rem3A : i32
    %c0_i32 = arith.constant 0 : i32
    %c0_i32_8 = arith.constant 0 : i32
    %c0_i32_9 = arith.constant 0 : i32
    %c0_i32_10 = arith.constant 0 : i32
    return %c0_i32, %c0_i32_8, %select_n3A_7, %c0_i32_9 : i32, i32, i32, i32
  }
  func.func @transform_3(%arg0: i32) -> (i32, i32) {
    %c0_i32 = arith.constant 0 : i32
    %c0_i32_0 = arith.constant 0 : i32
    return %arg0, %c0_i32 : i32, i32
  }
}

module attributes {stable_mosaic.version = 14 : i64} {
  func.func @body(%arg0: i32, %arg1: memref<1x2x2x1000x64xf32, #tpu.memory_space<vmem>>, %arg2: memref<1000x64xf32, #tpu.memory_space<vmem>>, %arg3: memref<1000x64xf32, #tpu.memory_space<vmem>>, %arg4: memref<1000x64xf32, #tpu.memory_space<vmem>>, %arg5: memref<1000x64xf32, #tpu.memory_space<vmem>>, %arg6: memref<1x2x1000x16xf32, #tpu.memory_space<vmem>>, %arg7: memref<1x128xf32, #tpu.memory_space<vmem>>, %arg8: memref<1x128xf32, #tpu.memory_space<vmem>>, %arg9: memref<128x1xf32, #tpu.memory_space<vmem>>, %arg10: memref<128x1xf32, #tpu.memory_space<vmem>>, %arg11: memref<1x1xf32, #tpu.memory_space<vmem>>, %arg12: memref<1000x128xf32, #tpu.memory_space<vmem>>, %arg13: memref<1000x128xf32, #tpu.memory_space<vmem>>, %arg14: memref<1000x1xf32, #tpu.memory_space<vmem>>, %arg15: memref<1x1xf32, #tpu.memory_space<vmem>>) attributes {dimension_semantics = [#tpu.dimension_semantics<arbitrary>], iteration_bounds = array<i64: 10>, scalar_prefetch = 0 : i64, scratch_operands = 0 : i64, tpu.core_type = #tpu.core_type<tc>, window_params = [{transform_indices = @transform_0, window_bounds = array<i64: 1, 2, 2, 1000, 64>}, {transform_indices = @transform_1, window_bounds = array<i64: 1000, 64>}, {transform_indices = @transform_2, window_bounds = array<i64: 1000, 64>}, {transform_indices = @transform_3, window_bounds = array<i64: 1000, 64>}, {transform_indices = @transform_4, window_bounds = array<i64: 1000, 64>}, {transform_indices = @transform_5, window_bounds = array<i64: 1, 2, 1000, 16>}, {pipeline_mode = #tpu.pipeline_mode<synchronous>, transform_indices = @transform_6, window_bounds = array<i64: 1, 128>}, {pipeline_mode = #tpu.pipeline_mode<synchronous>, transform_indices = @transform_7, window_bounds = array<i64: 1, 128>}, {pipeline_mode = #tpu.pipeline_mode<synchronous>, transform_indices = @transform_8, window_bounds = array<i64: 128, 1>}, {pipeline_mode = #tpu.pipeline_mode<synchronous>, transform_indices = @transform_9, window_bounds = array<i64: 128, 1>}, {pipeline_mode = #tpu.pipeline_mode<synchronous>, transform_indices = @transform_10, window_bounds = array<i64: 1, 1>}, {transform_indices = @transform_11, window_bounds = array<i64: 1000, 128>}, {transform_indices = @transform_12, window_bounds = array<i64: 1000, 128>}, {transform_indices = @transform_13, window_bounds = array<i64: 1000, 1>}, {pipeline_mode = #tpu.pipeline_mode<synchronous>, transform_indices = @transform_14, window_bounds = array<i64: 1, 1>}]} {
    %get3A = arith.constant 0 : index
    %get3A_0 = arith.constant 0 : index
    %get3A_1 = arith.constant 0 : index
    %get3A_2 = arith.constant 0 : index
    %get3A_3 = vector.load %arg6[%get3A, %get3A_0, %get3A_1, %get3A_2] : memref<1x2x1000x16xf32, #tpu.memory_space<vmem>>, vector<1x1x1000x1xf32>
    %get3A_4 = vector.shape_cast %get3A_3 : vector<1x1x1000x1xf32> to vector<1000xf32>
    %get3A_5 = arith.constant 0 : index
    %get3A_6 = arith.constant 1 : index
    %get3A_7 = arith.constant 0 : index
    %get3A_8 = arith.constant 0 : index
    %get3A_9 = vector.load %arg6[%get3A_5, %get3A_6, %get3A_7, %get3A_8] : memref<1x2x1000x16xf32, #tpu.memory_space<vmem>>, vector<1x1x1000x1xf32>
    %get3A_10 = vector.shape_cast %get3A_9 : vector<1x1x1000x1xf32> to vector<1000xf32>
    %add3A = arith.addf %get3A_4, %get3A_10 : vector<1000xf32>
    %add3A_11 = arith.constant 1.000000e+00 : f32
    %add3A_12 = vector.broadcast %add3A_11 : f32 to vector<1000xf32>
    %add3A_13 = arith.addf %add3A, %add3A_12 : vector<1000xf32>
    %rsqrt3A = math.rsqrt %add3A_13 : vector<1000xf32>
    %broadcast_in_dim3A = vector.shape_cast %rsqrt3A : vector<1000xf32> to vector<1000x1xf32>
    %get3A_14 = arith.constant 0 : index
    %get3A_15 = arith.constant 0 : index
    %get3A_16 = arith.constant 0 : index
    %get3A_17 = arith.constant 0 : index
    %get3A_18 = arith.constant 0 : index
    %get3A_19 = vector.load %arg1[%get3A_14, %get3A_15, %get3A_16, %get3A_17, %get3A_18] : memref<1x2x2x1000x64xf32, #tpu.memory_space<vmem>>, vector<1x1x1x1000x64xf32>
    %get3A_20 = vector.shape_cast %get3A_19 : vector<1x1x1x1000x64xf32> to vector<1000x64xf32>
    %get3A_21 = arith.constant 0 : index
    %get3A_22 = arith.constant 0 : index
    %get3A_23 = arith.constant 1 : index
    %get3A_24 = arith.constant 0 : index
    %get3A_25 = arith.constant 0 : index
    %get3A_26 = vector.load %arg1[%get3A_21, %get3A_22, %get3A_23, %get3A_24, %get3A_25] : memref<1x2x2x1000x64xf32, #tpu.memory_space<vmem>>, vector<1x1x1x1000x64xf32>
    %get3A_27 = vector.shape_cast %get3A_26 : vector<1x1x1x1000x64xf32> to vector<1000x64xf32>
    %concatenate3A = tpu.concatenate %get3A_20, %get3A_27 in 1 : vector<1000x64xf32>, vector<1000x64xf32> -> vector<1000x128xf32>
    %get3A_28 = arith.constant 0 : index
    %get3A_29 = arith.constant 1 : index
    %get3A_30 = arith.constant 0 : index
    %get3A_31 = arith.constant 0 : index
    %get3A_32 = arith.constant 0 : index
    %get3A_33 = vector.load %arg1[%get3A_28, %get3A_29, %get3A_30, %get3A_31, %get3A_32] : memref<1x2x2x1000x64xf32, #tpu.memory_space<vmem>>, vector<1x1x1x1000x64xf32>
    %get3A_34 = vector.shape_cast %get3A_33 : vector<1x1x1x1000x64xf32> to vector<1000x64xf32>
    %get3A_35 = arith.constant 0 : index
    %get3A_36 = arith.constant 1 : index
    %get3A_37 = arith.constant 1 : index
    %get3A_38 = arith.constant 0 : index
    %get3A_39 = arith.constant 0 : index
    %get3A_40 = vector.load %arg1[%get3A_35, %get3A_36, %get3A_37, %get3A_38, %get3A_39] : memref<1x2x2x1000x64xf32, #tpu.memory_space<vmem>>, vector<1x1x1x1000x64xf32>
    %get3A_41 = vector.shape_cast %get3A_40 : vector<1x1x1x1000x64xf32> to vector<1000x64xf32>
    %concatenate3A_42 = tpu.concatenate %get3A_34, %get3A_41 in 1 : vector<1000x64xf32>, vector<1000x64xf32> -> vector<1000x128xf32>
    %get3A_43 = arith.constant 0 : index
    %get3A_44 = arith.constant 0 : index
    %get3A_45 = vector.load %arg2[%get3A_43, %get3A_44] : memref<1000x64xf32, #tpu.memory_space<vmem>>, vector<1000x64xf32>
    %get3A_46 = arith.constant 0 : index
    %get3A_47 = arith.constant 0 : index
    %get3A_48 = vector.load %arg3[%get3A_46, %get3A_47] : memref<1000x64xf32, #tpu.memory_space<vmem>>, vector<1000x64xf32>
    %concatenate3A_49 = tpu.concatenate %get3A_45, %get3A_48 in 1 : vector<1000x64xf32>, vector<1000x64xf32> -> vector<1000x128xf32>
    %get3A_50 = arith.constant 0 : index
    %get3A_51 = arith.constant 0 : index
    %get3A_52 = vector.load %arg4[%get3A_50, %get3A_51] : memref<1000x64xf32, #tpu.memory_space<vmem>>, vector<1000x64xf32>
    %get3A_53 = arith.constant 0 : index
    %get3A_54 = arith.constant 0 : index
    %get3A_55 = vector.load %arg5[%get3A_53, %get3A_54] : memref<1000x64xf32, #tpu.memory_space<vmem>>, vector<1000x64xf32>
    %concatenate3A_56 = tpu.concatenate %get3A_52, %get3A_55 in 1 : vector<1000x64xf32>, vector<1000x64xf32> -> vector<1000x128xf32>
    %add3A_57 = arith.addf %concatenate3A, %concatenate3A_49 : vector<1000x128xf32>
    %mul3A = vector.broadcast %broadcast_in_dim3A : vector<1000x1xf32> to vector<1000x128xf32>
    %mul3A_58 = arith.mulf %add3A_57, %mul3A : vector<1000x128xf32>
    %get3A_59 = arith.constant 0 : index
    %get3A_60 = arith.constant 0 : index
    %get3A_61 = vector.load %arg7[%get3A_59, %get3A_60] : memref<1x128xf32, #tpu.memory_space<vmem>>, vector<1x128xf32>
    %add3A_62 = vector.broadcast %get3A_61 : vector<1x128xf32> to vector<1000x128xf32>
    %add3A_63 = arith.addf %mul3A_58, %add3A_62 : vector<1000x128xf32>
    %max3A = arith.constant 0.000000e+00 : f32
    %max3A_64 = vector.broadcast %max3A : f32 to vector<1000x128xf32>
    %max3A_65 = arith.maximumf %add3A_63, %max3A_64 : vector<1000x128xf32>
    %add3A_66 = arith.addf %concatenate3A_42, %concatenate3A_56 : vector<1000x128xf32>
    %mul3A_67 = vector.broadcast %broadcast_in_dim3A : vector<1000x1xf32> to vector<1000x128xf32>
    %mul3A_68 = arith.mulf %add3A_66, %mul3A_67 : vector<1000x128xf32>
    %get3A_69 = arith.constant 0 : index
    %get3A_70 = arith.constant 0 : index
    %get3A_71 = vector.load %arg8[%get3A_69, %get3A_70] : memref<1x128xf32, #tpu.memory_space<vmem>>, vector<1x128xf32>
    %add3A_72 = vector.broadcast %get3A_71 : vector<1x128xf32> to vector<1000x128xf32>
    %add3A_73 = arith.addf %mul3A_68, %add3A_72 : vector<1000x128xf32>
    %max3A_74 = arith.constant 0.000000e+00 : f32
    %max3A_75 = vector.broadcast %max3A_74 : f32 to vector<1000x128xf32>
    %max3A_76 = arith.maximumf %add3A_73, %max3A_75 : vector<1000x128xf32>
    %get3A_77 = arith.constant 0 : index
    %get3A_78 = arith.constant 0 : index
    %get3A_79 = vector.load %arg9[%get3A_77, %get3A_78] : memref<128x1xf32, #tpu.memory_space<vmem>>, vector<128x1xf32>
    %dot_general3A = arith.constant dense<0.000000e+00> : vector<1000x1xf32>
    %dot_general3A_80 = tpu.matmul %max3A_65, %get3A_79, %dot_general3A {dimension_numbers = #tpu.dot_dimension_numbers<[1], [0], [0], [1], [0, 0, 1, 1], [], []>, transpose_lhs_hint = false} : vector<1000x128xf32>, vector<128x1xf32>, vector<1000x1xf32> -> vector<1000x1xf32>
    %get3A_81 = arith.constant 0 : index
    %get3A_82 = arith.constant 0 : index
    %get3A_83 = vector.load %arg10[%get3A_81, %get3A_82] : memref<128x1xf32, #tpu.memory_space<vmem>>, vector<128x1xf32>
    %dot_general3A_84 = arith.constant dense<0.000000e+00> : vector<1000x1xf32>
    %dot_general3A_85 = tpu.matmul %max3A_76, %get3A_83, %dot_general3A_84 {dimension_numbers = #tpu.dot_dimension_numbers<[1], [0], [0], [1], [0, 0, 1, 1], [], []>, transpose_lhs_hint = false} : vector<1000x128xf32>, vector<128x1xf32>, vector<1000x1xf32> -> vector<1000x1xf32>
    %add3A_86 = arith.addf %dot_general3A_80, %dot_general3A_85 : vector<1000x1xf32>
    %get3A_87 = arith.constant 0 : index
    %get3A_88 = arith.constant 0 : index
    %get3A_89 = vector.load %arg11[%get3A_87, %get3A_88] : memref<1x1xf32, #tpu.memory_space<vmem>>, vector<1x1xf32>
    %add3A_90 = vector.broadcast %get3A_89 : vector<1x1xf32> to vector<1000x1xf32>
    %add3A_91 = arith.addf %add3A_86, %add3A_90 : vector<1000x1xf32>
    %gt3A = arith.constant 0.000000e+00 : f32
    %gt3A_92 = vector.broadcast %gt3A : f32 to vector<1000x1xf32>
    %gt3A_93 = arith.cmpf ogt, %add3A_91, %gt3A_92 : vector<1000x1xf32>
    %mul3A_94 = arith.constant 2.000000e-01 : f32
    %mul3A_95 = vector.broadcast %mul3A_94 : f32 to vector<1000x1xf32>
    %mul3A_96 = arith.mulf %mul3A_95, %add3A_91 : vector<1000x1xf32>
    %select_n3A = arith.select %gt3A_93, %add3A_91, %mul3A_96 : vector<1000x1xi1>, vector<1000x1xf32>
    %swap3A = arith.constant 0 : index
    %swap3A_97 = arith.constant 0 : index
    %swap3A_98 = vector.load %arg12[%swap3A, %swap3A_97] : memref<1000x128xf32, #tpu.memory_space<vmem>>, vector<1000x128xf32>
    tpu.vector_store %arg12[%swap3A, %swap3A_97], %max3A_65 {strides = array<i32>} : memref<1000x128xf32, #tpu.memory_space<vmem>>, vector<1000x128xf32>,
    %swap3A_99 = arith.constant 0 : index
    %swap3A_100 = arith.constant 0 : index
    %swap3A_101 = vector.load %arg13[%swap3A_99, %swap3A_100] : memref<1000x128xf32, #tpu.memory_space<vmem>>, vector<1000x128xf32>
    tpu.vector_store %arg13[%swap3A_99, %swap3A_100], %max3A_76 {strides = array<i32>} : memref<1000x128xf32, #tpu.memory_space<vmem>>, vector<1000x128xf32>,
    %swap3A_102 = arith.constant 0 : index
    %swap3A_103 = arith.constant 0 : index
    %swap3A_104 = vector.load %arg14[%swap3A_102, %swap3A_103] : memref<1000x1xf32, #tpu.memory_space<vmem>>, vector<1000x1xf32>
    tpu.vector_store %arg14[%swap3A_102, %swap3A_103], %select_n3A {strides = array<i32>} : memref<1000x1xf32, #tpu.memory_space<vmem>>, vector<1000x1xf32>,
    %eq3A = arith.constant 0 : i32
    %eq3A_105 = arith.cmpi eq, %arg0, %eq3A : i32
    %convert_element_type3A = arith.extui %eq3A_105 : i1 to i32
    %cond3A = arith.constant 0 : i32
    %cond3A_106 = arith.cmpi ne, %convert_element_type3A, %cond3A : i32
    scf.if %cond3A_106 {
      %broadcast_in_dim3A_119 = arith.constant 0xFF800000 : f32
      %broadcast_in_dim3A_120 = vector.broadcast %broadcast_in_dim3A_119 : f32 to vector<1x1xf32>
      %swap3A_121 = arith.constant 0 : index
      %swap3A_122 = arith.constant 0 : index
      %swap3A_123 = vector.load %arg15[%swap3A_121, %swap3A_122] : memref<1x1xf32, #tpu.memory_space<vmem>>, vector<1x1xf32>
      tpu.vector_store %arg15[%swap3A_121, %swap3A_122], %broadcast_in_dim3A_120 {strides = array<i32>} : memref<1x1xf32, #tpu.memory_space<vmem>>, vector<1x1xf32>,
    } else {
    }
    %get3A_107 = arith.constant 0 : index
    %get3A_108 = arith.constant 0 : index
    %get3A_109 = vector.load %arg15[%get3A_107, %get3A_108] : memref<1x1xf32, #tpu.memory_space<vmem>>, vector<1x1xf32>
    %reduce_max3A = vector.shape_cast %select_n3A : vector<1000x1xf32> to vector<1x1000x1xf32>
    %reduce_max3A_110 = arith.constant dense<0xFF800000> : vector<1xf32>
    %reduce_max3A_111 = vector.multi_reduction <maximumf>, %reduce_max3A, %reduce_max3A_110 [1, 2] : vector<1x1000x1xf32> to vector<1xf32>
    %reduce_max3A_112 = vector.shape_cast %reduce_max3A_111 : vector<1xf32> to vector<1x1x1xf32>
    %reduce_max3A_113 = vector.extract %reduce_max3A_112[0, 0, 0] : f32 from vector<1x1x1xf32>
    %max3A_114 = vector.broadcast %reduce_max3A_113 : f32 to vector<1x1xf32>
    %max3A_115 = arith.maximumf %get3A_109, %max3A_114 : vector<1x1xf32>
    %swap3A_116 = arith.constant 0 : index
    %swap3A_117 = arith.constant 0 : index
    %swap3A_118 = vector.load %arg15[%swap3A_116, %swap3A_117] : memref<1x1xf32, #tpu.memory_space<vmem>>, vector<1x1xf32>
    tpu.vector_store %arg15[%swap3A_116, %swap3A_117], %max3A_115 {strides = array<i32>} : memref<1x1xf32, #tpu.memory_space<vmem>>, vector<1x1xf32>,
    return
  }
  func.func @transform_0(%arg0: i32) -> (i32, i32, i32, i32, i32) {
    %c0_i32 = arith.constant 0 : i32
    %c0_i32_0 = arith.constant 0 : i32
    %c0_i32_1 = arith.constant 0 : i32
    %c0_i32_2 = arith.constant 0 : i32
    %c0_i32_3 = arith.constant 0 : i32
    return %c0_i32, %c0_i32_0, %c0_i32_1, %arg0, %c0_i32_2 : i32, i32, i32, i32, i32
  }
  func.func @transform_1(%arg0: i32) -> (i32, i32) {
    %c0_i32 = arith.constant 0 : i32
    %c0_i32_0 = arith.constant 0 : i32
    return %arg0, %c0_i32 : i32, i32
  }
  func.func @transform_2(%arg0: i32) -> (i32, i32) {
    %add3A = arith.constant 10 : i32
    %add3A_0 = arith.addi %add3A, %arg0 : i32
    %c0_i32 = arith.constant 0 : i32
    %c0_i32_1 = arith.constant 0 : i32
    return %add3A_0, %c0_i32 : i32, i32
  }
  func.func @transform_3(%arg0: i32) -> (i32, i32) {
    %add3A = arith.constant 20 : i32
    %add3A_0 = arith.addi %add3A, %arg0 : i32
    %c0_i32 = arith.constant 0 : i32
    %c0_i32_1 = arith.constant 0 : i32
    return %add3A_0, %c0_i32 : i32, i32
  }
  func.func @transform_4(%arg0: i32) -> (i32, i32) {
    %add3A = arith.constant 30 : i32
    %add3A_0 = arith.addi %add3A, %arg0 : i32
    %c0_i32 = arith.constant 0 : i32
    %c0_i32_1 = arith.constant 0 : i32
    return %add3A_0, %c0_i32 : i32, i32
  }
  func.func @transform_5(%arg0: i32) -> (i32, i32, i32, i32) {
    %c0_i32 = arith.constant 0 : i32
    %c0_i32_0 = arith.constant 0 : i32
    %c0_i32_1 = arith.constant 0 : i32
    %c0_i32_2 = arith.constant 0 : i32
    return %c0_i32, %c0_i32_0, %arg0, %c0_i32_1 : i32, i32, i32, i32
  }
  func.func @transform_6(%arg0: i32) -> (i32, i32) {
    %c0_i32 = arith.constant 0 : i32
    %c0_i32_0 = arith.constant 0 : i32
    %c0_i32_1 = arith.constant 0 : i32
    return %c0_i32, %c0_i32_0 : i32, i32
  }
  func.func @transform_7(%arg0: i32) -> (i32, i32) {
    %c0_i32 = arith.constant 0 : i32
    %c0_i32_0 = arith.constant 0 : i32
    %c0_i32_1 = arith.constant 0 : i32
    return %c0_i32, %c0_i32_0 : i32, i32
  }
  func.func @transform_8(%arg0: i32) -> (i32, i32) {
    %c0_i32 = arith.constant 0 : i32
    %c0_i32_0 = arith.constant 0 : i32
    %c0_i32_1 = arith.constant 0 : i32
    return %c0_i32, %c0_i32_0 : i32, i32
  }
  func.func @transform_9(%arg0: i32) -> (i32, i32) {
    %c0_i32 = arith.constant 0 : i32
    %c0_i32_0 = arith.constant 0 : i32
    %c0_i32_1 = arith.constant 0 : i32
    return %c0_i32, %c0_i32_0 : i32, i32
  }
  func.func @transform_10(%arg0: i32) -> (i32, i32) {
    %c0_i32 = arith.constant 0 : i32
    %c0_i32_0 = arith.constant 0 : i32
    %c0_i32_1 = arith.constant 0 : i32
    return %c0_i32, %c0_i32_0 : i32, i32
  }
  func.func @transform_11(%arg0: i32) -> (i32, i32) {
    %c0_i32 = arith.constant 0 : i32
    %c0_i32_0 = arith.constant 0 : i32
    return %arg0, %c0_i32 : i32, i32
  }
  func.func @transform_12(%arg0: i32) -> (i32, i32) {
    %c0_i32 = arith.constant 0 : i32
    %c0_i32_0 = arith.constant 0 : i32
    return %arg0, %c0_i32 : i32, i32
  }
  func.func @transform_13(%arg0: i32) -> (i32, i32) {
    %c0_i32 = arith.constant 0 : i32
    %c0_i32_0 = arith.constant 0 : i32
    return %arg0, %c0_i32 : i32, i32
  }
  func.func @transform_14(%arg0: i32) -> (i32, i32) {
    %c0_i32 = arith.constant 0 : i32
    %c0_i32_0 = arith.constant 0 : i32
    %c0_i32_1 = arith.constant 0 : i32
    return %c0_i32, %c0_i32_0 : i32, i32
  }
}

module attributes {stable_mosaic.version = 14 : i64} {
  func.func @body(%arg0: i32, %arg1: memref<1000x1xf32, #tpu.memory_space<vmem>>, %arg2: memref<1x1xf32, #tpu.memory_space<vmem>>, %arg3: memref<1000x128xf32, #tpu.memory_space<vmem>>, %arg4: memref<1000x1xi32, #tpu.memory_space<vmem>>, %arg5: memref<128x128xf32, #tpu.memory_space<vmem>>, %arg6: memref<1x128xf32, #tpu.memory_space<vmem>>, %arg7: memref<128x128xf32, #tpu.memory_space<vmem>>, %arg8: memref<1x128xf32, #tpu.memory_space<vmem>>, %arg9: memref<128x1xf32, #tpu.memory_space<vmem>>, %arg10: memref<1x1xf32, #tpu.memory_space<vmem>>, %arg11: memref<1000x80xf32, #tpu.memory_space<vmem>>, %arg12: memref<1000x1xf32, #tpu.memory_space<vmem>>) attributes {dimension_semantics = [#tpu.dimension_semantics<arbitrary>], iteration_bounds = array<i64: 20>, scalar_prefetch = 0 : i64, scratch_operands = 0 : i64, tpu.core_type = #tpu.core_type<tc>, window_params = [{transform_indices = @transform_0, window_bounds = array<i64: 1000, 1>}, {pipeline_mode = #tpu.pipeline_mode<synchronous>, transform_indices = @transform_1, window_bounds = array<i64: 1, 1>}, {transform_indices = @transform_2, window_bounds = array<i64: 1000, 128>}, {transform_indices = @transform_3, window_bounds = array<i64: 1000, 1>}, {pipeline_mode = #tpu.pipeline_mode<synchronous>, transform_indices = @transform_4, window_bounds = array<i64: 128, 128>}, {pipeline_mode = #tpu.pipeline_mode<synchronous>, transform_indices = @transform_5, window_bounds = array<i64: 1, 128>}, {pipeline_mode = #tpu.pipeline_mode<synchronous>, transform_indices = @transform_6, window_bounds = array<i64: 128, 128>}, {pipeline_mode = #tpu.pipeline_mode<synchronous>, transform_indices = @transform_7, window_bounds = array<i64: 1, 128>}, {pipeline_mode = #tpu.pipeline_mode<synchronous>, transform_indices = @transform_8, window_bounds = array<i64: 128, 1>}, {pipeline_mode = #tpu.pipeline_mode<synchronous>, transform_indices = @transform_9, window_bounds = array<i64: 1, 1>}, {transform_indices = @transform_10, window_bounds = array<i64: 1000, 80>}, {transform_indices = @transform_11, window_bounds = array<i64: 1000, 1>}]} {
    %jit3A = arith.constant 10 : i32
    %div3A = arith.divsi %arg0, %jit3A : i32
    %sign3A = arith.constant 0 : i32
    %sign3A_0 = arith.cmpi sgt, %arg0, %sign3A : i32
    %sign3A_1 = arith.extui %sign3A_0 : i1 to i32
    %sign3A_2 = arith.constant 0 : i32
    %sign3A_3 = arith.cmpi slt, %arg0, %sign3A_2 : i32
    %sign3A_4 = arith.extui %sign3A_3 : i1 to i32
    %sign3A_5 = arith.subi %sign3A_1, %sign3A_4 : i32
    %sign3A_6 = arith.constant 0 : i32
    %sign3A_7 = arith.cmpi sgt, %jit3A, %sign3A_6 : i32
    %sign3A_8 = arith.extui %sign3A_7 : i1 to i32
    %sign3A_9 = arith.constant 0 : i32
    %sign3A_10 = arith.cmpi slt, %jit3A, %sign3A_9 : i32
    %sign3A_11 = arith.extui %sign3A_10 : i1 to i32
    %sign3A_12 = arith.subi %sign3A_8, %sign3A_11 : i32
    %ne3A = arith.cmpi ne, %sign3A_5, %sign3A_12 : i32
    %rem3A = arith.remsi %arg0, %jit3A : i32
    %ne3A_13 = arith.constant 0 : i32
    %ne3A_14 = arith.cmpi ne, %rem3A, %ne3A_13 : i32
    %and3A = arith.andi %ne3A, %ne3A_14 : i1
    %sub3A = arith.constant 1 : i32
    %sub3A_15 = arith.subi %div3A, %sub3A : i32
    %select_n3A = arith.select %and3A, %sub3A_15, %div3A : i32
    %get3A = arith.constant 0 : index
    %get3A_16 = arith.constant 0 : index
    %get3A_17 = vector.load %arg4[%get3A, %get3A_16] : memref<1000x1xi32, #tpu.memory_space<vmem>>, vector<1000x1xi32>
    %gt3A = arith.constant 0 : i32
    %gt3A_18 = vector.broadcast %gt3A : i32 to vector<1000x1xi32>
    %gt3A_19 = arith.cmpi sgt, %get3A_17, %gt3A_18 : vector<1000x1xi32>
    %get3A_20 = arith.constant 0 : index
    %get3A_21 = arith.constant 0 : index
    %get3A_22 = vector.load %arg1[%get3A_20, %get3A_21] : memref<1000x1xf32, #tpu.memory_space<vmem>>, vector<1000x1xf32>
    %get3A_23 = arith.constant 0 : index
    %get3A_24 = arith.constant 0 : index
    %get3A_25 = vector.load %arg2[%get3A_23, %get3A_24] : memref<1x1xf32, #tpu.memory_space<vmem>>, vector<1x1xf32>
    %sub3A_26 = vector.broadcast %get3A_25 : vector<1x1xf32> to vector<1000x1xf32>
    %sub3A_27 = arith.subf %get3A_22, %sub3A_26 : vector<1000x1xf32>
    %exp3A = math.exp %sub3A_27 : vector<1000x1xf32>
    %jit3A_28 = arith.constant 0.000000e+00 : f32
    %broadcast_in_dim3A = vector.broadcast %jit3A_28 : f32 to vector<1000x1xf32>
    %select_n3A_29 = arith.select %gt3A_19, %exp3A, %broadcast_in_dim3A : vector<1000x1xi1>, vector<1000x1xf32>
    %get3A_30 = arith.constant 0 : index
    %get3A_31 = arith.constant 0 : index
    %get3A_32 = vector.load %arg3[%get3A_30, %get3A_31] : memref<1000x128xf32, #tpu.memory_space<vmem>>, vector<1000x128xf32>
    %eq3A = arith.constant 0 : i32
    %eq3A_33 = arith.cmpi eq, %select_n3A, %eq3A : i32
    %slice3A = vector.extract_strided_slice %get3A_32 {offsets = [0, 0], sizes = [1000, 64], strides = [1, 1]} : vector<1000x128xf32> to vector<1000x64xf32>
    %slice3A_34 = vector.extract_strided_slice %get3A_32 {offsets = [0, 64], sizes = [1000, 64], strides = [1, 1]} : vector<1000x128xf32> to vector<1000x64xf32>
    %select_n3A_35 = arith.select %eq3A_33, %slice3A, %slice3A_34 : vector<1000x64xf32>
    %mul3A = vector.broadcast %select_n3A_29 : vector<1000x1xf32> to vector<1000x64xf32>
    %mul3A_36 = arith.mulf %mul3A, %select_n3A_35 : vector<1000x64xf32>
    %broadcast_in_dim3A_37 = vector.shape_cast %select_n3A_29 : vector<1000x1xf32> to vector<1000x1xf32>
    %broadcast_in_dim3A_38 = vector.broadcast %broadcast_in_dim3A_37 : vector<1000x1xf32> to vector<1000x16xf32>
    %concatenate3A = tpu.concatenate %mul3A_36, %broadcast_in_dim3A_38 in 1 : vector<1000x64xf32>, vector<1000x16xf32> -> vector<1000x80xf32>
    %swap3A = arith.constant 0 : index
    %swap3A_39 = arith.constant 0 : index
    %swap3A_40 = vector.load %arg11[%swap3A, %swap3A_39] : memref<1000x80xf32, #tpu.memory_space<vmem>>, vector<1000x80xf32>
    tpu.vector_store %arg11[%swap3A, %swap3A_39], %concatenate3A {strides = array<i32>} : memref<1000x80xf32, #tpu.memory_space<vmem>>, vector<1000x80xf32>,
    %get3A_41 = arith.constant 0 : index
    %get3A_42 = arith.constant 0 : index
    %get3A_43 = vector.load %arg5[%get3A_41, %get3A_42] : memref<128x128xf32, #tpu.memory_space<vmem>>, vector<128x128xf32>
    %get3A_44 = arith.constant 0 : index
    %get3A_45 = arith.constant 0 : index
    %get3A_46 = vector.load %arg6[%get3A_44, %get3A_45] : memref<1x128xf32, #tpu.memory_space<vmem>>, vector<1x128xf32>
    %get3A_47 = arith.constant 0 : index
    %get3A_48 = arith.constant 0 : index
    %get3A_49 = vector.load %arg7[%get3A_47, %get3A_48] : memref<128x128xf32, #tpu.memory_space<vmem>>, vector<128x128xf32>
    %get3A_50 = arith.constant 0 : index
    %get3A_51 = arith.constant 0 : index
    %get3A_52 = vector.load %arg8[%get3A_50, %get3A_51] : memref<1x128xf32, #tpu.memory_space<vmem>>, vector<1x128xf32>
    %get3A_53 = arith.constant 0 : index
    %get3A_54 = arith.constant 0 : index
    %get3A_55 = vector.load %arg9[%get3A_53, %get3A_54] : memref<128x1xf32, #tpu.memory_space<vmem>>, vector<128x1xf32>
    %get3A_56 = arith.constant 0 : index
    %get3A_57 = arith.constant 0 : index
    %get3A_58 = vector.load %arg10[%get3A_56, %get3A_57] : memref<1x1xf32, #tpu.memory_space<vmem>>, vector<1x1xf32>
    %dot_general3A = arith.constant dense<0.000000e+00> : vector<1000x128xf32>
    %dot_general3A_59 = tpu.matmul %get3A_32, %get3A_43, %dot_general3A {dimension_numbers = #tpu.dot_dimension_numbers<[1], [0], [0], [1], [0, 0, 1, 1], [], []>, transpose_lhs_hint = false} : vector<1000x128xf32>, vector<128x128xf32>, vector<1000x128xf32> -> vector<1000x128xf32>
    %add3A = vector.broadcast %get3A_46 : vector<1x128xf32> to vector<1000x128xf32>
    %add3A_60 = arith.addf %dot_general3A_59, %add3A : vector<1000x128xf32>
    %gt3A_61 = arith.constant 0.000000e+00 : f32
    %gt3A_62 = vector.broadcast %gt3A_61 : f32 to vector<1000x128xf32>
    %gt3A_63 = arith.cmpf ogt, %add3A_60, %gt3A_62 : vector<1000x128xf32>
    %mul3A_64 = arith.constant 2.000000e-01 : f32
    %mul3A_65 = vector.broadcast %mul3A_64 : f32 to vector<1000x128xf32>
    %mul3A_66 = arith.mulf %mul3A_65, %add3A_60 : vector<1000x128xf32>
    %select_n3A_67 = arith.select %gt3A_63, %add3A_60, %mul3A_66 : vector<1000x128xi1>, vector<1000x128xf32>
    %dot_general3A_68 = arith.constant dense<0.000000e+00> : vector<1000x128xf32>
    %dot_general3A_69 = tpu.matmul %select_n3A_67, %get3A_49, %dot_general3A_68 {dimension_numbers = #tpu.dot_dimension_numbers<[1], [0], [0], [1], [0, 0, 1, 1], [], []>, transpose_lhs_hint = false} : vector<1000x128xf32>, vector<128x128xf32>, vector<1000x128xf32> -> vector<1000x128xf32>
    %add3A_70 = vector.broadcast %get3A_52 : vector<1x128xf32> to vector<1000x128xf32>
    %add3A_71 = arith.addf %dot_general3A_69, %add3A_70 : vector<1000x128xf32>
    %gt3A_72 = arith.constant 0.000000e+00 : f32
    %gt3A_73 = vector.broadcast %gt3A_72 : f32 to vector<1000x128xf32>
    %gt3A_74 = arith.cmpf ogt, %add3A_71, %gt3A_73 : vector<1000x128xf32>
    %mul3A_75 = arith.constant 2.000000e-01 : f32
    %mul3A_76 = vector.broadcast %mul3A_75 : f32 to vector<1000x128xf32>
    %mul3A_77 = arith.mulf %mul3A_76, %add3A_71 : vector<1000x128xf32>
    %select_n3A_78 = arith.select %gt3A_74, %add3A_71, %mul3A_77 : vector<1000x128xi1>, vector<1000x128xf32>
    %dot_general3A_79 = arith.constant dense<0.000000e+00> : vector<1000x1xf32>
    %dot_general3A_80 = tpu.matmul %select_n3A_78, %get3A_55, %dot_general3A_79 {dimension_numbers = #tpu.dot_dimension_numbers<[1], [0], [0], [1], [0, 0, 1, 1], [], []>, transpose_lhs_hint = false} : vector<1000x128xf32>, vector<128x1xf32>, vector<1000x1xf32> -> vector<1000x1xf32>
    %add3A_81 = vector.broadcast %get3A_58 : vector<1x1xf32> to vector<1000x1xf32>
    %add3A_82 = arith.addf %dot_general3A_80, %add3A_81 : vector<1000x1xf32>
    %logistic3A = arith.negf %add3A_82 : vector<1000x1xf32>
    %logistic3A_83 = math.exp %logistic3A : vector<1000x1xf32>
    %logistic3A_84 = arith.constant 1.000000e+00 : f32
    %logistic3A_85 = vector.broadcast %logistic3A_84 : f32 to vector<1000x1xf32>
    %logistic3A_86 = arith.addf %logistic3A_85, %logistic3A_83 : vector<1000x1xf32>
    %logistic3A_87 = arith.divf %logistic3A_85, %logistic3A_86 : vector<1000x1xf32>
    %swap3A_88 = arith.constant 0 : index
    %swap3A_89 = arith.constant 0 : index
    %swap3A_90 = vector.load %arg12[%swap3A_88, %swap3A_89] : memref<1000x1xf32, #tpu.memory_space<vmem>>, vector<1000x1xf32>
    tpu.vector_store %arg12[%swap3A_88, %swap3A_89], %logistic3A_87 {strides = array<i32>} : memref<1000x1xf32, #tpu.memory_space<vmem>>, vector<1000x1xf32>,
    return
  }
  func.func @transform_0(%arg0: i32) -> (i32, i32) {
    %jit3A = arith.constant 10 : i32
    %eq3A = arith.constant 0 : i32
    %eq3A_0 = arith.cmpi eq, %jit3A, %eq3A : i32
    %jit3A_1 = arith.constant 1 : i32
    %select_n3A = arith.select %eq3A_0, %jit3A_1, %jit3A : i32
    %rem3A = arith.remsi %arg0, %select_n3A : i32
    %ne3A = arith.constant 0 : i32
    %ne3A_2 = arith.cmpi ne, %rem3A, %ne3A : i32
    %lt3A = arith.constant 0 : i32
    %lt3A_3 = arith.cmpi slt, %rem3A, %lt3A : i32
    %lt3A_4 = arith.constant 0 : i32
    %lt3A_5 = arith.cmpi slt, %select_n3A, %lt3A_4 : i32
    %ne3A_6 = arith.xori %lt3A_3, %lt3A_5 : i1
    %and3A = arith.andi %ne3A_6, %ne3A_2 : i1
    %add3A = arith.addi %rem3A, %select_n3A : i32
    %select_n3A_7 = arith.select %and3A, %add3A, %rem3A : i32
    %c0_i32 = arith.constant 0 : i32
    %c0_i32_8 = arith.constant 0 : i32
    return %select_n3A_7, %c0_i32 : i32, i32
  }
  func.func @transform_1(%arg0: i32) -> (i32, i32) {
    %c0_i32 = arith.constant 0 : i32
    %c0_i32_0 = arith.constant 0 : i32
    %c0_i32_1 = arith.constant 0 : i32
    return %c0_i32, %c0_i32_0 : i32, i32
  }
  func.func @transform_2(%arg0: i32) -> (i32, i32) {
    %jit3A = arith.constant 10 : i32
    %eq3A = arith.constant 0 : i32
    %eq3A_0 = arith.cmpi eq, %jit3A, %eq3A : i32
    %jit3A_1 = arith.constant 1 : i32
    %select_n3A = arith.select %eq3A_0, %jit3A_1, %jit3A : i32
    %rem3A = arith.remsi %arg0, %select_n3A : i32
    %ne3A = arith.constant 0 : i32
    %ne3A_2 = arith.cmpi ne, %rem3A, %ne3A : i32
    %lt3A = arith.constant 0 : i32
    %lt3A_3 = arith.cmpi slt, %rem3A, %lt3A : i32
    %lt3A_4 = arith.constant 0 : i32
    %lt3A_5 = arith.cmpi slt, %select_n3A, %lt3A_4 : i32
    %ne3A_6 = arith.xori %lt3A_3, %lt3A_5 : i1
    %and3A = arith.andi %ne3A_6, %ne3A_2 : i1
    %add3A = arith.addi %rem3A, %select_n3A : i32
    %select_n3A_7 = arith.select %and3A, %add3A, %rem3A : i32
    %c0_i32 = arith.constant 0 : i32
    %c0_i32_8 = arith.constant 0 : i32
    return %select_n3A_7, %c0_i32 : i32, i32
  }
  func.func @transform_3(%arg0: i32) -> (i32, i32) {
    %jit3A = arith.constant 10 : i32
    %eq3A = arith.constant 0 : i32
    %eq3A_0 = arith.cmpi eq, %jit3A, %eq3A : i32
    %jit3A_1 = arith.constant 1 : i32
    %select_n3A = arith.select %eq3A_0, %jit3A_1, %jit3A : i32
    %rem3A = arith.remsi %arg0, %select_n3A : i32
    %ne3A = arith.constant 0 : i32
    %ne3A_2 = arith.cmpi ne, %rem3A, %ne3A : i32
    %lt3A = arith.constant 0 : i32
    %lt3A_3 = arith.cmpi slt, %rem3A, %lt3A : i32
    %lt3A_4 = arith.constant 0 : i32
    %lt3A_5 = arith.cmpi slt, %select_n3A, %lt3A_4 : i32
    %ne3A_6 = arith.xori %lt3A_3, %lt3A_5 : i1
    %and3A = arith.andi %ne3A_6, %ne3A_2 : i1
    %add3A = arith.addi %rem3A, %select_n3A : i32
    %select_n3A_7 = arith.select %and3A, %add3A, %rem3A : i32
    %c0_i32 = arith.constant 0 : i32
    %c0_i32_8 = arith.constant 0 : i32
    return %select_n3A_7, %c0_i32 : i32, i32
  }
  func.func @transform_4(%arg0: i32) -> (i32, i32) {
    %c0_i32 = arith.constant 0 : i32
    %c0_i32_0 = arith.constant 0 : i32
    %c0_i32_1 = arith.constant 0 : i32
    return %c0_i32, %c0_i32_0 : i32, i32
  }
  func.func @transform_5(%arg0: i32) -> (i32, i32) {
    %c0_i32 = arith.constant 0 : i32
    %c0_i32_0 = arith.constant 0 : i32
    %c0_i32_1 = arith.constant 0 : i32
    return %c0_i32, %c0_i32_0 : i32, i32
  }
  func.func @transform_6(%arg0: i32) -> (i32, i32) {
    %c0_i32 = arith.constant 0 : i32
    %c0_i32_0 = arith.constant 0 : i32
    %c0_i32_1 = arith.constant 0 : i32
    return %c0_i32, %c0_i32_0 : i32, i32
  }
  func.func @transform_7(%arg0: i32) -> (i32, i32) {
    %c0_i32 = arith.constant 0 : i32
    %c0_i32_0 = arith.constant 0 : i32
    %c0_i32_1 = arith.constant 0 : i32
    return %c0_i32, %c0_i32_0 : i32, i32
  }
  func.func @transform_8(%arg0: i32) -> (i32, i32) {
    %c0_i32 = arith.constant 0 : i32
    %c0_i32_0 = arith.constant 0 : i32
    %c0_i32_1 = arith.constant 0 : i32
    return %c0_i32, %c0_i32_0 : i32, i32
  }
  func.func @transform_9(%arg0: i32) -> (i32, i32) {
    %c0_i32 = arith.constant 0 : i32
    %c0_i32_0 = arith.constant 0 : i32
    %c0_i32_1 = arith.constant 0 : i32
    return %c0_i32, %c0_i32_0 : i32, i32
  }
  func.func @transform_10(%arg0: i32) -> (i32, i32) {
    %c0_i32 = arith.constant 0 : i32
    %c0_i32_0 = arith.constant 0 : i32
    return %arg0, %c0_i32 : i32, i32
  }
  func.func @transform_11(%arg0: i32) -> (i32, i32) {
    %jit3A = arith.constant 10 : i32
    %eq3A = arith.constant 0 : i32
    %eq3A_0 = arith.cmpi eq, %jit3A, %eq3A : i32
    %jit3A_1 = arith.constant 1 : i32
    %select_n3A = arith.select %eq3A_0, %jit3A_1, %jit3A : i32
    %rem3A = arith.remsi %arg0, %select_n3A : i32
    %ne3A = arith.constant 0 : i32
    %ne3A_2 = arith.cmpi ne, %rem3A, %ne3A : i32
    %lt3A = arith.constant 0 : i32
    %lt3A_3 = arith.cmpi slt, %rem3A, %lt3A : i32
    %lt3A_4 = arith.constant 0 : i32
    %lt3A_5 = arith.cmpi slt, %select_n3A, %lt3A_4 : i32
    %ne3A_6 = arith.xori %lt3A_3, %lt3A_5 : i1
    %and3A = arith.andi %ne3A_6, %ne3A_2 : i1
    %add3A = arith.addi %rem3A, %select_n3A : i32
    %select_n3A_7 = arith.select %and3A, %add3A, %rem3A : i32
    %c0_i32 = arith.constant 0 : i32
    %c0_i32_8 = arith.constant 0 : i32
    return %select_n3A_7, %c0_i32 : i32, i32
  }
}

module attributes {stable_mosaic.version = 14 : i64} {
  func.func @body(%arg0: i32, %arg1: memref<1x2x1000x80xf32, #tpu.memory_space<vmem>>, %arg2: memref<1000x128xf32, #tpu.memory_space<vmem>>, %arg3: memref<1000x1xi32, #tpu.memory_space<vmem>>, %arg4: memref<128x128xf32, #tpu.memory_space<vmem>>, %arg5: memref<128x128xf32, #tpu.memory_space<vmem>>, %arg6: memref<1x128xf32, #tpu.memory_space<vmem>>, %arg7: memref<128x128xf32, #tpu.memory_space<vmem>>, %arg8: memref<1x128xf32, #tpu.memory_space<vmem>>, %arg9: memref<128x128xf32, #tpu.memory_space<vmem>>, %arg10: memref<1x128xf32, #tpu.memory_space<vmem>>, %arg11: memref<128x1xf32, #tpu.memory_space<vmem>>, %arg12: memref<1x1xf32, #tpu.memory_space<vmem>>, %arg13: memref<128x128xf32, #tpu.memory_space<vmem>>, %arg14: memref<1x128xf32, #tpu.memory_space<vmem>>, %arg15: memref<128x128xf32, #tpu.memory_space<vmem>>, %arg16: memref<1x128xf32, #tpu.memory_space<vmem>>, %arg17: memref<128x1xf32, #tpu.memory_space<vmem>>, %arg18: memref<1x1xf32, #tpu.memory_space<vmem>>, %arg19: memref<1000x128xf32, #tpu.memory_space<vmem>>, %arg20: memref<1000x1xf32, #tpu.memory_space<vmem>>) attributes {dimension_semantics = [#tpu.dimension_semantics<arbitrary>], iteration_bounds = array<i64: 10>, scalar_prefetch = 0 : i64, scratch_operands = 0 : i64, tpu.core_type = #tpu.core_type<tc>, window_params = [{transform_indices = @transform_0, window_bounds = array<i64: 1, 2, 1000, 80>}, {transform_indices = @transform_1, window_bounds = array<i64: 1000, 128>}, {transform_indices = @transform_2, window_bounds = array<i64: 1000, 1>}, {pipeline_mode = #tpu.pipeline_mode<synchronous>, transform_indices = @transform_3, window_bounds = array<i64: 128, 128>}, {pipeline_mode = #tpu.pipeline_mode<synchronous>, transform_indices = @transform_4, window_bounds = array<i64: 128, 128>}, {pipeline_mode = #tpu.pipeline_mode<synchronous>, transform_indices = @transform_5, window_bounds = array<i64: 1, 128>}, {pipeline_mode = #tpu.pipeline_mode<synchronous>, transform_indices = @transform_6, window_bounds = array<i64: 128, 128>}, {pipeline_mode = #tpu.pipeline_mode<synchronous>, transform_indices = @transform_7, window_bounds = array<i64: 1, 128>}, {pipeline_mode = #tpu.pipeline_mode<synchronous>, transform_indices = @transform_8, window_bounds = array<i64: 128, 128>}, {pipeline_mode = #tpu.pipeline_mode<synchronous>, transform_indices = @transform_9, window_bounds = array<i64: 1, 128>}, {pipeline_mode = #tpu.pipeline_mode<synchronous>, transform_indices = @transform_10, window_bounds = array<i64: 128, 1>}, {pipeline_mode = #tpu.pipeline_mode<synchronous>, transform_indices = @transform_11, window_bounds = array<i64: 1, 1>}, {pipeline_mode = #tpu.pipeline_mode<synchronous>, transform_indices = @transform_12, window_bounds = array<i64: 128, 128>}, {pipeline_mode = #tpu.pipeline_mode<synchronous>, transform_indices = @transform_13, window_bounds = array<i64: 1, 128>}, {pipeline_mode = #tpu.pipeline_mode<synchronous>, transform_indices = @transform_14, window_bounds = array<i64: 128, 128>}, {pipeline_mode = #tpu.pipeline_mode<synchronous>, transform_indices = @transform_15, window_bounds = array<i64: 1, 128>}, {pipeline_mode = #tpu.pipeline_mode<synchronous>, transform_indices = @transform_16, window_bounds = array<i64: 128, 1>}, {pipeline_mode = #tpu.pipeline_mode<synchronous>, transform_indices = @transform_17, window_bounds = array<i64: 1, 1>}, {transform_indices = @transform_18, window_bounds = array<i64: 1000, 128>}, {transform_indices = @transform_19, window_bounds = array<i64: 1000, 1>}]} {
    %get3A = arith.constant 0 : index
    %get3A_0 = arith.constant 0 : index
    %get3A_1 = arith.constant 0 : index
    %get3A_2 = arith.constant 64 : index
    %get3A_3 = vector.load %arg1[%get3A, %get3A_0, %get3A_1, %get3A_2] : memref<1x2x1000x80xf32, #tpu.memory_space<vmem>>, vector<1x1x1000x1xf32>
    %get3A_4 = vector.shape_cast %get3A_3 : vector<1x1x1000x1xf32> to vector<1000xf32>
    %add3A = arith.constant 9.99999971E-10 : f32
    %add3A_5 = vector.broadcast %add3A : f32 to vector<1000xf32>
    %add3A_6 = arith.addf %get3A_4, %add3A_5 : vector<1000xf32>
    %div3A = arith.constant 1.000000e+00 : f32
    %div3A_7 = vector.broadcast %div3A : f32 to vector<1000xf32>
    %div3A_8 = arith.divf %div3A_7, %add3A_6 : vector<1000xf32>
    %broadcast_in_dim3A = vector.shape_cast %div3A_8 : vector<1000xf32> to vector<1000x1xf32>
    %get3A_9 = arith.constant 0 : index
    %get3A_10 = arith.constant 0 : index
    %get3A_11 = arith.constant 0 : index
    %get3A_12 = arith.constant 0 : index
    %get3A_13 = vector.load %arg1[%get3A_9, %get3A_10, %get3A_11, %get3A_12] : memref<1x2x1000x80xf32, #tpu.memory_space<vmem>>, vector<1x1x1000x64xf32>
    %get3A_14 = vector.shape_cast %get3A_13 : vector<1x1x1000x64xf32> to vector<1000x64xf32>
    %mul3A = vector.broadcast %broadcast_in_dim3A : vector<1000x1xf32> to vector<1000x64xf32>
    %mul3A_15 = arith.mulf %get3A_14, %mul3A : vector<1000x64xf32>
    %get3A_16 = arith.constant 0 : index
    %get3A_17 = arith.constant 1 : index
    %get3A_18 = arith.constant 0 : index
    %get3A_19 = arith.constant 0 : index
    %get3A_20 = vector.load %arg1[%get3A_16, %get3A_17, %get3A_18, %get3A_19] : memref<1x2x1000x80xf32, #tpu.memory_space<vmem>>, vector<1x1x1000x64xf32>
    %get3A_21 = vector.shape_cast %get3A_20 : vector<1x1x1000x64xf32> to vector<1000x64xf32>
    %mul3A_22 = vector.broadcast %broadcast_in_dim3A : vector<1000x1xf32> to vector<1000x64xf32>
    %mul3A_23 = arith.mulf %get3A_21, %mul3A_22 : vector<1000x64xf32>
    %concatenate3A = tpu.concatenate %mul3A_15, %mul3A_23 in 1 : vector<1000x64xf32>, vector<1000x64xf32> -> vector<1000x128xf32>
    %get3A_24 = arith.constant 0 : index
    %get3A_25 = arith.constant 0 : index
    %get3A_26 = vector.load %arg2[%get3A_24, %get3A_25] : memref<1000x128xf32, #tpu.memory_space<vmem>>, vector<1000x128xf32>
    %get3A_27 = arith.constant 0 : index
    %get3A_28 = arith.constant 0 : index
    %get3A_29 = vector.load %arg4[%get3A_27, %get3A_28] : memref<128x128xf32, #tpu.memory_space<vmem>>, vector<128x128xf32>
    %dot_general3A = arith.constant dense<0.000000e+00> : vector<1000x128xf32>
    %dot_general3A_30 = tpu.matmul %get3A_26, %get3A_29, %dot_general3A {dimension_numbers = #tpu.dot_dimension_numbers<[1], [0], [0], [1], [0, 0, 1, 1], [], []>, transpose_lhs_hint = false} : vector<1000x128xf32>, vector<128x128xf32>, vector<1000x128xf32> -> vector<1000x128xf32>
    %get3A_31 = arith.constant 0 : index
    %get3A_32 = arith.constant 0 : index
    %get3A_33 = vector.load %arg5[%get3A_31, %get3A_32] : memref<128x128xf32, #tpu.memory_space<vmem>>, vector<128x128xf32>
    %dot_general3A_34 = arith.constant dense<0.000000e+00> : vector<1000x128xf32>
    %dot_general3A_35 = tpu.matmul %concatenate3A, %get3A_33, %dot_general3A_34 {dimension_numbers = #tpu.dot_dimension_numbers<[1], [0], [0], [1], [0, 0, 1, 1], [], []>, transpose_lhs_hint = false} : vector<1000x128xf32>, vector<128x128xf32>, vector<1000x128xf32> -> vector<1000x128xf32>
    %add3A_36 = arith.addf %dot_general3A_30, %dot_general3A_35 : vector<1000x128xf32>
    %get3A_37 = arith.constant 0 : index
    %get3A_38 = arith.constant 0 : index
    %get3A_39 = vector.load %arg6[%get3A_37, %get3A_38] : memref<1x128xf32, #tpu.memory_space<vmem>>, vector<1x128xf32>
    %add3A_40 = vector.broadcast %get3A_39 : vector<1x128xf32> to vector<1000x128xf32>
    %add3A_41 = arith.addf %add3A_36, %add3A_40 : vector<1000x128xf32>
    %swap3A = arith.constant 0 : index
    %swap3A_42 = arith.constant 0 : index
    %swap3A_43 = vector.load %arg19[%swap3A, %swap3A_42] : memref<1000x128xf32, #tpu.memory_space<vmem>>, vector<1000x128xf32>
    tpu.vector_store %arg19[%swap3A, %swap3A_42], %add3A_41 {strides = array<i32>} : memref<1000x128xf32, #tpu.memory_space<vmem>>, vector<1000x128xf32>,
    %get3A_44 = arith.constant 0 : index
    %get3A_45 = arith.constant 0 : index
    %get3A_46 = vector.load %arg7[%get3A_44, %get3A_45] : memref<128x128xf32, #tpu.memory_space<vmem>>, vector<128x128xf32>
    %get3A_47 = arith.constant 0 : index
    %get3A_48 = arith.constant 0 : index
    %get3A_49 = vector.load %arg8[%get3A_47, %get3A_48] : memref<1x128xf32, #tpu.memory_space<vmem>>, vector<1x128xf32>
    %get3A_50 = arith.constant 0 : index
    %get3A_51 = arith.constant 0 : index
    %get3A_52 = vector.load %arg9[%get3A_50, %get3A_51] : memref<128x128xf32, #tpu.memory_space<vmem>>, vector<128x128xf32>
    %get3A_53 = arith.constant 0 : index
    %get3A_54 = arith.constant 0 : index
    %get3A_55 = vector.load %arg10[%get3A_53, %get3A_54] : memref<1x128xf32, #tpu.memory_space<vmem>>, vector<1x128xf32>
    %get3A_56 = arith.constant 0 : index
    %get3A_57 = arith.constant 0 : index
    %get3A_58 = vector.load %arg11[%get3A_56, %get3A_57] : memref<128x1xf32, #tpu.memory_space<vmem>>, vector<128x1xf32>
    %get3A_59 = arith.constant 0 : index
    %get3A_60 = arith.constant 0 : index
    %get3A_61 = vector.load %arg12[%get3A_59, %get3A_60] : memref<1x1xf32, #tpu.memory_space<vmem>>, vector<1x1xf32>
    %dot_general3A_62 = arith.constant dense<0.000000e+00> : vector<1000x128xf32>
    %dot_general3A_63 = tpu.matmul %add3A_41, %get3A_46, %dot_general3A_62 {dimension_numbers = #tpu.dot_dimension_numbers<[1], [0], [0], [1], [0, 0, 1, 1], [], []>, transpose_lhs_hint = false} : vector<1000x128xf32>, vector<128x128xf32>, vector<1000x128xf32> -> vector<1000x128xf32>
    %add3A_64 = vector.broadcast %get3A_49 : vector<1x128xf32> to vector<1000x128xf32>
    %add3A_65 = arith.addf %dot_general3A_63, %add3A_64 : vector<1000x128xf32>
    %gt3A = arith.constant 0.000000e+00 : f32
    %gt3A_66 = vector.broadcast %gt3A : f32 to vector<1000x128xf32>
    %gt3A_67 = arith.cmpf ogt, %add3A_65, %gt3A_66 : vector<1000x128xf32>
    %mul3A_68 = arith.constant 2.000000e-01 : f32
    %mul3A_69 = vector.broadcast %mul3A_68 : f32 to vector<1000x128xf32>
    %mul3A_70 = arith.mulf %mul3A_69, %add3A_65 : vector<1000x128xf32>
    %select_n3A = arith.select %gt3A_67, %add3A_65, %mul3A_70 : vector<1000x128xi1>, vector<1000x128xf32>
    %dot_general3A_71 = arith.constant dense<0.000000e+00> : vector<1000x128xf32>
    %dot_general3A_72 = tpu.matmul %select_n3A, %get3A_52, %dot_general3A_71 {dimension_numbers = #tpu.dot_dimension_numbers<[1], [0], [0], [1], [0, 0, 1, 1], [], []>, transpose_lhs_hint = false} : vector<1000x128xf32>, vector<128x128xf32>, vector<1000x128xf32> -> vector<1000x128xf32>
    %add3A_73 = vector.broadcast %get3A_55 : vector<1x128xf32> to vector<1000x128xf32>
    %add3A_74 = arith.addf %dot_general3A_72, %add3A_73 : vector<1000x128xf32>
    %gt3A_75 = arith.constant 0.000000e+00 : f32
    %gt3A_76 = vector.broadcast %gt3A_75 : f32 to vector<1000x128xf32>
    %gt3A_77 = arith.cmpf ogt, %add3A_74, %gt3A_76 : vector<1000x128xf32>
    %mul3A_78 = arith.constant 2.000000e-01 : f32
    %mul3A_79 = vector.broadcast %mul3A_78 : f32 to vector<1000x128xf32>
    %mul3A_80 = arith.mulf %mul3A_79, %add3A_74 : vector<1000x128xf32>
    %select_n3A_81 = arith.select %gt3A_77, %add3A_74, %mul3A_80 : vector<1000x128xi1>, vector<1000x128xf32>
    %dot_general3A_82 = arith.constant dense<0.000000e+00> : vector<1000x1xf32>
    %dot_general3A_83 = tpu.matmul %select_n3A_81, %get3A_58, %dot_general3A_82 {dimension_numbers = #tpu.dot_dimension_numbers<[1], [0], [0], [1], [0, 0, 1, 1], [], []>, transpose_lhs_hint = false} : vector<1000x128xf32>, vector<128x1xf32>, vector<1000x1xf32> -> vector<1000x1xf32>
    %add3A_84 = vector.broadcast %get3A_61 : vector<1x1xf32> to vector<1000x1xf32>
    %add3A_85 = arith.addf %dot_general3A_83, %add3A_84 : vector<1000x1xf32>
    %get3A_86 = arith.constant 0 : index
    %get3A_87 = arith.constant 0 : index
    %get3A_88 = vector.load %arg13[%get3A_86, %get3A_87] : memref<128x128xf32, #tpu.memory_space<vmem>>, vector<128x128xf32>
    %get3A_89 = arith.constant 0 : index
    %get3A_90 = arith.constant 0 : index
    %get3A_91 = vector.load %arg14[%get3A_89, %get3A_90] : memref<1x128xf32, #tpu.memory_space<vmem>>, vector<1x128xf32>
    %get3A_92 = arith.constant 0 : index
    %get3A_93 = arith.constant 0 : index
    %get3A_94 = vector.load %arg15[%get3A_92, %get3A_93] : memref<128x128xf32, #tpu.memory_space<vmem>>, vector<128x128xf32>
    %get3A_95 = arith.constant 0 : index
    %get3A_96 = arith.constant 0 : index
    %get3A_97 = vector.load %arg16[%get3A_95, %get3A_96] : memref<1x128xf32, #tpu.memory_space<vmem>>, vector<1x128xf32>
    %get3A_98 = arith.constant 0 : index
    %get3A_99 = arith.constant 0 : index
    %get3A_100 = vector.load %arg17[%get3A_98, %get3A_99] : memref<128x1xf32, #tpu.memory_space<vmem>>, vector<128x1xf32>
    %get3A_101 = arith.constant 0 : index
    %get3A_102 = arith.constant 0 : index
    %get3A_103 = vector.load %arg18[%get3A_101, %get3A_102] : memref<1x1xf32, #tpu.memory_space<vmem>>, vector<1x1xf32>
    %dot_general3A_104 = arith.constant dense<0.000000e+00> : vector<1000x128xf32>
    %dot_general3A_105 = tpu.matmul %add3A_41, %get3A_88, %dot_general3A_104 {dimension_numbers = #tpu.dot_dimension_numbers<[1], [0], [0], [1], [0, 0, 1, 1], [], []>, transpose_lhs_hint = false} : vector<1000x128xf32>, vector<128x128xf32>, vector<1000x128xf32> -> vector<1000x128xf32>
    %add3A_106 = vector.broadcast %get3A_91 : vector<1x128xf32> to vector<1000x128xf32>
    %add3A_107 = arith.addf %dot_general3A_105, %add3A_106 : vector<1000x128xf32>
    %gt3A_108 = arith.constant 0.000000e+00 : f32
    %gt3A_109 = vector.broadcast %gt3A_108 : f32 to vector<1000x128xf32>
    %gt3A_110 = arith.cmpf ogt, %add3A_107, %gt3A_109 : vector<1000x128xf32>
    %mul3A_111 = arith.constant 2.000000e-01 : f32
    %mul3A_112 = vector.broadcast %mul3A_111 : f32 to vector<1000x128xf32>
    %mul3A_113 = arith.mulf %mul3A_112, %add3A_107 : vector<1000x128xf32>
    %select_n3A_114 = arith.select %gt3A_110, %add3A_107, %mul3A_113 : vector<1000x128xi1>, vector<1000x128xf32>
    %dot_general3A_115 = arith.constant dense<0.000000e+00> : vector<1000x128xf32>
    %dot_general3A_116 = tpu.matmul %select_n3A_114, %get3A_94, %dot_general3A_115 {dimension_numbers = #tpu.dot_dimension_numbers<[1], [0], [0], [1], [0, 0, 1, 1], [], []>, transpose_lhs_hint = false} : vector<1000x128xf32>, vector<128x128xf32>, vector<1000x128xf32> -> vector<1000x128xf32>
    %add3A_117 = vector.broadcast %get3A_97 : vector<1x128xf32> to vector<1000x128xf32>
    %add3A_118 = arith.addf %dot_general3A_116, %add3A_117 : vector<1000x128xf32>
    %gt3A_119 = arith.constant 0.000000e+00 : f32
    %gt3A_120 = vector.broadcast %gt3A_119 : f32 to vector<1000x128xf32>
    %gt3A_121 = arith.cmpf ogt, %add3A_118, %gt3A_120 : vector<1000x128xf32>
    %mul3A_122 = arith.constant 2.000000e-01 : f32
    %mul3A_123 = vector.broadcast %mul3A_122 : f32 to vector<1000x128xf32>
    %mul3A_124 = arith.mulf %mul3A_123, %add3A_118 : vector<1000x128xf32>
    %select_n3A_125 = arith.select %gt3A_121, %add3A_118, %mul3A_124 : vector<1000x128xi1>, vector<1000x128xf32>
    %dot_general3A_126 = arith.constant dense<0.000000e+00> : vector<1000x1xf32>
    %dot_general3A_127 = tpu.matmul %select_n3A_125, %get3A_100, %dot_general3A_126 {dimension_numbers = #tpu.dot_dimension_numbers<[1], [0], [0], [1], [0, 0, 1, 1], [], []>, transpose_lhs_hint = false} : vector<1000x128xf32>, vector<128x1xf32>, vector<1000x1xf32> -> vector<1000x1xf32>
    %add3A_128 = vector.broadcast %get3A_103 : vector<1x1xf32> to vector<1000x1xf32>
    %add3A_129 = arith.addf %dot_general3A_127, %add3A_128 : vector<1000x1xf32>
    %get3A_130 = arith.constant 0 : index
    %get3A_131 = arith.constant 0 : index
    %get3A_132 = vector.load %arg3[%get3A_130, %get3A_131] : memref<1000x1xi32, #tpu.memory_space<vmem>>, vector<1000x1xi32>
    %gt3A_133 = arith.constant 0 : i32
    %gt3A_134 = vector.broadcast %gt3A_133 : i32 to vector<1000x1xi32>
    %gt3A_135 = arith.cmpi sgt, %get3A_132, %gt3A_134 : vector<1000x1xi32>
    %select_n3A_136 = arith.select %gt3A_135, %add3A_85, %add3A_129 : vector<1000x1xi1>, vector<1000x1xf32>
    %swap3A_137 = arith.constant 0 : index
    %swap3A_138 = arith.constant 0 : index
    %swap3A_139 = vector.load %arg20[%swap3A_137, %swap3A_138] : memref<1000x1xf32, #tpu.memory_space<vmem>>, vector<1000x1xf32>
    tpu.vector_store %arg20[%swap3A_137, %swap3A_138], %select_n3A_136 {strides = array<i32>} : memref<1000x1xf32, #tpu.memory_space<vmem>>, vector<1000x1xf32>,
    return
  }
  func.func @transform_0(%arg0: i32) -> (i32, i32, i32, i32) {
    %c0_i32 = arith.constant 0 : i32
    %c0_i32_0 = arith.constant 0 : i32
    %c0_i32_1 = arith.constant 0 : i32
    %c0_i32_2 = arith.constant 0 : i32
    return %c0_i32, %c0_i32_0, %arg0, %c0_i32_1 : i32, i32, i32, i32
  }
  func.func @transform_1(%arg0: i32) -> (i32, i32) {
    %c0_i32 = arith.constant 0 : i32
    %c0_i32_0 = arith.constant 0 : i32
    return %arg0, %c0_i32 : i32, i32
  }
  func.func @transform_2(%arg0: i32) -> (i32, i32) {
    %c0_i32 = arith.constant 0 : i32
    %c0_i32_0 = arith.constant 0 : i32
    return %arg0, %c0_i32 : i32, i32
  }
  func.func @transform_3(%arg0: i32) -> (i32, i32) {
    %c0_i32 = arith.constant 0 : i32
    %c0_i32_0 = arith.constant 0 : i32
    %c0_i32_1 = arith.constant 0 : i32
    return %c0_i32, %c0_i32_0 : i32, i32
  }
  func.func @transform_4(%arg0: i32) -> (i32, i32) {
    %c0_i32 = arith.constant 0 : i32
    %c0_i32_0 = arith.constant 0 : i32
    %c0_i32_1 = arith.constant 0 : i32
    return %c0_i32, %c0_i32_0 : i32, i32
  }
  func.func @transform_5(%arg0: i32) -> (i32, i32) {
    %c0_i32 = arith.constant 0 : i32
    %c0_i32_0 = arith.constant 0 : i32
    %c0_i32_1 = arith.constant 0 : i32
    return %c0_i32, %c0_i32_0 : i32, i32
  }
  func.func @transform_6(%arg0: i32) -> (i32, i32) {
    %c0_i32 = arith.constant 0 : i32
    %c0_i32_0 = arith.constant 0 : i32
    %c0_i32_1 = arith.constant 0 : i32
    return %c0_i32, %c0_i32_0 : i32, i32
  }
  func.func @transform_7(%arg0: i32) -> (i32, i32) {
    %c0_i32 = arith.constant 0 : i32
    %c0_i32_0 = arith.constant 0 : i32
    %c0_i32_1 = arith.constant 0 : i32
    return %c0_i32, %c0_i32_0 : i32, i32
  }
  func.func @transform_8(%arg0: i32) -> (i32, i32) {
    %c0_i32 = arith.constant 0 : i32
    %c0_i32_0 = arith.constant 0 : i32
    %c0_i32_1 = arith.constant 0 : i32
    return %c0_i32, %c0_i32_0 : i32, i32
  }
  func.func @transform_9(%arg0: i32) -> (i32, i32) {
    %c0_i32 = arith.constant 0 : i32
    %c0_i32_0 = arith.constant 0 : i32
    %c0_i32_1 = arith.constant 0 : i32
    return %c0_i32, %c0_i32_0 : i32, i32
  }
  func.func @transform_10(%arg0: i32) -> (i32, i32) {
    %c0_i32 = arith.constant 0 : i32
    %c0_i32_0 = arith.constant 0 : i32
    %c0_i32_1 = arith.constant 0 : i32
    return %c0_i32, %c0_i32_0 : i32, i32
  }
  func.func @transform_11(%arg0: i32) -> (i32, i32) {
    %c0_i32 = arith.constant 0 : i32
    %c0_i32_0 = arith.constant 0 : i32
    %c0_i32_1 = arith.constant 0 : i32
    return %c0_i32, %c0_i32_0 : i32, i32
  }
  func.func @transform_12(%arg0: i32) -> (i32, i32) {
    %c0_i32 = arith.constant 0 : i32
    %c0_i32_0 = arith.constant 0 : i32
    %c0_i32_1 = arith.constant 0 : i32
    return %c0_i32, %c0_i32_0 : i32, i32
  }
  func.func @transform_13(%arg0: i32) -> (i32, i32) {
    %c0_i32 = arith.constant 0 : i32
    %c0_i32_0 = arith.constant 0 : i32
    %c0_i32_1 = arith.constant 0 : i32
    return %c0_i32, %c0_i32_0 : i32, i32
  }
  func.func @transform_14(%arg0: i32) -> (i32, i32) {
    %c0_i32 = arith.constant 0 : i32
    %c0_i32_0 = arith.constant 0 : i32
    %c0_i32_1 = arith.constant 0 : i32
    return %c0_i32, %c0_i32_0 : i32, i32
  }
  func.func @transform_15(%arg0: i32) -> (i32, i32) {
    %c0_i32 = arith.constant 0 : i32
    %c0_i32_0 = arith.constant 0 : i32
    %c0_i32_1 = arith.constant 0 : i32
    return %c0_i32, %c0_i32_0 : i32, i32
  }
  func.func @transform_16(%arg0: i32) -> (i32, i32) {
    %c0_i32 = arith.constant 0 : i32
    %c0_i32_0 = arith.constant 0 : i32
    %c0_i32_1 = arith.constant 0 : i32
    return %c0_i32, %c0_i32_0 : i32, i32
  }
  func.func @transform_17(%arg0: i32) -> (i32, i32) {
    %c0_i32 = arith.constant 0 : i32
    %c0_i32_0 = arith.constant 0 : i32
    %c0_i32_1 = arith.constant 0 : i32
    return %c0_i32, %c0_i32_0 : i32, i32
  }
  func.func @transform_18(%arg0: i32) -> (i32, i32) {
    %c0_i32 = arith.constant 0 : i32
    %c0_i32_0 = arith.constant 0 : i32
    return %arg0, %c0_i32 : i32, i32
  }
  func.func @transform_19(%arg0: i32) -> (i32, i32) {
    %c0_i32 = arith.constant 0 : i32
    %c0_i32_0 = arith.constant 0 : i32
    return %arg0, %c0_i32 : i32, i32
  }
}

</mosaic_0001>

<sc_bundles>
// kernel: kernel.12.cloned.1.call-start
scs
__scs_entry_jumppad:
0x0: {  	(pc) =	sbr.rel $0x88, $3  }
0x1: {  	(tag) =	ssettag $0x0;
	lr =	simm.s32 $0x1  }
0x2: {  	[smem:$0x3F84] =	sst lr;
	_ =	strace $0xD0000000  }
0x3: {  	_ = 	snop  }
0x4: {  	_ = 	snop  }
0x5: {  	_ = 	snop  }
0x6: {  	_ = 	snop  }
0x7: {  	_ = 	snop  }
__scs_overlays_trampoline_lowered:
0x8: {  	[smem:$0x3F93] =	sst s0  }
0x9: {  	[smem:$0x3F94] =	sst s1  }
0xa: {  	[smem:$0x3F95] =	sst s2  }
0xb: {  	[smem:$0x3F96] =	sst s3  }
0xc: {  	[smem:$0x3F97] =	sst s4  }
0xd: {  	[smem:$0x3F98] =	sst s5  }
0xe: {  	[smem:$0x3F99] =	sst s6  }
0xf: {  	[smem:$0x3F9A] =	sst s7  }
0x10: {  	[smem:$0x3F9B] =	sst s8  }
0x11: {  	[smem:$0x3F9C] =	sst s9;
	s0 =	simm.s32 @!p0 $0x0  }
0x12: {  	s1 =	sld [smem:$0x3F82];
	s0 =	simm.s32 @p0 $0x1  }
0x13: {  	[smem:$0x3F9D] =	sst s0;
	s0 =	simm.s32 @!p1 $0x0  }
0x14: {  	s2 =	sld [smem:$0x3F81];
	s0 =	simm.s32 @p1 $0x1  }
0x15: {  	[smem:$0x3F9E] =	sst s0;
	s0 =	simm.s32 @!p2 $0x0  }
0x16: {  	s3 =	sld [smem:$0x3FDB];
	s0 =	simm.s32 @p2 $0x1  }
0x17: {  	s4 =	simm.s32 $0x1BF5;
	[smem:$0x3FA0] =	sst s0  }
0x18: {  	s0 =	sld [smem:$0x3F83];
	_ =	swait.ge [sflag:s4], $0x0  }
0x19: {  	s7 =	sld [smem:$0x3F84]  }
0x1a: {  	s8 =	sadd.s32 $0xFFFFE003, lr  }
0x1b: {  	s9 =	sadd.s32 $0xFFFFFEF7, lr;
	s5 =	simm.s32 $0xFFFFFFFF;
	p2 =	slt.u32 s8, $0xFFFFF086  }
0x1c: {  	p1 =	slt.u32 s9, $0xF7A;
	s5 =	simm.s32 @!p2 $0x0  }
0x1d: {  	s5 =	simm.s32 @p1 $0x1;
	p0 =	seq.s32 s7, s2  }
0x1e: {  	s7 =	smul.u32 @!p0 $0xF7A, s2;
	p2 =	seq.s32 @!p0 s5, $0x0  }
0x1f: {  	s9 =	smul.u32 $0xF7A, s1;
	s8 =	simm.s32 @!p0 $0x1BF5;
	p2 =	por !p2, p0  }
0x20: {  	[sflag:s8] =	ssyncset.s32 @!p0 $0xFFFFF086;
	s6 =	sadd.s32 @!p0 s3, s7;
	s7 =	simm.s32 @!p0 $0x108  }
0x21: {  	s3 =	sadd.s32 s3, s9;
	s6 =	sadd.s32 @!p0 $0x88, s6;
	s7 =	simm.s32 @p2 $0x1082  }
0x22: {  	[simem:s7], [sflag:s8] =	dma.local @!p0 [hbm:s6], $0xF7A  }
0x23: {  	s9 =	sor.u32 $0xD0000000, s2;
	s6 =	simm.s32 $0x108;
	_ =	swait.ge @!p0 [sflag:s8], $0x0  }
0x24: {  	s3 =	sadd.s32 $0x88, s3;
	s6 =	simm.s32 @!p1 $0x1082;
	[sflag:s4] =	ssyncset.s32 $0xFFFFF086  }
0x25: {  	[simem:s6], [sflag:s4] =	dma.local [hbm:s3], $0xF7A  }
0x26: {  	[smem:$0x3F84] =	sst s1;
	(tag) =	ssettag s2;
	_ =	strace s9  }
0x27: {  	s1 =	sld [smem:$0x3F94]  }
0x28: {  	s2 =	sld [smem:$0x3F95]  }
0x29: {  	s4 =	sld [smem:$0x3F97]  }
0x2a: {  	p0 =	seq.s32 s5, $0x0;
	s5 =	sld [smem:$0x3F98]  }
0x2b: {  	s6 =	sld [smem:$0x3F99]  }
0x2c: {  	s7 =	sld [smem:$0x3F9A]  }
0x2d: {  	s3 =	simm.s32 $0x108;
	s8 =	sld [smem:$0x3F9B]  }
0x2e: {  	s3 =	simm.s32 @!p0 $0x1082;
	s9 =	sld [smem:$0x3F9C]  }
0x2f: {  	lr =	sadd.s32 s0, s3;
	s0 =	sld [smem:$0x3F93]  }
0x30: {  	s3 =	sld [smem:$0x3F96]  }
0x31: {  	[smem:$0x3F9F] =	sst s10  }
0x32: {  	s10 =	sld [smem:$0x3F9D];
	_ =	sdelay $0x3  }
0x33: {  	p0 =	seq.s32 s10, $0x1;
	s10 =	sld [smem:$0x3F9F];
	_ =	sdelay $0x3  }
0x34: {  	[smem:$0x3F9F] =	sst s10  }
0x35: {  	s10 =	sld [smem:$0x3F9E];
	_ =	sdelay $0x3  }
0x36: {  	p1 =	seq.s32 s10, $0x1;
	s10 =	sld [smem:$0x3F9F];
	_ =	sdelay $0x3  }
0x37: {  	[smem:$0x3F9F] =	sst s10  }
0x38: {  	s10 =	sld [smem:$0x3FA0]  }
0x39: {  	_ = 	snop;
	(pc) =	sbr.ind lr, $3  }
0x3a: {  	_ = 	snop  }
0x3b: {  	_ = 	snop  }
0x3c: {  	p2 =	seq.s32 s10, $0x1;
	s10 =	sld [smem:$0x3F9F]  }
0x3d: {  	_ =	shalt  }
0x3e: {  	_ =	shalt  }
0x3f: {  	_ =	shalt  }
0x40: {  	_ =	shalt  }
0x41: {  	_ =	shalt  }
0x42: {  	_ =	shalt  }
0x43: {  	_ =	shalt  }
0x44: {  	_ =	shalt  }
0x45: {  	_ =	shalt  }
0x46: {  	_ =	shalt  }
0x47: {  	_ =	shalt  }
0x48: {  	_ =	shalt  }
0x49: {  	_ =	shalt  }
0x4a: {  	_ =	shalt  }
0x4b: {  	_ =	shalt  }
0x4c: {  	_ =	shalt  }
0x4d: {  	_ =	shalt  }
0x4e: {  	_ =	shalt  }
0x4f: {  	_ =	shalt  }
0x50: {  	_ =	shalt  }
0x51: {  	_ =	shalt  }
0x52: {  	_ =	shalt  }
0x53: {  	_ =	shalt  }
0x54: {  	_ =	shalt  }
0x55: {  	_ =	shalt  }
0x56: {  	_ =	shalt  }
0x57: {  	_ =	shalt  }
0x58: {  	_ =	shalt  }
0x59: {  	_ =	shalt  }
0x5a: {  	_ =	shalt  }
0x5b: {  	_ =	shalt  }
0x5c: {  	_ =	shalt  }
0x5d: {  	_ =	shalt  }
0x5e: {  	_ =	shalt  }
0x5f: {  	_ =	shalt  }
0x60: {  	_ =	shalt  }
0x61: {  	_ =	shalt  }
0x62: {  	_ =	shalt  }
0x63: {  	_ =	shalt  }
0x64: {  	_ =	shalt  }
0x65: {  	_ =	shalt  }
0x66: {  	_ =	shalt  }
0x67: {  	_ =	shalt  }
0x68: {  	_ =	shalt  }
0x69: {  	_ =	shalt  }
0x6a: {  	_ =	shalt  }
0x6b: {  	_ =	shalt  }
0x6c: {  	_ =	shalt  }
0x6d: {  	_ =	shalt  }
0x6e: {  	_ =	shalt  }
0x6f: {  	_ =	shalt  }
0x70: {  	_ =	shalt  }
0x71: {  	_ =	shalt  }
0x72: {  	_ =	shalt  }
0x73: {  	_ =	shalt  }
0x74: {  	_ =	shalt  }
0x75: {  	_ =	shalt  }
0x76: {  	_ =	shalt  }
0x77: {  	_ =	shalt  }
0x78: {  	_ =	shalt  }
0x79: {  	_ =	shalt  }
0x7a: {  	_ =	shalt  }
0x7b: {  	_ =	shalt  }
0x7c: {  	_ =	shalt  }
0x7d: {  	_ =	shalt  }
0x7e: {  	_ =	shalt  }
0x7f: {  	_ =	shalt  }
0x80: {  	_ =	shalt  }
0x81: {  	_ =	shalt  }
0x82: {  	_ =	shalt  }
0x83: {  	_ =	shalt  }
0x84: {  	_ =	shalt  }
0x85: {  	_ =	shalt  }
0x86: {  	_ =	shalt  }
0x87: {  	_ =	shalt  }
.Lfunc_end0:
.L_simem_size_0:
called_computation.1_lowered:
.L_overlay_start_0:
0x88: {  	s2 =	sld [smem:$0x3FD9]  }
0x89: {  	s3 =	sld [smem:$0x3FFE];
	_ =	sdelay $0x1  }
0x8a: {  	s1 =	srdreg.scid  }
0x8b: {  	s0 =	sand.u32 $0x1, s1  }
0x8c: {  	s16 =	sshll.u32 s0, $0xA;
	s2 =	sadd.s32 s3, s2  }
0x8d: {  	s2 =	sadd.s32 s2, s16  }
0x8e: {  	[smem:$0x3FAB] =	sst s2  }
0x8f: {  	_ = 	snop  }
0x90: {  	(tm) =	ssettm $0x1  }
0x91: {  	s17 =	sld [smem:$0x3FFB];
	_ =	sdelay $0x3  }
0x92: {  	_ =	strace s17  }
0x93: {  	s2 =	sld [smem:$0x3FFC];
	_ =	sdelay $0x3  }
0x94: {  	_ =	strace s2  }
0x95: {  	s2 =	sld [smem:$0x3FFD];
	_ =	sdelay $0x3  }
0x96: {  	_ =	strace s2  }
0x97: {  	_ =	strace $0x8FFFFFFF  }
0x98: {  	s18 =	sld [smem:$0x3FDB];
	_ =	sdelay $0x1  }
0x99: {  	s19 =	simm.s32 $_scs_section_size  }
0x9a: {  	s4 =	simm.s32 $_size__tile_overlayer_lowered;
	s5 =	simm.s32 $_tile_overlayer_lowered  }
0x9b: {  	s22 =	simm.s32 $0x1BFF;
	s21 =	sshll.u32 s5, $0x1;
	s2 =	sadd.s32 s19, s18  }
0x9c: {  	s6 =	simm.s32 $0x0;
	s20 =	sshll.u32 s4, $0x1;
	s4 =	sadd.s32 s21, s2  }
0x9d: {  	[timem:s6], [sflag:s22] =	dma.local [hbm:s4], s20  }
0x9e: {  	_ =	swait.ge [sflag:s22], s20  }
0x9f: {  	s3 =	ssub.s32 $0x0, s20;
	[sflag:s22] =	ssyncset.done $0x0  }
0xa0: {  	[sflag:s22] =	ssyncadd.s32 s3;
	_ =	sdelay $0x1  }
0xa1: {  	s23 =	simm.s32 $0x1B8B  }
0xa2: {  	_ =	swait.ge [sflag:s23], $0x1  }
0xa3: {  	[sflag:s23] =	ssyncset.done $0x0  }
0xa4: {  	s25 =	simm.s32 $0x1B8E;
	s24 =	sld [smem:$0x3FFE];
	[sflag:s23] =	ssyncadd.s32 $0xFFFFFFFF  }
0xa5: {  	s26 =	simm.s32 $execute0_lowered;
	[smem:$0x3FD2] =	sst s25  }
0xa6: {  	s4 =	sshll.u32 s26, $0x1;
	_ =	strace $0x80000049;
	[dreg:$0x1] =	wrdreg $0xFFFFFFFF  }
0xa7: {  	s28 =	simm.s32 $_size_execute0_lowered;
	s2 =	sadd.s32 s2, s4;
	[dreg:$0x0] =	wrdreg $0x0  }
0xa8: {  	s4 =	sshll.u32 s28, $0x1;
	[dreg:$0x2] =	wrdreg s2  }
0xa9: {  	[dreg:$0x3] =	wrdreg s4  }
0xaa: {  	[dreg:$0x4] =	wrdreg $0xC0  }
0xab: {  	_ =	task [dreg:s6], $0x5FFFF  }
0xac: {  	[dreg:$0x1] =	wrdreg $0xFFFFFFFF  }
0xad: {  	[dreg:$0x0] =	wrdreg $0x60  }
0xae: {  	[dreg:$0x2] =	wrdreg s24  }
0xaf: {  	[dreg:$0x3] =	wrdreg $0xDE000  }
0xb0: {  	[dreg:$0x4] =	wrdreg $0x9  }
0xb1: {  	_ =	task.clear_ibuf [dreg:s6], $0x5FFFF;
	_ =	strace $0x90000049  }
0xb2: {  	s29 =	simm.s32 $0x9;
	_ =	strace $0x8000004B  }
0xb3: {  	_ =	swait.ge [sflag:s29], $0x1  }
0xb4: {  	[sflag:s29] =	ssyncadd.s32 $0xFFFFFFFF  }
0xb5: {  	_ =	strace $0x9000004B  }
0xb6: {  	_ =	sfence  }
0xb7: {  	s30 =	sld [smem:$0x0];
	_ =	sdelay $0x2  }
0xb8: {  	s31 =	sshll.u32 s1, $0xD;
	s1 =	sshrl.u32 s1, $0x2  }
0xb9: {  	s3 =	sand.u32 $0x4000, s31;
	s1 =	sadd.s32 s1, s30  }
0xba: {  	s0 =	sor.u32 s3, s0;
	s1 =	sshll.u32 s1, $0x11  }
0xbb: {  	s0 =	sor.u32 s1, s0  }
0xbc: {  	s0 =	sadd.s32 $0x8F2B, s0  }
0xbd: {  	[sflag:s0] =	ssyncadd.remote.s32 $0x1  }
0xbe: {  	_ =	sfence.sel $0xFFFF  }
0xbf: {  	[dreg:$0x0] =	wrdreg $0xFFFFFFFF;
	(pc) =	sbr.abs _section_cstart, $3  }
0xc0: {  	[dreg:$0x1] =	wrdreg $0xFFFFFFFF  }
0xc1: {  	_ =	task.clear_ibuf [dreg:s6], $0x2FFFF;
	_ =	strace $0x9FFFFFFF  }
0xc2: {  	(tm) =	ssettm $0x7FFFFFFF  }
0xc3: {  	_ =	shalt  }
tec
execute0_lowered:
.L_overlay_start_1:
0x0: {  	(tag) =	ssettag $0x1  }
0x1: {  	s5 =	rddreg [dreg:$0x0]  }
0x2: {  	s2 =	rddreg [dreg:$0x1]  }
0x3: {  	s0 =	rddreg [dreg:$0x2]  }
0x4: {  	s1 =	stileid.u32;
	s4 =	srdreg.scid  }
0x5: {  	s3 =	simm.s32 $0x0;
	s15 =	simm.s32 $0x3;
	s16 =	simm.s32 $0x4F00  }
0x6: {  	s17 =	simm.s32 $0x9E00;
	s18 =	simm.s32 $0x80;
	s19 =	simm.s32 $0xBE00  }
0x7: {  	s20 =	simm.s32 $0x1;
	s21 =	simm.s32 $0x2;
	s8 =	smul.u32 $0xA000, s1  }
0x8: {  	s23 =	simm.s32 $0x9D80;
	s24 =	simm.s32 $0x0;
	s9 =	smul.u32 $0x9E0, s1  }
0x9: {  	s7 =	sand.u32 $0x1, s4;
	[smem:$0x7FF] =	sst s3;
	s11 =	smul.u32 $0x28000, s1  }
0xa: {  	s4 =	sadd.s32 $0x105000, s5;
	s6 =	smul.u32 $0x140000, s7;
	_ =	strace $0x8000004A  }
0xb: {  	s10 =	ssub.s32 $0x2, s7;
	s22 =	smul.u32 $0x4E20, s7;
	s9 =	sadd.s32 s9, s5  }
0xc: {  	s30 =	sshrl.u32 s10, $0x1;
	s31 =	sshrl.u32 s11, $0x2;
	s7 =	sadd.s32 s8, s2  }
0xd: {  	s6 =	sadd.s32 s8, s6;
	s14 =	ssub.s32 s10, s30;
	s11 =	sadd.s32 s31, s2  }
0xe: {  	v0 =	vmov s22;
	s22 =	simm.s32 $0x9D00;
	s6 =	sshrl.u32 s6, $0x3;
	s8 =	sadd.s32 $0x2000, s11  }
0xf: {  	s10 =	sadd.s32 $0x6000, s11;
	s13 =	sadd.s32 s6, s5;
	s5 =	sadd.s32 $0xEE00, s9  }
0x10: {  	s6 =	sadd.s32 $0x5000, s9;
	s9 =	sadd.s32 $0x4000, s11;
	s11 =	sadd.s32 $0x8000, s11  }
0x11: {  	v1 =	vimm.f32 $0.0e+00;
	s14 =	smax.u32 s14, $0x1;
	s12 =	sadd.s32 $0x153200, s13;
	s13 =	sadd.s32 $0x167200, s13  }
.LBB2_1:
0x12: {  	[tilespmem:s3], [sflag:$0x3] =	stream.linear.gather [hbm4b:s5+s3], $0x4F00, $0x38;
	[tilespmem:$0x17E00] =	vst v63  }
0x13: {  	_ =	swait.ge [sflag:s15], $0x4F00  }
0x14: {  	[sflag:s15] =	ssyncset.done $0x0  }
0x15: {  	[sflag:s15] =	ssyncadd.s32 $0xFFFFB100  }
0x16: {  	[tilespmem:s16], [sflag:$0x3] =	stream.linear.gather [hbm4b:s6+s3], $0x4F00, $0x38;
	[tilespmem:$0x17E00] =	vst v63  }
0x17: {  	_ =	swait.ge [sflag:s15], $0x4F00  }
0x18: {  	[sflag:s15] =	ssyncset.done $0x0  }
0x19: {  	s25 =	simm.s32 $0x70;
	[sflag:s15] =	ssyncadd.s32 $0xFFFFB100  }
0x1a: {  	v4 =	vld [tilespmem:s25+$0xFFFFFF90]  }
0x1b: {  	v6 =	vld [tilespmem:s25+$0xFFFFFFA0]  }
0x1c: {  	v5 =	vld [tilespmem:s25+$0xFFFFFFB0]  }
0x1d: {  	v3 =	vld [tilespmem:s25+$0xFFFFFFC0]  }
0x1e: {  	v2 =	vld [tilespmem:s25+$0xFFFFFFD0]  }
0x1f: {  	s26 =	simm.s32 $0x3C0;
	v7 =	vadd.s32 v0, v4;
	v4 =	vld [tilespmem:s25+$0xFFFFFFE0]  }
.LBB2_2:
0x20: {  	p0 =	sne.s32 s26, $0x13BC0;
	[tilespmem:s25+$0xFFFFFF90] =	vst v7;
	v6 =	vadd.s32 v0, v6;
	v7 =	vld [tilespmem:s25+$0x0]  }
0x21: {  	s28 =	sshra.s32 s26, $0x2;
	[tilespmem:s25+$0xFFFFFFA0] =	vst v6;
	v5 =	vadd.s32 v0, v5;
	v8 =	vld [tilespmem:s25+$0xFFFFFFF0]  }
0x22: {  	v9 =	vld [tilespmem:s28+$0xFFFFFF90];
	[tilespmem:s25+$0xFFFFFFB0] =	vst v5;
	v3 =	vadd.s32 v0, v3  }
.Ltmp0:
0x23: {  	v6 =	vld [tilespmem:s28+$0xFFFFFFA0];
	[tilespmem:s25+$0xFFFFFFC0] =	vst v3;
	v2 =	vadd.s32 v0, v2;
	(pc) =	sbr.rel @p0 .LBB2_2-.Ltmp0, $4  }
0x24: {  	v5 =	vld [tilespmem:s28+$0xFFFFFFB0];
	[tilespmem:s25+$0xFFFFFFD0] =	vst v2;
	v2 =	vadd.s32 v0, v4  }
0x25: {  	v3 =	vld [tilespmem:s28+$0xFFFFFFC0];
	[tilespmem:s25+$0xFFFFFFE0] =	vst v2;
	v4 =	vadd.s32 v0, v7  }
0x26: {  	v2 =	vld [tilespmem:s28+$0xFFFFFFD0];
	v8 =	vadd.s32 v0, v8;
	[tilespmem:s25+$0x0] =	vst v4  }
0x27: {  	s26 =	sadd.s32 $0x200, s26;
	v7 =	vadd.s32 v0, v9;
	v4 =	vld [tilespmem:s28+$0xFFFFFFE0];
	[tilespmem:s25+$0xFFFFFFF0] =	vst v8;
	s25 =	smov.u32 s28  }
0x28: {  	[tilespmem:s25+$0xFFFFFF90] =	vst v7;
	v6 =	vadd.s32 v0, v6;
	v62 =	vld [tilespmem:s25+$0x0]  }
0x29: {  	v63 =	vld [tilespmem:s25+$0xFFFFFFF0];
	[tilespmem:s25+$0xFFFFFFA0] =	vst v6;
	v5 =	vadd.s32 v0, v5  }
0x2a: {  	[tilespmem:s25+$0xFFFFFFB0] =	vst v5;
	v3 =	vadd.s32 v0, v3  }
0x2b: {  	[tilespmem:s25+$0xFFFFFFC0] =	vst v3;
	v2 =	vadd.s32 v0, v2  }
0x2c: {  	[tilespmem:s25+$0xFFFFFFD0] =	vst v2;
	v2 =	vadd.s32 v0, v4  }
0x2d: {  	[tilespmem:s25+$0xFFFFFFE0] =	vst v2;
	v2 =	vadd.s32 v0, v62  }
0x2e: {  	v3 =	vadd.s32 v0, v63;
	[tilespmem:s25+$0x0] =	vst v2  }
0x2f: {  	s26 =	simm.s32 $0x100;
	[tilespmem:s25+$0xFFFFFFF0] =	vst v3;
	s25 =	simm.s32 $0x0  }
.LBB2_4:
0x30: {  	p0 =	sne.s32 s26, $0x7F00;
	[tilespmem:s25+$0x9E30] =	vst v1;
	s28 =	smov.u32 s26;
	s26 =	sadd.s32 $0x100, s26  }
.Ltmp1:
0x31: {  	[tilespmem:s25+$0x9E20] =	vst v1;
	(pc) =	sbr.rel @p0 .LBB2_4-.Ltmp1, $3  }
0x32: {  	[tilespmem:s25+$0x9E00] =	vst v1  }
0x33: {  	[tilespmem:s25+$0x9E10] =	vst v1;
	_ =	sdelay $0x1  }
0x34: {  	s25 =	sshra.s32 s28, $0x2  }
0x35: {  	[tilespmem:s25+$0x9E30] =	vst v1  }
0x36: {  	[tilespmem:s25+$0x9E20] =	vst v1  }
0x37: {  	[tilespmem:s25+$0x9E00] =	vst v1  }
0x38: {  	[tilespmem:s25+$0x9E10] =	vst v1  }
0x39: {  	[spmem:s7] =	stream.linear.scatter [tilespmem:s17], [sflag:$0x3], $0x2000, $0x38;
	[tilespmem:$0x17E00] =	vst v63  }
0x3a: {  	_ =	swait.ge [sflag:s15], $0x2000  }
0x3b: {  	[sflag:s15] =	ssyncset.done $0x0  }
0x3c: {  	[sflag:s15] =	ssyncadd.s32 $0xFFFFE000  }
0x3d: {  	[spmem:s8] =	stream.linear.scatter [tilespmem:s17], [sflag:$0x3], $0x2000, $0x38;
	[tilespmem:$0x17E00] =	vst v63  }
0x3e: {  	_ =	swait.ge [sflag:s15], $0x2000  }
0x3f: {  	[sflag:s15] =	ssyncset.done $0x0  }
0x40: {  	[sflag:s15] =	ssyncadd.s32 $0xFFFFE000  }
0x41: {  	[spmem:s9] =	stream.linear.scatter [tilespmem:s17], [sflag:$0x3], $0x2000, $0x38;
	[tilespmem:$0x17E00] =	vst v63  }
0x42: {  	_ =	swait.ge [sflag:s15], $0x2000  }
0x43: {  	[sflag:s15] =	ssyncset.done $0x0  }
0x44: {  	[sflag:s15] =	ssyncadd.s32 $0xFFFFE000  }
0x45: {  	[spmem:s10] =	stream.linear.scatter [tilespmem:s17], [sflag:$0x3], $0x2000, $0x38;
	[tilespmem:$0x17E00] =	vst v63  }
0x46: {  	_ =	swait.ge [sflag:s15], $0x2000  }
0x47: {  	[sflag:s15] =	ssyncset.done $0x0  }
0x48: {  	[sflag:s15] =	ssyncadd.s32 $0xFFFFE000  }
0x49: {  	[spmem:s11] =	stream.linear.scatter [tilespmem:s17], [sflag:$0x3], $0x2000, $0x38;
	[tilespmem:$0x17E00] =	vst v63  }
0x4a: {  	_ =	swait.ge [sflag:s15], $0x2000  }
0x4b: {  	[sflag:s15] =	ssyncset.done $0x0  }
0x4c: {  	[sflag:s15] =	ssyncadd.s32 $0xFFFFE000  }
0x4d: {  	s28 =	simm.s32 $0x0;
	[bflag:$0x0] =	sbarrier.arrive $0xFFFF  }
0x4e: {  	[tilespmem:s17], [sflag:$0x1] =	stream.indirect.gather [hbm4b:s4+s18], $0x40, s28, s18, $0xb8;
	[tilespmem:$0x17E00] =	vst v63  }
0x4f: {  	_ = 	snop  }
0x50: {  	[tilespmem:s19], [sflag:$0x2] =	stream.indirect.gather [hbm4b:s4+s18], $0x40, s18, s18, $0xb8;
	[tilespmem:$0x17E00] =	vst v63  }
0x51: {  	_ =	swait.ge [sflag:s20], $0x2000  }
0x52: {  	[sflag:s20] =	ssyncset.done $0x0  }
0x53: {  	s29 =	simm.s32 $0x4F00;
	[sflag:s20] =	ssyncadd.s32 $0xFFFFE000  }
0x54: {  	[spmem:s2] =	stream.indirect.scatter.add.f32 [tilespmem:s17], [sflag:$0x3], $0x40, s29, s18, $0xb8;
	[tilespmem:$0x17E00] =	vst v63  }
0x55: {  	_ =	swait.ge [sflag:s15], $0x2000  }
0x56: {  	[sflag:s15] =	ssyncset.done $0x0  }
0x57: {  	s30 =	simm.s32 $0x100;
	[sflag:s15] =	ssyncadd.s32 $0xFFFFE000  }
0x58: {  	[tilespmem:s17], [sflag:$0x1] =	stream.indirect.gather [hbm4b:s4+s18], $0x40, s30, s18, $0xb8;
	[tilespmem:$0x17E00] =	vst v63  }
0x59: {  	_ =	swait.ge [sflag:s21], $0x2000  }
0x5a: {  	[sflag:s21] =	ssyncset.done $0x0  }
0x5b: {  	s31 =	simm.s32 $0x4F80;
	[sflag:s21] =	ssyncadd.s32 $0xFFFFE000  }
0x5c: {  	[spmem:s2] =	stream.indirect.scatter.add.f32 [tilespmem:s19], [sflag:$0x3], $0x40, s31, s18, $0xb8;
	[tilespmem:$0x17E00] =	vst v63  }
0x5d: {  	_ =	swait.ge [sflag:s15], $0x2000  }
0x5e: {  	[sflag:s15] =	ssyncset.done $0x0  }
0x5f: {  	s25 =	simm.s32 $0x400;
	s26 =	simm.s32 $0x180;
	[sflag:s15] =	ssyncadd.s32 $0xFFFFE000  }
.LBB2_6:
0x60: {  	[tilespmem:s19], [sflag:$0x2] =	stream.indirect.gather [hbm4b:s4+s18], $0x40, s26, s18, $0xb8;
	[tilespmem:$0x17E00] =	vst v63  }
0x61: {  	s26 =	smov.u32 s25  }
0x62: {  	p0 =	sne.s32 s25, $0x13400;
	s25 =	sadd.s32 $0x400, s25;
	_ =	swait.ge [sflag:s20], $0x2000  }
0x63: {  	s26 =	sshra.s32 s26, $0x2;
	[sflag:s20] =	ssyncset.done $0x0  }
0x64: {  	s28 =	sadd.s32 $0x4F00, s26;
	[sflag:s20] =	ssyncadd.s32 $0xFFFFE000  }
0x65: {  	[spmem:s2] =	stream.indirect.scatter.add.f32 [tilespmem:s17], [sflag:$0x3], $0x40, s28, s18, $0xb8;
	[tilespmem:$0x17E00] =	vst v63  }
0x66: {  	_ =	swait.ge [sflag:s15], $0x2000  }
0x67: {  	[sflag:s15] =	ssyncset.done $0x0  }
0x68: {  	s28 =	sadd.s32 $0x100, s26;
	[sflag:s15] =	ssyncadd.s32 $0xFFFFE000  }
0x69: {  	[tilespmem:s17], [sflag:$0x1] =	stream.indirect.gather [hbm4b:s4+s18], $0x40, s28, s18, $0xb8;
	[tilespmem:$0x17E00] =	vst v63  }
0x6a: {  	_ =	swait.ge [sflag:s21], $0x2000  }
0x6b: {  	[sflag:s21] =	ssyncset.done $0x0  }
.Ltmp2:
0x6c: {  	s28 =	sadd.s32 $0x4F80, s26;
	[sflag:s21] =	ssyncadd.s32 $0xFFFFE000;
	(pc) =	sbr.rel @p0 .LBB2_6-.Ltmp2, $4  }
0x6d: {  	[spmem:s2] =	stream.indirect.scatter.add.f32 [tilespmem:s19], [sflag:$0x3], $0x40, s28, s18, $0xb8;
	[tilespmem:$0x17E00] =	vst v63  }
0x6e: {  	_ =	swait.ge [sflag:s15], $0x2000  }
0x6f: {  	[sflag:s15] =	ssyncset.done $0x0  }
0x70: {  	s26 =	sadd.s32 $0x180, s26;
	[sflag:s15] =	ssyncadd.s32 $0xFFFFE000  }
0x71: {  	[tilespmem:s19], [sflag:$0x2] =	stream.indirect.gather [hbm4b:s4+s18], $0x40, s26, s18, $0xb8;
	[tilespmem:$0x17E00] =	vst v63  }
0x72: {  	_ =	swait.ge [sflag:s20], $0x2000  }
0x73: {  	[sflag:s20] =	ssyncset.done $0x0  }
0x74: {  	[sflag:s20] =	ssyncadd.s32 $0xFFFFE000  }
0x75: {  	[spmem:s2] =	stream.indirect.scatter.add.f32 [tilespmem:s17], [sflag:$0x3], $0x40, s22, s18, $0xb8;
	[tilespmem:$0x17E00] =	vst v63  }
0x76: {  	_ =	swait.ge [sflag:s15], $0x2000  }
0x77: {  	[sflag:s15] =	ssyncset.done $0x0  }
0x78: {  	[sflag:s15] =	ssyncadd.s32 $0xFFFFE000  }
0x79: {  	_ =	swait.ge [sflag:s21], $0x2000  }
0x7a: {  	[sflag:s21] =	ssyncset.done $0x0  }
0x7b: {  	[sflag:s21] =	ssyncadd.s32 $0xFFFFE000  }
0x7c: {  	[spmem:s2] =	stream.indirect.scatter.add.f32 [tilespmem:s19], [sflag:$0x3], $0x40, s23, s18, $0xb8;
	[tilespmem:$0x17E00] =	vst v63  }
0x7d: {  	_ =	swait.ge [sflag:s15], $0x2000  }
0x7e: {  	[sflag:s15] =	ssyncset.done $0x0  }
0x7f: {  	s25 =	sshll.u32 s1, $0x6;
	[sflag:s15] =	ssyncadd.s32 $0xFFFFE000  }
0x80: {  	s26 =	sshrl.u32 s7, $0x3;
	s25 =	sor.u32 $0x1C03, s25;
	[bflag:$0x0] =	sbarrier.arrive $0xFFFF  }
0x81: {  	[hbm:s12], [sflag:s25] =	dma.local [spmem:s26], $0x1400  }
0x82: {  	_ =	swait.ge [sflag:s15], $0x1400  }
0x83: {  	[sflag:s15] =	ssyncset.done $0x0  }
0x84: {  	s28 =	simm.s32 $0x70;
	[sflag:s15] =	ssyncadd.s32 $0xFFFFEC00  }
0x85: {  	v4 =	vld [tilespmem:s28+$0xFFFFFF90]  }
0x86: {  	v6 =	vld [tilespmem:s28+$0xFFFFFFA0]  }
0x87: {  	v5 =	vld [tilespmem:s28+$0xFFFFFFB0]  }
0x88: {  	v3 =	vld [tilespmem:s28+$0xFFFFFFC0]  }
0x89: {  	v2 =	vld [tilespmem:s28+$0xFFFFFFD0]  }
0x8a: {  	s29 =	simm.s32 $0x3C0;
	v7 =	vadd.s32 $0x2710, v4;
	v4 =	vld [tilespmem:s28+$0xFFFFFFE0]  }
.LBB2_8:
0x8b: {  	p0 =	sne.s32 s29, $0x13BC0;
	[tilespmem:s28+$0xFFFFFF90] =	vst v7;
	v6 =	vadd.s32 $0x2710, v6;
	v7 =	vld [tilespmem:s28+$0x0]  }
0x8c: {  	s30 =	sshra.s32 s29, $0x2;
	[tilespmem:s28+$0xFFFFFFA0] =	vst v6;
	v5 =	vadd.s32 $0x2710, v5;
	v8 =	vld [tilespmem:s28+$0xFFFFFFF0]  }
0x8d: {  	v9 =	vld [tilespmem:s30+$0xFFFFFF90];
	[tilespmem:s28+$0xFFFFFFB0] =	vst v5;
	v3 =	vadd.s32 $0x2710, v3  }
.Ltmp3:
0x8e: {  	v6 =	vld [tilespmem:s30+$0xFFFFFFA0];
	[tilespmem:s28+$0xFFFFFFC0] =	vst v3;
	v2 =	vadd.s32 $0x2710, v2;
	(pc) =	sbr.rel @p0 .LBB2_8-.Ltmp3, $4  }
0x8f: {  	v5 =	vld [tilespmem:s30+$0xFFFFFFB0];
	[tilespmem:s28+$0xFFFFFFD0] =	vst v2;
	v2 =	vadd.s32 $0x2710, v4  }
0x90: {  	v3 =	vld [tilespmem:s30+$0xFFFFFFC0];
	[tilespmem:s28+$0xFFFFFFE0] =	vst v2;
	v4 =	vadd.s32 $0x2710, v7  }
0x91: {  	v2 =	vld [tilespmem:s30+$0xFFFFFFD0];
	v8 =	vadd.s32 $0x2710, v8;
	[tilespmem:s28+$0x0] =	vst v4  }
0x92: {  	s29 =	sadd.s32 $0x200, s29;
	v7 =	vadd.s32 $0x2710, v9;
	v4 =	vld [tilespmem:s30+$0xFFFFFFE0];
	[tilespmem:s28+$0xFFFFFFF0] =	vst v8;
	s28 =	smov.u32 s30  }
0x93: {  	[tilespmem:s28+$0xFFFFFF90] =	vst v7;
	v6 =	vadd.s32 $0x2710, v6;
	v62 =	vld [tilespmem:s28+$0x0]  }
0x94: {  	v63 =	vld [tilespmem:s28+$0xFFFFFFF0];
	[tilespmem:s28+$0xFFFFFFA0] =	vst v6;
	v5 =	vadd.s32 $0x2710, v5  }
0x95: {  	[tilespmem:s28+$0xFFFFFFB0] =	vst v5;
	v3 =	vadd.s32 $0x2710, v3  }
0x96: {  	[tilespmem:s28+$0xFFFFFFC0] =	vst v3;
	v2 =	vadd.s32 $0x2710, v2  }
0x97: {  	[tilespmem:s28+$0xFFFFFFD0] =	vst v2;
	v2 =	vadd.s32 $0x2710, v4  }
0x98: {  	[tilespmem:s28+$0xFFFFFFE0] =	vst v2;
	v2 =	vadd.s32 $0x2710, v62  }
0x99: {  	v3 =	vadd.s32 $0x2710, v63;
	[tilespmem:s28+$0x0] =	vst v2  }
0x9a: {  	s29 =	simm.s32 $0x100;
	[tilespmem:s28+$0xFFFFFFF0] =	vst v3;
	s28 =	simm.s32 $0x0  }
.LBB2_10:
0x9b: {  	p0 =	sne.s32 s29, $0x7F00;
	[tilespmem:s28+$0x9E30] =	vst v1;
	s30 =	smov.u32 s29;
	s29 =	sadd.s32 $0x100, s29  }
.Ltmp4:
0x9c: {  	[tilespmem:s28+$0x9E20] =	vst v1;
	(pc) =	sbr.rel @p0 .LBB2_10-.Ltmp4, $3  }
0x9d: {  	[tilespmem:s28+$0x9E00] =	vst v1  }
0x9e: {  	[tilespmem:s28+$0x9E10] =	vst v1;
	_ =	sdelay $0x1  }
0x9f: {  	s28 =	sshra.s32 s30, $0x2  }
0xa0: {  	[tilespmem:s28+$0x9E30] =	vst v1  }
0xa1: {  	[tilespmem:s28+$0x9E20] =	vst v1  }
0xa2: {  	[tilespmem:s28+$0x9E00] =	vst v1  }
0xa3: {  	[tilespmem:s28+$0x9E10] =	vst v1  }
0xa4: {  	[spmem:s7] =	stream.linear.scatter [tilespmem:s17], [sflag:$0x3], $0x2000, $0x38;
	[tilespmem:$0x17E00] =	vst v63  }
0xa5: {  	_ =	swait.ge [sflag:s15], $0x2000  }
0xa6: {  	[sflag:s15] =	ssyncset.done $0x0  }
0xa7: {  	[sflag:s15] =	ssyncadd.s32 $0xFFFFE000  }
0xa8: {  	[spmem:s8] =	stream.linear.scatter [tilespmem:s17], [sflag:$0x3], $0x2000, $0x38;
	[tilespmem:$0x17E00] =	vst v63  }
0xa9: {  	_ =	swait.ge [sflag:s15], $0x2000  }
0xaa: {  	[sflag:s15] =	ssyncset.done $0x0  }
0xab: {  	[sflag:s15] =	ssyncadd.s32 $0xFFFFE000  }
0xac: {  	[spmem:s9] =	stream.linear.scatter [tilespmem:s17], [sflag:$0x3], $0x2000, $0x38;
	[tilespmem:$0x17E00] =	vst v63  }
0xad: {  	_ =	swait.ge [sflag:s15], $0x2000  }
0xae: {  	[sflag:s15] =	ssyncset.done $0x0  }
0xaf: {  	[sflag:s15] =	ssyncadd.s32 $0xFFFFE000  }
0xb0: {  	[spmem:s10] =	stream.linear.scatter [tilespmem:s17], [sflag:$0x3], $0x2000, $0x38;
	[tilespmem:$0x17E00] =	vst v63  }
0xb1: {  	_ =	swait.ge [sflag:s15], $0x2000  }
0xb2: {  	[sflag:s15] =	ssyncset.done $0x0  }
0xb3: {  	[sflag:s15] =	ssyncadd.s32 $0xFFFFE000  }
0xb4: {  	[spmem:s11] =	stream.linear.scatter [tilespmem:s17], [sflag:$0x3], $0x2000, $0x38;
	[tilespmem:$0x17E00] =	vst v63  }
0xb5: {  	_ =	swait.ge [sflag:s15], $0x2000  }
0xb6: {  	[sflag:s15] =	ssyncset.done $0x0  }
0xb7: {  	[sflag:s15] =	ssyncadd.s32 $0xFFFFE000  }
0xb8: {  	s28 =	simm.s32 $0x0;
	[bflag:$0x0] =	sbarrier.arrive $0xFFFF  }
0xb9: {  	[tilespmem:s17], [sflag:$0x1] =	stream.indirect.gather [hbm4b:s4+s18], $0x40, s28, s18, $0xb8;
	[tilespmem:$0x17E00] =	vst v63  }
0xba: {  	_ = 	snop  }
0xbb: {  	[tilespmem:s19], [sflag:$0x2] =	stream.indirect.gather [hbm4b:s4+s18], $0x40, s18, s18, $0xb8;
	[tilespmem:$0x17E00] =	vst v63  }
0xbc: {  	_ =	swait.ge [sflag:s20], $0x2000  }
0xbd: {  	[sflag:s20] =	ssyncset.done $0x0  }
0xbe: {  	s28 =	simm.s32 $0x4F00;
	[sflag:s20] =	ssyncadd.s32 $0xFFFFE000  }
0xbf: {  	[spmem:s2] =	stream.indirect.scatter.add.f32 [tilespmem:s17], [sflag:$0x3], $0x40, s28, s18, $0xb8;
	[tilespmem:$0x17E00] =	vst v63  }
0xc0: {  	_ =	swait.ge [sflag:s15], $0x2000  }
0xc1: {  	[sflag:s15] =	ssyncset.done $0x0  }
0xc2: {  	s28 =	simm.s32 $0x100;
	[sflag:s15] =	ssyncadd.s32 $0xFFFFE000  }
0xc3: {  	[tilespmem:s17], [sflag:$0x1] =	stream.indirect.gather [hbm4b:s4+s18], $0x40, s28, s18, $0xb8;
	[tilespmem:$0x17E00] =	vst v63  }
0xc4: {  	_ =	swait.ge [sflag:s21], $0x2000  }
0xc5: {  	[sflag:s21] =	ssyncset.done $0x0  }
0xc6: {  	s28 =	simm.s32 $0x4F80;
	[sflag:s21] =	ssyncadd.s32 $0xFFFFE000  }
0xc7: {  	[spmem:s2] =	stream.indirect.scatter.add.f32 [tilespmem:s19], [sflag:$0x3], $0x40, s28, s18, $0xb8;
	[tilespmem:$0x17E00] =	vst v63  }
0xc8: {  	_ =	swait.ge [sflag:s15], $0x2000  }
0xc9: {  	[sflag:s15] =	ssyncset.done $0x0  }
0xca: {  	s29 =	simm.s32 $0x180;
	s28 =	simm.s32 $0x400;
	[sflag:s15] =	ssyncadd.s32 $0xFFFFE000  }
.LBB2_12:
0xcb: {  	[tilespmem:s19], [sflag:$0x2] =	stream.indirect.gather [hbm4b:s4+s18], $0x40, s29, s18, $0xb8;
	[tilespmem:$0x17E00] =	vst v63  }
0xcc: {  	s29 =	smov.u32 s28  }
0xcd: {  	p0 =	sne.s32 s28, $0x13400;
	s28 =	sadd.s32 $0x400, s28;
	_ =	swait.ge [sflag:s20], $0x2000  }
0xce: {  	s29 =	sshra.s32 s29, $0x2;
	[sflag:s20] =	ssyncset.done $0x0  }
0xcf: {  	s30 =	sadd.s32 $0x4F00, s29;
	[sflag:s20] =	ssyncadd.s32 $0xFFFFE000  }
0xd0: {  	[spmem:s2] =	stream.indirect.scatter.add.f32 [tilespmem:s17], [sflag:$0x3], $0x40, s30, s18, $0xb8;
	[tilespmem:$0x17E00] =	vst v63  }
0xd1: {  	_ =	swait.ge [sflag:s15], $0x2000  }
0xd2: {  	[sflag:s15] =	ssyncset.done $0x0  }
0xd3: {  	s30 =	sadd.s32 $0x100, s29;
	[sflag:s15] =	ssyncadd.s32 $0xFFFFE000  }
0xd4: {  	[tilespmem:s17], [sflag:$0x1] =	stream.indirect.gather [hbm4b:s4+s18], $0x40, s30, s18, $0xb8;
	[tilespmem:$0x17E00] =	vst v63  }
0xd5: {  	_ =	swait.ge [sflag:s21], $0x2000  }
0xd6: {  	[sflag:s21] =	ssyncset.done $0x0  }
.Ltmp5:
0xd7: {  	s30 =	sadd.s32 $0x4F80, s29;
	[sflag:s21] =	ssyncadd.s32 $0xFFFFE000;
	(pc) =	sbr.rel @p0 .LBB2_12-.Ltmp5, $4  }
0xd8: {  	[spmem:s2] =	stream.indirect.scatter.add.f32 [tilespmem:s19], [sflag:$0x3], $0x40, s30, s18, $0xb8;
	[tilespmem:$0x17E00] =	vst v63  }
0xd9: {  	_ =	swait.ge [sflag:s15], $0x2000  }
0xda: {  	[sflag:s15] =	ssyncset.done $0x0  }
0xdb: {  	s29 =	sadd.s32 $0x180, s29;
	[sflag:s15] =	ssyncadd.s32 $0xFFFFE000  }
0xdc: {  	[tilespmem:s19], [sflag:$0x2] =	stream.indirect.gather [hbm4b:s4+s18], $0x40, s29, s18, $0xb8;
	[tilespmem:$0x17E00] =	vst v63  }
0xdd: {  	_ =	swait.ge [sflag:s20], $0x2000  }
0xde: {  	[sflag:s20] =	ssyncset.done $0x0  }
0xdf: {  	[sflag:s20] =	ssyncadd.s32 $0xFFFFE000  }
0xe0: {  	[spmem:s2] =	stream.indirect.scatter.add.f32 [tilespmem:s17], [sflag:$0x3], $0x40, s22, s18, $0xb8;
	[tilespmem:$0x17E00] =	vst v63  }
0xe1: {  	_ =	swait.ge [sflag:s15], $0x2000  }
0xe2: {  	[sflag:s15] =	ssyncset.done $0x0  }
0xe3: {  	[sflag:s15] =	ssyncadd.s32 $0xFFFFE000  }
0xe4: {  	_ =	swait.ge [sflag:s21], $0x2000  }
0xe5: {  	[sflag:s21] =	ssyncset.done $0x0  }
0xe6: {  	[sflag:s21] =	ssyncadd.s32 $0xFFFFE000  }
0xe7: {  	[spmem:s2] =	stream.indirect.scatter.add.f32 [tilespmem:s19], [sflag:$0x3], $0x40, s23, s18, $0xb8;
	[tilespmem:$0x17E00] =	vst v63  }
0xe8: {  	_ =	swait.ge [sflag:s15], $0x2000  }
0xe9: {  	s24 =	sadd.s32 $0x1, s24;
	[sflag:s15] =	ssyncset.done $0x0  }
0xea: {  	p0 =	sne.s32 s24, s14;
	[sflag:s15] =	ssyncadd.s32 $0xFFFFE000  }
.Ltmp6:
0xeb: {  	[bflag:$0x0] =	sbarrier.arrive $0xFFFF;
	(pc) =	sbr.rel @p0 .LBB2_1-.Ltmp6, $4  }
0xec: {  	[hbm:s13], [sflag:s25] =	dma.local [spmem:s26], $0x1400  }
0xed: {  	_ =	swait.ge [sflag:s15], $0x1400  }
0xee: {  	[sflag:s15] =	ssyncset.done $0x0  }
0xef: {  	[sflag:s15] =	ssyncadd.s32 $0xFFFFEC00  }
0xf0: {  	_ =	sfence.sel $0x180000  }
0xf1: {  	[bflag:$0x0] =	sbarrier.arrive $0xFFFF  }
0xf2: {  	p0 =	sne.s32 s1, $0x0;
	_ =	strace $0x9000004A  }
0xf3: {  	s0 =	sadd.s32 @!p0 $0x100000, s0;
	[bflag:$0x2] =	sbarrier.arrive $0xFFFF  }
0xf4: {  	[sflag:s0] =	ssyncadd.tile.s32 @!p0 $0x1;
	_ =	shalt  }
.Lfunc_end2:
_tile_overlayer_lowered:
.L_overlay_start_2:
0xf5: {  	(tag) =	ssettag $0x2  }
0xf6: {  	s0 =	rddreg [dreg:$0x0];
	s2 =	stileid.u32  }
0xf7: {  	s1 =	rddreg [dreg:$0x1];
	p0 =	sne.s32 s2, $0x0  }
0xf8: {  	s3 =	rddreg [dreg:$0x2];
	[bflag:$0x3] =	sbarrier.arrive $0xFFFF;
	s2 =	simm.s32 @!p0 $0x1C03  }
0xf9: {  	[timem:s3], [sflag:s2] =	dma.local @!p0 [hbm:s0], s1  }
0xfa: {  	s0 =	simm.s32 @!p0 $0x3  }
0xfb: {  	_ =	swait.ge @!p0 [sflag:s0], s1  }
0xfc: {  	s1 =	ssub.s32 @!p0 $0x0, s1;
	[sflag:s0] =	ssyncset.done @!p0 $0x0  }
0xfd: {  	[sflag:s0] =	ssyncadd.s32 @!p0 s1  }
0xfe: {  	[bflag:$0x3] =	sbarrier.arrive $0xFFFF  }
0xff: {  	_ =	shalt  }

// kernel: kernel.15.cloned.1.call-start
scs
__scs_entry_jumppad:
0x0: {  	(pc) =	sbr.rel $0x88, $3  }
0x1: {  	(tag) =	ssettag $0x0;
	lr =	simm.s32 $0x1  }
0x2: {  	[smem:$0x3F84] =	sst lr;
	_ =	strace $0xD0000000  }
0x3: {  	_ = 	snop  }
0x4: {  	_ = 	snop  }
0x5: {  	_ = 	snop  }
0x6: {  	_ = 	snop  }
0x7: {  	_ = 	snop  }
__scs_overlays_trampoline_lowered:
0x8: {  	[smem:$0x3F93] =	sst s0  }
0x9: {  	[smem:$0x3F94] =	sst s1  }
0xa: {  	[smem:$0x3F95] =	sst s2  }
0xb: {  	[smem:$0x3F96] =	sst s3  }
0xc: {  	[smem:$0x3F97] =	sst s4  }
0xd: {  	[smem:$0x3F98] =	sst s5  }
0xe: {  	[smem:$0x3F99] =	sst s6  }
0xf: {  	[smem:$0x3F9A] =	sst s7  }
0x10: {  	[smem:$0x3F9B] =	sst s8  }
0x11: {  	[smem:$0x3F9C] =	sst s9;
	s0 =	simm.s32 @!p0 $0x0  }
0x12: {  	s1 =	sld [smem:$0x3F82];
	s0 =	simm.s32 @p0 $0x1  }
0x13: {  	[smem:$0x3F9D] =	sst s0;
	s0 =	simm.s32 @!p1 $0x0  }
0x14: {  	s2 =	sld [smem:$0x3F81];
	s0 =	simm.s32 @p1 $0x1  }
0x15: {  	[smem:$0x3F9E] =	sst s0;
	s0 =	simm.s32 @!p2 $0x0  }
0x16: {  	s3 =	sld [smem:$0x3FDB];
	s0 =	simm.s32 @p2 $0x1  }
0x17: {  	s4 =	simm.s32 $0x1BF5;
	[smem:$0x3FA0] =	sst s0  }
0x18: {  	s0 =	sld [smem:$0x3F83];
	_ =	swait.ge [sflag:s4], $0x0  }
0x19: {  	s7 =	sld [smem:$0x3F84]  }
0x1a: {  	s8 =	sadd.s32 $0xFFFFE003, lr  }
0x1b: {  	s9 =	sadd.s32 $0xFFFFFEF7, lr;
	s5 =	simm.s32 $0xFFFFFFFF;
	p2 =	slt.u32 s8, $0xFFFFF086  }
0x1c: {  	p1 =	slt.u32 s9, $0xF7A;
	s5 =	simm.s32 @!p2 $0x0  }
0x1d: {  	s5 =	simm.s32 @p1 $0x1;
	p0 =	seq.s32 s7, s2  }
0x1e: {  	s7 =	smul.u32 @!p0 $0xF7A, s2;
	p2 =	seq.s32 @!p0 s5, $0x0  }
0x1f: {  	s9 =	smul.u32 $0xF7A, s1;
	s8 =	simm.s32 @!p0 $0x1BF5;
	p2 =	por !p2, p0  }
0x20: {  	[sflag:s8] =	ssyncset.s32 @!p0 $0xFFFFF086;
	s6 =	sadd.s32 @!p0 s3, s7;
	s7 =	simm.s32 @!p0 $0x108  }
0x21: {  	s3 =	sadd.s32 s3, s9;
	s6 =	sadd.s32 @!p0 $0x88, s6;
	s7 =	simm.s32 @p2 $0x1082  }
0x22: {  	[simem:s7], [sflag:s8] =	dma.local @!p0 [hbm:s6], $0xF7A  }
0x23: {  	s9 =	sor.u32 $0xD0000000, s2;
	s6 =	simm.s32 $0x108;
	_ =	swait.ge @!p0 [sflag:s8], $0x0  }
0x24: {  	s3 =	sadd.s32 $0x88, s3;
	s6 =	simm.s32 @!p1 $0x1082;
	[sflag:s4] =	ssyncset.s32 $0xFFFFF086  }
0x25: {  	[simem:s6], [sflag:s4] =	dma.local [hbm:s3], $0xF7A  }
0x26: {  	[smem:$0x3F84] =	sst s1;
	(tag) =	ssettag s2;
	_ =	strace s9  }
0x27: {  	s1 =	sld [smem:$0x3F94]  }
0x28: {  	s2 =	sld [smem:$0x3F95]  }
0x29: {  	s4 =	sld [smem:$0x3F97]  }
0x2a: {  	p0 =	seq.s32 s5, $0x0;
	s5 =	sld [smem:$0x3F98]  }
0x2b: {  	s6 =	sld [smem:$0x3F99]  }
0x2c: {  	s7 =	sld [smem:$0x3F9A]  }
0x2d: {  	s3 =	simm.s32 $0x108;
	s8 =	sld [smem:$0x3F9B]  }
0x2e: {  	s3 =	simm.s32 @!p0 $0x1082;
	s9 =	sld [smem:$0x3F9C]  }
0x2f: {  	lr =	sadd.s32 s0, s3;
	s0 =	sld [smem:$0x3F93]  }
0x30: {  	s3 =	sld [smem:$0x3F96]  }
0x31: {  	[smem:$0x3F9F] =	sst s10  }
0x32: {  	s10 =	sld [smem:$0x3F9D];
	_ =	sdelay $0x3  }
0x33: {  	p0 =	seq.s32 s10, $0x1;
	s10 =	sld [smem:$0x3F9F];
	_ =	sdelay $0x3  }
0x34: {  	[smem:$0x3F9F] =	sst s10  }
0x35: {  	s10 =	sld [smem:$0x3F9E];
	_ =	sdelay $0x3  }
0x36: {  	p1 =	seq.s32 s10, $0x1;
	s10 =	sld [smem:$0x3F9F];
	_ =	sdelay $0x3  }
0x37: {  	[smem:$0x3F9F] =	sst s10  }
0x38: {  	s10 =	sld [smem:$0x3FA0]  }
0x39: {  	_ = 	snop;
	(pc) =	sbr.ind lr, $3  }
0x3a: {  	_ = 	snop  }
0x3b: {  	_ = 	snop  }
0x3c: {  	p2 =	seq.s32 s10, $0x1;
	s10 =	sld [smem:$0x3F9F]  }
0x3d: {  	_ =	shalt  }
0x3e: {  	_ =	shalt  }
0x3f: {  	_ =	shalt  }
0x40: {  	_ =	shalt  }
0x41: {  	_ =	shalt  }
0x42: {  	_ =	shalt  }
0x43: {  	_ =	shalt  }
0x44: {  	_ =	shalt  }
0x45: {  	_ =	shalt  }
0x46: {  	_ =	shalt  }
0x47: {  	_ =	shalt  }
0x48: {  	_ =	shalt  }
0x49: {  	_ =	shalt  }
0x4a: {  	_ =	shalt  }
0x4b: {  	_ =	shalt  }
0x4c: {  	_ =	shalt  }
0x4d: {  	_ =	shalt  }
0x4e: {  	_ =	shalt  }
0x4f: {  	_ =	shalt  }
0x50: {  	_ =	shalt  }
0x51: {  	_ =	shalt  }
0x52: {  	_ =	shalt  }
0x53: {  	_ =	shalt  }
0x54: {  	_ =	shalt  }
0x55: {  	_ =	shalt  }
0x56: {  	_ =	shalt  }
0x57: {  	_ =	shalt  }
0x58: {  	_ =	shalt  }
0x59: {  	_ =	shalt  }
0x5a: {  	_ =	shalt  }
0x5b: {  	_ =	shalt  }
0x5c: {  	_ =	shalt  }
0x5d: {  	_ =	shalt  }
0x5e: {  	_ =	shalt  }
0x5f: {  	_ =	shalt  }
0x60: {  	_ =	shalt  }
0x61: {  	_ =	shalt  }
0x62: {  	_ =	shalt  }
0x63: {  	_ =	shalt  }
0x64: {  	_ =	shalt  }
0x65: {  	_ =	shalt  }
0x66: {  	_ =	shalt  }
0x67: {  	_ =	shalt  }
0x68: {  	_ =	shalt  }
0x69: {  	_ =	shalt  }
0x6a: {  	_ =	shalt  }
0x6b: {  	_ =	shalt  }
0x6c: {  	_ =	shalt  }
0x6d: {  	_ =	shalt  }
0x6e: {  	_ =	shalt  }
0x6f: {  	_ =	shalt  }
0x70: {  	_ =	shalt  }
0x71: {  	_ =	shalt  }
0x72: {  	_ =	shalt  }
0x73: {  	_ =	shalt  }
0x74: {  	_ =	shalt  }
0x75: {  	_ =	shalt  }
0x76: {  	_ =	shalt  }
0x77: {  	_ =	shalt  }
0x78: {  	_ =	shalt  }
0x79: {  	_ =	shalt  }
0x7a: {  	_ =	shalt  }
0x7b: {  	_ =	shalt  }
0x7c: {  	_ =	shalt  }
0x7d: {  	_ =	shalt  }
0x7e: {  	_ =	shalt  }
0x7f: {  	_ =	shalt  }
0x80: {  	_ =	shalt  }
0x81: {  	_ =	shalt  }
0x82: {  	_ =	shalt  }
0x83: {  	_ =	shalt  }
0x84: {  	_ =	shalt  }
0x85: {  	_ =	shalt  }
0x86: {  	_ =	shalt  }
0x87: {  	_ =	shalt  }
.Lfunc_end0:
.L_simem_size_0:
called_computation.2_lowered:
.L_overlay_start_0:
0x88: {  	s2 =	sld [smem:$0x3FD9]  }
0x89: {  	s3 =	sld [smem:$0x3FFE];
	_ =	sdelay $0x1  }
0x8a: {  	s1 =	srdreg.scid  }
0x8b: {  	s0 =	sand.u32 $0x1, s1  }
0x8c: {  	s16 =	sshll.u32 s0, $0xA;
	s2 =	sadd.s32 s3, s2  }
0x8d: {  	s2 =	sadd.s32 s2, s16  }
0x8e: {  	[smem:$0x3FAB] =	sst s2  }
0x8f: {  	_ = 	snop  }
0x90: {  	(tm) =	ssettm $0x1  }
0x91: {  	s17 =	sld [smem:$0x3FFB];
	_ =	sdelay $0x3  }
0x92: {  	_ =	strace s17  }
0x93: {  	s2 =	sld [smem:$0x3FFC];
	_ =	sdelay $0x3  }
0x94: {  	_ =	strace s2  }
0x95: {  	s2 =	sld [smem:$0x3FFD];
	_ =	sdelay $0x3  }
0x96: {  	_ =	strace s2  }
0x97: {  	_ =	strace $0x8FFFFFFF  }
0x98: {  	s18 =	sld [smem:$0x3FDB];
	_ =	sdelay $0x1  }
0x99: {  	s19 =	simm.s32 $_scs_section_size  }
0x9a: {  	s4 =	simm.s32 $_size__tile_overlayer_lowered;
	s5 =	simm.s32 $_tile_overlayer_lowered  }
0x9b: {  	s22 =	simm.s32 $0x1BFF;
	s21 =	sshll.u32 s5, $0x1;
	s2 =	sadd.s32 s19, s18  }
0x9c: {  	s6 =	simm.s32 $0x0;
	s20 =	sshll.u32 s4, $0x1;
	s4 =	sadd.s32 s21, s2  }
0x9d: {  	[timem:s6], [sflag:s22] =	dma.local [hbm:s4], s20  }
0x9e: {  	_ =	swait.ge [sflag:s22], s20  }
0x9f: {  	s3 =	ssub.s32 $0x0, s20;
	[sflag:s22] =	ssyncset.done $0x0  }
0xa0: {  	[sflag:s22] =	ssyncadd.s32 s3;
	_ =	sdelay $0x1  }
0xa1: {  	s23 =	simm.s32 $0x1B8B  }
0xa2: {  	_ =	swait.ge [sflag:s23], $0x1  }
0xa3: {  	[sflag:s23] =	ssyncset.done $0x0  }
0xa4: {  	s25 =	simm.s32 $0x1B8E;
	s24 =	sld [smem:$0x3FFE];
	[sflag:s23] =	ssyncadd.s32 $0xFFFFFFFF  }
0xa5: {  	s26 =	simm.s32 $execute0_lowered;
	[smem:$0x3FD2] =	sst s25  }
0xa6: {  	s4 =	sshll.u32 s26, $0x1;
	_ =	strace $0x8000004C;
	[dreg:$0x1] =	wrdreg $0xFFFFFFFF  }
0xa7: {  	s28 =	simm.s32 $_size_execute0_lowered;
	s2 =	sadd.s32 s2, s4;
	[dreg:$0x0] =	wrdreg $0x0  }
0xa8: {  	s4 =	sshll.u32 s28, $0x1;
	[dreg:$0x2] =	wrdreg s2  }
0xa9: {  	[dreg:$0x3] =	wrdreg s4  }
0xaa: {  	[dreg:$0x4] =	wrdreg $0xC0  }
0xab: {  	_ =	task [dreg:s6], $0x5FFFF  }
0xac: {  	[dreg:$0x1] =	wrdreg $0xFFFFFFFF  }
0xad: {  	[dreg:$0x0] =	wrdreg $0x60  }
0xae: {  	[dreg:$0x2] =	wrdreg s24  }
0xaf: {  	[dreg:$0x3] =	wrdreg $0xEE000  }
0xb0: {  	[dreg:$0x4] =	wrdreg $0x9  }
0xb1: {  	_ =	task.clear_ibuf [dreg:s6], $0x5FFFF;
	_ =	strace $0x9000004C  }
0xb2: {  	s29 =	simm.s32 $0x9;
	_ =	strace $0x8000004E  }
0xb3: {  	_ =	swait.ge [sflag:s29], $0x1  }
0xb4: {  	[sflag:s29] =	ssyncadd.s32 $0xFFFFFFFF  }
0xb5: {  	_ =	strace $0x9000004E  }
0xb6: {  	_ =	sfence  }
0xb7: {  	s30 =	sld [smem:$0x0];
	_ =	sdelay $0x2  }
0xb8: {  	s31 =	sshll.u32 s1, $0xD;
	s1 =	sshrl.u32 s1, $0x2  }
0xb9: {  	s3 =	sand.u32 $0x4000, s31;
	s1 =	sadd.s32 s1, s30  }
0xba: {  	s0 =	sor.u32 s3, s0;
	s1 =	sshll.u32 s1, $0x11  }
0xbb: {  	s0 =	sor.u32 s1, s0  }
0xbc: {  	s0 =	sadd.s32 $0x8F2B, s0  }
0xbd: {  	[sflag:s0] =	ssyncadd.remote.s32 $0x1  }
0xbe: {  	_ =	sfence.sel $0xFFFF  }
0xbf: {  	[dreg:$0x0] =	wrdreg $0xFFFFFFFF;
	(pc) =	sbr.abs _section_cstart, $3  }
0xc0: {  	[dreg:$0x1] =	wrdreg $0xFFFFFFFF  }
0xc1: {  	_ =	task.clear_ibuf [dreg:s6], $0x2FFFF;
	_ =	strace $0x9FFFFFFF  }
0xc2: {  	(tm) =	ssettm $0x7FFFFFFF  }
0xc3: {  	_ =	shalt  }
tec
execute0_lowered:
.L_overlay_start_1:
0x0: {  	(tag) =	ssettag $0x1  }
0x1: {  	s5 =	rddreg [dreg:$0x0]  }
0x2: {  	s2 =	rddreg [dreg:$0x1]  }
0x3: {  	s0 =	rddreg [dreg:$0x2];
	s1 =	stileid.u32  }
0x4: {  	s4 =	srdreg.scid;
	s3 =	simm.s32 $0x0;
	s15 =	simm.s32 $0x4F00  }
0x5: {  	s16 =	simm.s32 $0x9E00;
	s17 =	simm.s32 $0x80;
	s18 =	simm.s32 $0xC600  }
0x6: {  	s19 =	simm.s32 $0x1;
	s20 =	simm.s32 $0x2;
	s8 =	smul.u32 $0xC800, s1  }
0x7: {  	s22 =	simm.s32 $0x9D80;
	s23 =	simm.s32 $0x0;
	s9 =	smul.u32 $0x9E0, s1  }
0x8: {  	s7 =	sand.u32 $0x1, s4;
	[smem:$0x7FF] =	sst s3;
	s11 =	smul.u32 $0x32000, s1  }
0x9: {  	s4 =	sadd.s32 $0x66E00, s5;
	s6 =	smul.u32 $0xC8000, s7;
	_ =	strace $0x8000004D  }
0xa: {  	s10 =	ssub.s32 $0x2, s7;
	s21 =	smul.u32 $0x2710, s7;
	s9 =	sadd.s32 s9, s5  }
0xb: {  	s12 =	sshrl.u32 s10, $0x1;
	s31 =	sshrl.u32 s11, $0x2;
	s7 =	sadd.s32 s8, s2  }
0xc: {  	s6 =	sadd.s32 s8, s6;
	s14 =	ssub.s32 s10, s12;
	s11 =	sadd.s32 s31, s2  }
0xd: {  	v0 =	vmov s21;
	s21 =	simm.s32 $0x9D00;
	s6 =	sshrl.u32 s6, $0x3;
	s8 =	sadd.s32 $0x2800, s11  }
0xe: {  	s10 =	sadd.s32 $0x7800, s11;
	s13 =	sadd.s32 s6, s5;
	s5 =	sadd.s32 $0xEE00, s9  }
0xf: {  	s6 =	sadd.s32 $0x5000, s9;
	s9 =	sadd.s32 $0x5000, s11;
	s11 =	sadd.s32 $0xA000, s11  }
0x10: {  	v1 =	vimm.f32 $0.0e+00;
	s12 =	sadd.s32 $0x18C00, s13;
	s13 =	smax.u32 s14, $0x1;
	s14 =	simm.s32 $0x3  }
.LBB2_1:
0x11: {  	[tilespmem:s3], [sflag:$0x3] =	stream.linear.gather [hbm4b:s5+s3], $0x4F00, $0x38;
	[tilespmem:$0x1B600] =	vst v63  }
0x12: {  	_ =	swait.ge [sflag:s14], $0x4F00  }
0x13: {  	[sflag:s14] =	ssyncset.done $0x0  }
0x14: {  	[sflag:s14] =	ssyncadd.s32 $0xFFFFB100  }
0x15: {  	[tilespmem:s15], [sflag:$0x3] =	stream.linear.gather [hbm4b:s6+s3], $0x4F00, $0x38;
	[tilespmem:$0x1B600] =	vst v63  }
0x16: {  	_ =	swait.ge [sflag:s14], $0x4F00  }
0x17: {  	[sflag:s14] =	ssyncset.done $0x0  }
0x18: {  	s24 =	simm.s32 $0x70;
	[sflag:s14] =	ssyncadd.s32 $0xFFFFB100  }
0x19: {  	v4 =	vld [tilespmem:s24+$0xFFFFFF90]  }
0x1a: {  	v6 =	vld [tilespmem:s24+$0xFFFFFFA0]  }
0x1b: {  	v5 =	vld [tilespmem:s24+$0xFFFFFFB0]  }
0x1c: {  	v3 =	vld [tilespmem:s24+$0xFFFFFFC0]  }
0x1d: {  	v2 =	vld [tilespmem:s24+$0xFFFFFFD0]  }
0x1e: {  	s25 =	simm.s32 $0x3C0;
	v7 =	vadd.s32 v0, v4;
	v4 =	vld [tilespmem:s24+$0xFFFFFFE0]  }
.LBB2_2:
0x1f: {  	p0 =	sne.s32 s25, $0x13BC0;
	[tilespmem:s24+$0xFFFFFF90] =	vst v7;
	v6 =	vadd.s32 v0, v6;
	v7 =	vld [tilespmem:s24+$0x0]  }
0x20: {  	s26 =	sshra.s32 s25, $0x2;
	[tilespmem:s24+$0xFFFFFFA0] =	vst v6;
	v5 =	vadd.s32 v0, v5;
	v8 =	vld [tilespmem:s24+$0xFFFFFFF0]  }
0x21: {  	v9 =	vld [tilespmem:s26+$0xFFFFFF90];
	[tilespmem:s24+$0xFFFFFFB0] =	vst v5;
	v3 =	vadd.s32 v0, v3  }
.Ltmp0:
0x22: {  	v6 =	vld [tilespmem:s26+$0xFFFFFFA0];
	[tilespmem:s24+$0xFFFFFFC0] =	vst v3;
	v2 =	vadd.s32 v0, v2;
	(pc) =	sbr.rel @p0 .LBB2_2-.Ltmp0, $4  }
0x23: {  	v5 =	vld [tilespmem:s26+$0xFFFFFFB0];
	[tilespmem:s24+$0xFFFFFFD0] =	vst v2;
	v2 =	vadd.s32 v0, v4  }
0x24: {  	v3 =	vld [tilespmem:s26+$0xFFFFFFC0];
	[tilespmem:s24+$0xFFFFFFE0] =	vst v2;
	v4 =	vadd.s32 v0, v7  }
0x25: {  	v2 =	vld [tilespmem:s26+$0xFFFFFFD0];
	v8 =	vadd.s32 v0, v8;
	[tilespmem:s24+$0x0] =	vst v4  }
0x26: {  	s25 =	sadd.s32 $0x200, s25;
	v7 =	vadd.s32 v0, v9;
	v4 =	vld [tilespmem:s26+$0xFFFFFFE0];
	[tilespmem:s24+$0xFFFFFFF0] =	vst v8;
	s24 =	smov.u32 s26  }
0x27: {  	[tilespmem:s24+$0xFFFFFF90] =	vst v7;
	v6 =	vadd.s32 v0, v6;
	v62 =	vld [tilespmem:s24+$0x0]  }
0x28: {  	v63 =	vld [tilespmem:s24+$0xFFFFFFF0];
	[tilespmem:s24+$0xFFFFFFA0] =	vst v6;
	v5 =	vadd.s32 v0, v5  }
0x29: {  	[tilespmem:s24+$0xFFFFFFB0] =	vst v5;
	v3 =	vadd.s32 v0, v3  }
0x2a: {  	[tilespmem:s24+$0xFFFFFFC0] =	vst v3;
	v2 =	vadd.s32 v0, v2  }
0x2b: {  	[tilespmem:s24+$0xFFFFFFD0] =	vst v2;
	v2 =	vadd.s32 v0, v4  }
0x2c: {  	[tilespmem:s24+$0xFFFFFFE0] =	vst v2;
	v2 =	vadd.s32 v0, v62  }
0x2d: {  	v3 =	vadd.s32 v0, v63;
	[tilespmem:s24+$0x0] =	vst v2  }
0x2e: {  	s25 =	simm.s32 $0x240;
	[tilespmem:s24+$0xFFFFFFF0] =	vst v3;
	s24 =	simm.s32 $0x40  }
.LBB2_4:
0x2f: {  	p0 =	sne.s32 s25, $0x9FC0;
	[tilespmem:s24+$0x9E00] =	vst v1;
	s26 =	smov.u32 s25;
	s25 =	sadd.s32 $0x140, s25  }
.Ltmp1:
0x30: {  	[tilespmem:s24+$0x9DF0] =	vst v1;
	(pc) =	sbr.rel @p0 .LBB2_4-.Ltmp1, $4  }
0x31: {  	[tilespmem:s24+$0x9DE0] =	vst v1  }
0x32: {  	[tilespmem:s24+$0x9DC0] =	vst v1  }
0x33: {  	[tilespmem:s24+$0x9DD0] =	vst v1  }
0x34: {  	s24 =	sshra.s32 s26, $0x2  }
0x35: {  	[tilespmem:s24+$0x9E00] =	vst v1  }
0x36: {  	[tilespmem:s24+$0x9DF0] =	vst v1  }
0x37: {  	[tilespmem:s24+$0x9DE0] =	vst v1  }
0x38: {  	[tilespmem:s24+$0x9DC0] =	vst v1  }
0x39: {  	[tilespmem:s24+$0x9DD0] =	vst v1  }
0x3a: {  	[spmem:s7] =	stream.linear.scatter [tilespmem:s16], [sflag:$0x3], $0x2800, $0x38;
	[tilespmem:$0x1B600] =	vst v63  }
0x3b: {  	_ =	swait.ge [sflag:s14], $0x2800  }
0x3c: {  	[sflag:s14] =	ssyncset.done $0x0  }
0x3d: {  	[sflag:s14] =	ssyncadd.s32 $0xFFFFD800  }
0x3e: {  	[spmem:s8] =	stream.linear.scatter [tilespmem:s16], [sflag:$0x3], $0x2800, $0x38;
	[tilespmem:$0x1B600] =	vst v63  }
0x3f: {  	_ =	swait.ge [sflag:s14], $0x2800  }
0x40: {  	[sflag:s14] =	ssyncset.done $0x0  }
0x41: {  	[sflag:s14] =	ssyncadd.s32 $0xFFFFD800  }
0x42: {  	[spmem:s9] =	stream.linear.scatter [tilespmem:s16], [sflag:$0x3], $0x2800, $0x38;
	[tilespmem:$0x1B600] =	vst v63  }
0x43: {  	_ =	swait.ge [sflag:s14], $0x2800  }
0x44: {  	[sflag:s14] =	ssyncset.done $0x0  }
0x45: {  	[sflag:s14] =	ssyncadd.s32 $0xFFFFD800  }
0x46: {  	[spmem:s10] =	stream.linear.scatter [tilespmem:s16], [sflag:$0x3], $0x2800, $0x38;
	[tilespmem:$0x1B600] =	vst v63  }
0x47: {  	_ =	swait.ge [sflag:s14], $0x2800  }
0x48: {  	[sflag:s14] =	ssyncset.done $0x0  }
0x49: {  	[sflag:s14] =	ssyncadd.s32 $0xFFFFD800  }
0x4a: {  	[spmem:s11] =	stream.linear.scatter [tilespmem:s16], [sflag:$0x3], $0x2800, $0x38;
	[tilespmem:$0x1B600] =	vst v63  }
0x4b: {  	_ =	swait.ge [sflag:s14], $0x2800  }
0x4c: {  	[sflag:s14] =	ssyncset.done $0x0  }
0x4d: {  	[sflag:s14] =	ssyncadd.s32 $0xFFFFD800  }
0x4e: {  	s28 =	simm.s32 $0x0;
	[bflag:$0x0] =	sbarrier.arrive $0xFFFF  }
0x4f: {  	[tilespmem:s16], [sflag:$0x1] =	stream.indirect.gather [hbm4b:s4+s17], $0x50, s28, s17, $0xb8;
	[tilespmem:$0x1B600] =	vst v63  }
0x50: {  	_ = 	snop  }
0x51: {  	[tilespmem:s18], [sflag:$0x2] =	stream.indirect.gather [hbm4b:s4+s17], $0x50, s17, s17, $0xb8;
	[tilespmem:$0x1B600] =	vst v63  }
0x52: {  	_ =	swait.ge [sflag:s19], $0x2800  }
0x53: {  	[sflag:s19] =	ssyncset.done $0x0  }
0x54: {  	s29 =	simm.s32 $0x4F00;
	[sflag:s19] =	ssyncadd.s32 $0xFFFFD800  }
0x55: {  	[spmem:s2] =	stream.indirect.scatter.add.f32 [tilespmem:s16], [sflag:$0x3], $0x50, s29, s17, $0xb8;
	[tilespmem:$0x1B600] =	vst v63  }
0x56: {  	_ =	swait.ge [sflag:s14], $0x2800  }
0x57: {  	[sflag:s14] =	ssyncset.done $0x0  }
0x58: {  	s30 =	simm.s32 $0x100;
	[sflag:s14] =	ssyncadd.s32 $0xFFFFD800  }
0x59: {  	[tilespmem:s16], [sflag:$0x1] =	stream.indirect.gather [hbm4b:s4+s17], $0x50, s30, s17, $0xb8;
	[tilespmem:$0x1B600] =	vst v63  }
0x5a: {  	_ =	swait.ge [sflag:s20], $0x2800  }
0x5b: {  	[sflag:s20] =	ssyncset.done $0x0  }
0x5c: {  	s31 =	simm.s32 $0x4F80;
	[sflag:s20] =	ssyncadd.s32 $0xFFFFD800  }
0x5d: {  	[spmem:s2] =	stream.indirect.scatter.add.f32 [tilespmem:s18], [sflag:$0x3], $0x50, s31, s17, $0xb8;
	[tilespmem:$0x1B600] =	vst v63  }
0x5e: {  	_ =	swait.ge [sflag:s14], $0x2800  }
0x5f: {  	[sflag:s14] =	ssyncset.done $0x0  }
0x60: {  	s24 =	simm.s32 $0x400;
	s25 =	simm.s32 $0x180;
	[sflag:s14] =	ssyncadd.s32 $0xFFFFD800  }
.LBB2_6:
0x61: {  	[tilespmem:s18], [sflag:$0x2] =	stream.indirect.gather [hbm4b:s4+s17], $0x50, s25, s17, $0xb8;
	[tilespmem:$0x1B600] =	vst v63  }
0x62: {  	s25 =	smov.u32 s24  }
0x63: {  	p0 =	sne.s32 s24, $0x13400;
	s24 =	sadd.s32 $0x400, s24;
	_ =	swait.ge [sflag:s19], $0x2800  }
0x64: {  	s25 =	sshra.s32 s25, $0x2;
	[sflag:s19] =	ssyncset.done $0x0  }
0x65: {  	s26 =	sadd.s32 $0x4F00, s25;
	[sflag:s19] =	ssyncadd.s32 $0xFFFFD800  }
0x66: {  	[spmem:s2] =	stream.indirect.scatter.add.f32 [tilespmem:s16], [sflag:$0x3], $0x50, s26, s17, $0xb8;
	[tilespmem:$0x1B600] =	vst v63  }
0x67: {  	_ =	swait.ge [sflag:s14], $0x2800  }
0x68: {  	[sflag:s14] =	ssyncset.done $0x0  }
0x69: {  	s26 =	sadd.s32 $0x100, s25;
	[sflag:s14] =	ssyncadd.s32 $0xFFFFD800  }
0x6a: {  	[tilespmem:s16], [sflag:$0x1] =	stream.indirect.gather [hbm4b:s4+s17], $0x50, s26, s17, $0xb8;
	[tilespmem:$0x1B600] =	vst v63  }
0x6b: {  	_ =	swait.ge [sflag:s20], $0x2800  }
0x6c: {  	[sflag:s20] =	ssyncset.done $0x0  }
.Ltmp2:
0x6d: {  	s26 =	sadd.s32 $0x4F80, s25;
	[sflag:s20] =	ssyncadd.s32 $0xFFFFD800;
	(pc) =	sbr.rel @p0 .LBB2_6-.Ltmp2, $4  }
0x6e: {  	[spmem:s2] =	stream.indirect.scatter.add.f32 [tilespmem:s18], [sflag:$0x3], $0x50, s26, s17, $0xb8;
	[tilespmem:$0x1B600] =	vst v63  }
0x6f: {  	_ =	swait.ge [sflag:s14], $0x2800  }
0x70: {  	[sflag:s14] =	ssyncset.done $0x0  }
0x71: {  	s25 =	sadd.s32 $0x180, s25;
	[sflag:s14] =	ssyncadd.s32 $0xFFFFD800  }
0x72: {  	[tilespmem:s18], [sflag:$0x2] =	stream.indirect.gather [hbm4b:s4+s17], $0x50, s25, s17, $0xb8;
	[tilespmem:$0x1B600] =	vst v63  }
0x73: {  	_ =	swait.ge [sflag:s19], $0x2800  }
0x74: {  	[sflag:s19] =	ssyncset.done $0x0  }
0x75: {  	[sflag:s19] =	ssyncadd.s32 $0xFFFFD800  }
0x76: {  	[spmem:s2] =	stream.indirect.scatter.add.f32 [tilespmem:s16], [sflag:$0x3], $0x50, s21, s17, $0xb8;
	[tilespmem:$0x1B600] =	vst v63  }
0x77: {  	_ =	swait.ge [sflag:s14], $0x2800  }
0x78: {  	[sflag:s14] =	ssyncset.done $0x0  }
0x79: {  	[sflag:s14] =	ssyncadd.s32 $0xFFFFD800  }
0x7a: {  	_ =	swait.ge [sflag:s20], $0x2800  }
0x7b: {  	[sflag:s20] =	ssyncset.done $0x0  }
0x7c: {  	[sflag:s20] =	ssyncadd.s32 $0xFFFFD800  }
0x7d: {  	[spmem:s2] =	stream.indirect.scatter.add.f32 [tilespmem:s18], [sflag:$0x3], $0x50, s22, s17, $0xb8;
	[tilespmem:$0x1B600] =	vst v63  }
0x7e: {  	_ =	swait.ge [sflag:s14], $0x2800  }
0x7f: {  	s24 =	sshll.u32 s1, $0x6;
	s23 =	sadd.s32 $0x1, s23;
	[sflag:s14] =	ssyncset.done $0x0  }
0x80: {  	s31 =	sshrl.u32 s7, $0x3;
	p0 =	sne.s32 s23, s13;
	[sflag:s14] =	ssyncadd.s32 $0xFFFFD800  }
.Ltmp3:
0x81: {  	s24 =	sor.u32 $0x1C03, s24;
	[bflag:$0x0] =	sbarrier.arrive $0xFFFF;
	(pc) =	sbr.rel @p0 .LBB2_1-.Ltmp3, $4  }
0x82: {  	[hbm:s12], [sflag:s24] =	dma.local [spmem:s31], $0x1900  }
0x83: {  	_ =	swait.ge [sflag:s14], $0x1900  }
0x84: {  	[sflag:s14] =	ssyncset.done $0x0  }
0x85: {  	[sflag:s14] =	ssyncadd.s32 $0xFFFFE700  }
0x86: {  	_ =	sfence.sel $0x180000  }
0x87: {  	[bflag:$0x0] =	sbarrier.arrive $0xFFFF  }
0x88: {  	p0 =	sne.s32 s1, $0x0;
	_ =	strace $0x9000004D  }
0x89: {  	s0 =	sadd.s32 @!p0 $0x100000, s0;
	[bflag:$0x2] =	sbarrier.arrive $0xFFFF  }
0x8a: {  	[sflag:s0] =	ssyncadd.tile.s32 @!p0 $0x1;
	_ =	shalt  }
.Lfunc_end2:
_tile_overlayer_lowered:
.L_overlay_start_2:
0x8b: {  	(tag) =	ssettag $0x2  }
0x8c: {  	s0 =	rddreg [dreg:$0x0];
	s2 =	stileid.u32  }
0x8d: {  	s1 =	rddreg [dreg:$0x1];
	p0 =	sne.s32 s2, $0x0  }
0x8e: {  	s3 =	rddreg [dreg:$0x2];
	[bflag:$0x3] =	sbarrier.arrive $0xFFFF;
	s2 =	simm.s32 @!p0 $0x1C03  }
0x8f: {  	[timem:s3], [sflag:s2] =	dma.local @!p0 [hbm:s0], s1  }
0x90: {  	s0 =	simm.s32 @!p0 $0x3  }
0x91: {  	_ =	swait.ge @!p0 [sflag:s0], s1  }
0x92: {  	s1 =	ssub.s32 @!p0 $0x0, s1;
	[sflag:s0] =	ssyncset.done @!p0 $0x0  }
0x93: {  	[sflag:s0] =	ssyncadd.s32 @!p0 s1  }
0x94: {  	[bflag:$0x3] =	sbarrier.arrive $0xFFFF  }
0x95: {  	_ =	shalt  }

// kernel: kernel.9.cloned.1.call-start
scs
__scs_entry_jumppad:
0x0: {  	(pc) =	sbr.rel $0x88, $3  }
0x1: {  	(tag) =	ssettag $0x0;
	lr =	simm.s32 $0x1  }
0x2: {  	[smem:$0x3F84] =	sst lr;
	_ =	strace $0xD0000000  }
0x3: {  	_ = 	snop  }
0x4: {  	_ = 	snop  }
0x5: {  	_ = 	snop  }
0x6: {  	_ = 	snop  }
0x7: {  	_ = 	snop  }
__scs_overlays_trampoline_lowered:
0x8: {  	[smem:$0x3F93] =	sst s0  }
0x9: {  	[smem:$0x3F94] =	sst s1  }
0xa: {  	[smem:$0x3F95] =	sst s2  }
0xb: {  	[smem:$0x3F96] =	sst s3  }
0xc: {  	[smem:$0x3F97] =	sst s4  }
0xd: {  	[smem:$0x3F98] =	sst s5  }
0xe: {  	[smem:$0x3F99] =	sst s6  }
0xf: {  	[smem:$0x3F9A] =	sst s7  }
0x10: {  	[smem:$0x3F9B] =	sst s8  }
0x11: {  	[smem:$0x3F9C] =	sst s9;
	s0 =	simm.s32 @!p0 $0x0  }
0x12: {  	s1 =	sld [smem:$0x3F82];
	s0 =	simm.s32 @p0 $0x1  }
0x13: {  	[smem:$0x3F9D] =	sst s0;
	s0 =	simm.s32 @!p1 $0x0  }
0x14: {  	s2 =	sld [smem:$0x3F81];
	s0 =	simm.s32 @p1 $0x1  }
0x15: {  	[smem:$0x3F9E] =	sst s0;
	s0 =	simm.s32 @!p2 $0x0  }
0x16: {  	s3 =	sld [smem:$0x3FDB];
	s0 =	simm.s32 @p2 $0x1  }
0x17: {  	s4 =	simm.s32 $0x1BF5;
	[smem:$0x3FA0] =	sst s0  }
0x18: {  	s0 =	sld [smem:$0x3F83];
	_ =	swait.ge [sflag:s4], $0x0  }
0x19: {  	s7 =	sld [smem:$0x3F84]  }
0x1a: {  	s8 =	sadd.s32 $0xFFFFE003, lr  }
0x1b: {  	s9 =	sadd.s32 $0xFFFFFEF7, lr;
	s5 =	simm.s32 $0xFFFFFFFF;
	p2 =	slt.u32 s8, $0xFFFFF086  }
0x1c: {  	p1 =	slt.u32 s9, $0xF7A;
	s5 =	simm.s32 @!p2 $0x0  }
0x1d: {  	s5 =	simm.s32 @p1 $0x1;
	p0 =	seq.s32 s7, s2  }
0x1e: {  	s7 =	smul.u32 @!p0 $0xF7A, s2;
	p2 =	seq.s32 @!p0 s5, $0x0  }
0x1f: {  	s9 =	smul.u32 $0xF7A, s1;
	s8 =	simm.s32 @!p0 $0x1BF5;
	p2 =	por !p2, p0  }
0x20: {  	[sflag:s8] =	ssyncset.s32 @!p0 $0xFFFFF086;
	s6 =	sadd.s32 @!p0 s3, s7;
	s7 =	simm.s32 @!p0 $0x108  }
0x21: {  	s3 =	sadd.s32 s3, s9;
	s6 =	sadd.s32 @!p0 $0x88, s6;
	s7 =	simm.s32 @p2 $0x1082  }
0x22: {  	[simem:s7], [sflag:s8] =	dma.local @!p0 [hbm:s6], $0xF7A  }
0x23: {  	s9 =	sor.u32 $0xD0000000, s2;
	s6 =	simm.s32 $0x108;
	_ =	swait.ge @!p0 [sflag:s8], $0x0  }
0x24: {  	s3 =	sadd.s32 $0x88, s3;
	s6 =	simm.s32 @!p1 $0x1082;
	[sflag:s4] =	ssyncset.s32 $0xFFFFF086  }
0x25: {  	[simem:s6], [sflag:s4] =	dma.local [hbm:s3], $0xF7A  }
0x26: {  	[smem:$0x3F84] =	sst s1;
	(tag) =	ssettag s2;
	_ =	strace s9  }
0x27: {  	s1 =	sld [smem:$0x3F94]  }
0x28: {  	s2 =	sld [smem:$0x3F95]  }
0x29: {  	s4 =	sld [smem:$0x3F97]  }
0x2a: {  	p0 =	seq.s32 s5, $0x0;
	s5 =	sld [smem:$0x3F98]  }
0x2b: {  	s6 =	sld [smem:$0x3F99]  }
0x2c: {  	s7 =	sld [smem:$0x3F9A]  }
0x2d: {  	s3 =	simm.s32 $0x108;
	s8 =	sld [smem:$0x3F9B]  }
0x2e: {  	s3 =	simm.s32 @!p0 $0x1082;
	s9 =	sld [smem:$0x3F9C]  }
0x2f: {  	lr =	sadd.s32 s0, s3;
	s0 =	sld [smem:$0x3F93]  }
0x30: {  	s3 =	sld [smem:$0x3F96]  }
0x31: {  	[smem:$0x3F9F] =	sst s10  }
0x32: {  	s10 =	sld [smem:$0x3F9D];
	_ =	sdelay $0x3  }
0x33: {  	p0 =	seq.s32 s10, $0x1;
	s10 =	sld [smem:$0x3F9F];
	_ =	sdelay $0x3  }
0x34: {  	[smem:$0x3F9F] =	sst s10  }
0x35: {  	s10 =	sld [smem:$0x3F9E];
	_ =	sdelay $0x3  }
0x36: {  	p1 =	seq.s32 s10, $0x1;
	s10 =	sld [smem:$0x3F9F];
	_ =	sdelay $0x3  }
0x37: {  	[smem:$0x3F9F] =	sst s10  }
0x38: {  	s10 =	sld [smem:$0x3FA0]  }
0x39: {  	_ = 	snop;
	(pc) =	sbr.ind lr, $3  }
0x3a: {  	_ = 	snop  }
0x3b: {  	_ = 	snop  }
0x3c: {  	p2 =	seq.s32 s10, $0x1;
	s10 =	sld [smem:$0x3F9F]  }
0x3d: {  	_ =	shalt  }
0x3e: {  	_ =	shalt  }
0x3f: {  	_ =	shalt  }
0x40: {  	_ =	shalt  }
0x41: {  	_ =	shalt  }
0x42: {  	_ =	shalt  }
0x43: {  	_ =	shalt  }
0x44: {  	_ =	shalt  }
0x45: {  	_ =	shalt  }
0x46: {  	_ =	shalt  }
0x47: {  	_ =	shalt  }
0x48: {  	_ =	shalt  }
0x49: {  	_ =	shalt  }
0x4a: {  	_ =	shalt  }
0x4b: {  	_ =	shalt  }
0x4c: {  	_ =	shalt  }
0x4d: {  	_ =	shalt  }
0x4e: {  	_ =	shalt  }
0x4f: {  	_ =	shalt  }
0x50: {  	_ =	shalt  }
0x51: {  	_ =	shalt  }
0x52: {  	_ =	shalt  }
0x53: {  	_ =	shalt  }
0x54: {  	_ =	shalt  }
0x55: {  	_ =	shalt  }
0x56: {  	_ =	shalt  }
0x57: {  	_ =	shalt  }
0x58: {  	_ =	shalt  }
0x59: {  	_ =	shalt  }
0x5a: {  	_ =	shalt  }
0x5b: {  	_ =	shalt  }
0x5c: {  	_ =	shalt  }
0x5d: {  	_ =	shalt  }
0x5e: {  	_ =	shalt  }
0x5f: {  	_ =	shalt  }
0x60: {  	_ =	shalt  }
0x61: {  	_ =	shalt  }
0x62: {  	_ =	shalt  }
0x63: {  	_ =	shalt  }
0x64: {  	_ =	shalt  }
0x65: {  	_ =	shalt  }
0x66: {  	_ =	shalt  }
0x67: {  	_ =	shalt  }
0x68: {  	_ =	shalt  }
0x69: {  	_ =	shalt  }
0x6a: {  	_ =	shalt  }
0x6b: {  	_ =	shalt  }
0x6c: {  	_ =	shalt  }
0x6d: {  	_ =	shalt  }
0x6e: {  	_ =	shalt  }
0x6f: {  	_ =	shalt  }
0x70: {  	_ =	shalt  }
0x71: {  	_ =	shalt  }
0x72: {  	_ =	shalt  }
0x73: {  	_ =	shalt  }
0x74: {  	_ =	shalt  }
0x75: {  	_ =	shalt  }
0x76: {  	_ =	shalt  }
0x77: {  	_ =	shalt  }
0x78: {  	_ =	shalt  }
0x79: {  	_ =	shalt  }
0x7a: {  	_ =	shalt  }
0x7b: {  	_ =	shalt  }
0x7c: {  	_ =	shalt  }
0x7d: {  	_ =	shalt  }
0x7e: {  	_ =	shalt  }
0x7f: {  	_ =	shalt  }
0x80: {  	_ =	shalt  }
0x81: {  	_ =	shalt  }
0x82: {  	_ =	shalt  }
0x83: {  	_ =	shalt  }
0x84: {  	_ =	shalt  }
0x85: {  	_ =	shalt  }
0x86: {  	_ =	shalt  }
0x87: {  	_ =	shalt  }
.Lfunc_end0:
.L_simem_size_0:
called_computation_lowered:
.L_overlay_start_0:
0x88: {  	s2 =	sld [smem:$0x3FD9]  }
0x89: {  	s3 =	sld [smem:$0x3FFE];
	_ =	sdelay $0x1  }
0x8a: {  	s1 =	srdreg.scid  }
0x8b: {  	s0 =	sand.u32 $0x1, s1  }
0x8c: {  	s14 =	sshll.u32 s0, $0xA;
	s2 =	sadd.s32 s3, s2  }
0x8d: {  	s2 =	sadd.s32 s2, s14  }
0x8e: {  	[smem:$0x3FAB] =	sst s2  }
0x8f: {  	_ = 	snop  }
0x90: {  	s2 =	sld [smem:$0x3FD0];
	_ =	sdelay $0x2  }
0x91: {  	s15 =	simm.s32 $0xA;
	s4 =	simm.s32 $0x10  }
0x92: {  	[smem:s4], [sflag:s15] =	dma.local [hbm:s2], $0x1  }
0x93: {  	_ =	swait.eq [sflag:s15], $0x1  }
0x94: {  	[sflag:s15] =	ssyncset.done $0x0  }
0x95: {  	[sflag:s15] =	ssyncadd.s32 $0xFFFFFFFF  }
0x96: {  	s16 =	sld [smem:$0x12];
	(tm) =	ssettm $0x1  }
0x97: {  	s17 =	sld [smem:$0x3FFB];
	_ =	sdelay $0x3  }
0x98: {  	_ =	strace s17  }
0x99: {  	s3 =	sld [smem:$0x3FFC];
	_ =	sdelay $0x3  }
0x9a: {  	_ =	strace s3  }
0x9b: {  	s3 =	sld [smem:$0x3FFD];
	_ =	sdelay $0x3  }
0x9c: {  	_ =	strace s3  }
0x9d: {  	_ =	strace $0x8FFFFFFF  }
0x9e: {  	s18 =	sld [smem:$0x3FDB];
	_ =	sdelay $0x1  }
0x9f: {  	s19 =	simm.s32 $_scs_section_size  }
0xa0: {  	s5 =	simm.s32 $_size__tile_overlayer_lowered;
	s6 =	simm.s32 $_tile_overlayer_lowered  }
0xa1: {  	s22 =	simm.s32 $0x1BFF;
	s21 =	sshll.u32 s6, $0x1;
	s3 =	sadd.s32 s19, s18  }
0xa2: {  	s7 =	simm.s32 $0x0;
	s20 =	sshll.u32 s5, $0x1;
	s5 =	sadd.s32 s21, s3  }
0xa3: {  	[timem:s7], [sflag:s22] =	dma.local [hbm:s5], s20  }
0xa4: {  	_ =	swait.ge [sflag:s22], s20  }
0xa5: {  	s4 =	ssub.s32 $0x0, s20;
	[sflag:s22] =	ssyncset.done $0x0  }
0xa6: {  	[sflag:s22] =	ssyncadd.s32 s4;
	_ =	sdelay $0x1  }
0xa7: {  	s23 =	simm.s32 $0x1B8B  }
0xa8: {  	_ =	swait.ge [sflag:s23], $0x1  }
0xa9: {  	[sflag:s23] =	ssyncset.done $0x0  }
0xaa: {  	s25 =	simm.s32 $0x1B8E;
	s24 =	sld [smem:$0x3FFE];
	[sflag:s23] =	ssyncadd.s32 $0xFFFFFFFF  }
0xab: {  	s26 =	simm.s32 $execute0_lowered;
	[smem:$0x3FD2] =	sst s25  }
0xac: {  	s5 =	sshll.u32 s26, $0x1;
	_ =	strace $0x80000046;
	[dreg:$0x1] =	wrdreg $0xFFFFFFFF  }
0xad: {  	s28 =	simm.s32 $_size_execute0_lowered;
	s3 =	sadd.s32 s3, s5;
	[dreg:$0x0] =	wrdreg $0x0  }
0xae: {  	s5 =	sshll.u32 s28, $0x1;
	[dreg:$0x2] =	wrdreg s3  }
0xaf: {  	[dreg:$0x3] =	wrdreg s5  }
0xb0: {  	[dreg:$0x4] =	wrdreg $0xC0  }
0xb1: {  	_ =	task [dreg:s7], $0x5FFFF  }
0xb2: {  	[dreg:$0x1] =	wrdreg $0xFFFFFFFF  }
0xb3: {  	[dreg:$0x0] =	wrdreg $0x60  }
0xb4: {  	[dreg:$0x2] =	wrdreg s24  }
0xb5: {  	[dreg:$0x3] =	wrdreg s16  }
0xb6: {  	[dreg:$0x4] =	wrdreg $0x34800  }
0xb7: {  	[dreg:$0x5] =	wrdreg $0x9  }
0xb8: {  	_ =	task.clear_ibuf [dreg:s7], $0x6FFFF;
	_ =	strace $0x90000046  }
0xb9: {  	s29 =	simm.s32 $0x9;
	_ =	strace $0x80000048  }
0xba: {  	_ =	swait.ge [sflag:s29], $0x1  }
0xbb: {  	[sflag:s29] =	ssyncadd.s32 $0xFFFFFFFF  }
0xbc: {  	_ =	strace $0x90000048  }
0xbd: {  	_ =	sfence  }
0xbe: {  	s30 =	sld [smem:$0x0];
	_ =	sdelay $0x2  }
0xbf: {  	s31 =	sshll.u32 s1, $0xD;
	s1 =	sshrl.u32 s1, $0x2  }
0xc0: {  	s3 =	sand.u32 $0x4000, s31;
	s1 =	sadd.s32 s1, s30  }
0xc1: {  	s0 =	sor.u32 s3, s0;
	s1 =	sshll.u32 s1, $0x11  }
0xc2: {  	s0 =	sor.u32 s1, s0  }
0xc3: {  	s0 =	sadd.s32 $0x8F2B, s0  }
0xc4: {  	[sflag:s0] =	ssyncadd.remote.s32 $0x1  }
0xc5: {  	_ =	sfence.sel $0xFFFF  }
0xc6: {  	[dreg:$0x0] =	wrdreg $0xFFFFFFFF;
	(pc) =	sbr.abs _section_cstart, $3  }
0xc7: {  	[dreg:$0x1] =	wrdreg $0xFFFFFFFF  }
0xc8: {  	_ =	task.clear_ibuf [dreg:s7], $0x2FFFF;
	_ =	strace $0x9FFFFFFF  }
0xc9: {  	(tm) =	ssettm $0x7FFFFFFF  }
tec
execute0_lowered:
.L_overlay_start_1:
0x0: {  	(tag) =	ssettag $0x1  }
0x1: {  	s4 =	rddreg [dreg:$0x0]  }
0x2: {  	s13 =	rddreg [dreg:$0x1]  }
0x3: {  	s0 =	srdreg.scid;
	s2 =	rddreg [dreg:$0x2]  }
0x4: {  	s3 =	simm.s32 $0x0;
	s16 =	simm.s32 $0x2;
	s17 =	simm.s32 $0x80  }
0x5: {  	s18 =	simm.s32 $0x2780;
	s5 =	sand.u32 $0x1, s0;
	s0 =	stileid.u32  }
0x6: {  	s19 =	simm.s32 $0x1;
	[smem:$0x7FF] =	sst s3;
	s7 =	smul.u32 $0xA000, s0  }
0x7: {  	s1 =	sshll.u32 s5, $0x4;
	s30 =	ssub.s32 $0x2, s5;
	s9 =	smul.u32 $0x2800, s0  }
0x8: {  	s10 =	smul.u32 $0x28000, s5;
	s6 =	sor.u32 s0, s1;
	s1 =	rddreg [dreg:$0x3]  }
0x9: {  	_ =	strace $0x80000047;
	s31 =	sshrl.u32 s30, $0x1;
	s6 =	smul.u32 $0x4F0, s6  }
0xa: {  	s7 =	sshrl.u32 s7, $0x2;
	s14 =	ssub.s32 s30, s31;
	s15 =	sadd.s32 s9, s10  }
0xb: {  	s11 =	sadd.s32 s7, s2;
	s15 =	sshrl.u32 s15, $0x3;
	s14 =	smax.u32 s14, $0x1  }
0xc: {  	s12 =	sadd.s32 s6, s4;
	s4 =	sadd.s32 s9, s2;
	s5 =	sadd.s32 $0x500, s11  }
0xd: {  	s6 =	sadd.s32 $0xA00, s11;
	s7 =	sadd.s32 $0xF00, s11;
	s8 =	sadd.s32 $0x1400, s11  }
0xe: {  	s9 =	sadd.s32 $0x1900, s11;
	s10 =	sadd.s32 $0x1E00, s11;
	s11 =	sadd.s32 $0x2300, s11  }
0xf: {  	v0 =	vimm.f32 $1.000000000e+00;
	v1 =	vimm.f32 $0.0e+00;
	s13 =	sadd.s32 s13, s15;
	s15 =	simm.s32 $0x2F80;
	s12 =	sadd.s32 $0x5000, s12  }
.LBB2_1:
0x10: {  	s20 =	simm.s32 $0x0  }
.LBB2_2:
0x11: {  	p0 =	sne.s32 s20, $0x1FC0  }
.Ltmp0:
0x12: {  	_ = 	snop;
	(pc) =	sbr.rel @p0 .LBB2_2-.Ltmp0, $3  }
0x13: {  	_ =	sdelay $0x1  }
0x14: {  	s21 =	sshra.s32 s20, $0x2  }
0x15: {  	s20 =	sadd.s32 $0x40, s20;
	[tilespmem:s21+$0x2780] =	vst v0  }
0x16: {  	s20 =	simm.s32 $0x40;
	s21 =	simm.s32 $0x0  }
.LBB2_4:
0x17: {  	p0 =	sne.s32 s20, $0x13C0;
	[tilespmem:s21+$0x2F80] =	vst v1;
	s21 =	smov.u32 s20;
	s20 =	sadd.s32 $0x40, s20  }
.Ltmp1:
0x18: {  	(pc) =	sbr.rel @p0 .LBB2_4-.Ltmp1, $2  }
0x19: {  	_ =	sdelay $0x2  }
0x1a: {  	s21 =	sshra.s32 s21, $0x2  }
0x1b: {  	[tilespmem:s21+$0x2F80] =	vst v1  }
0x1c: {  	[spmem:s4] =	stream.linear.scatter [tilespmem:s15], [sflag:$0x2], $0x500, $0x38;
	[tilespmem:$0x5C80] =	vst v63  }
0x1d: {  	_ =	swait.ge [sflag:s16], $0x500  }
0x1e: {  	[sflag:s16] =	ssyncset.done $0x0  }
0x1f: {  	[sflag:s16] =	ssyncadd.s32 $0xFFFFFB00  }
0x20: {  	[spmem:s5] =	stream.linear.scatter [tilespmem:s15], [sflag:$0x2], $0x500, $0x38;
	[tilespmem:$0x5C80] =	vst v63  }
0x21: {  	_ =	swait.ge [sflag:s16], $0x500  }
0x22: {  	[sflag:s16] =	ssyncset.done $0x0  }
0x23: {  	[sflag:s16] =	ssyncadd.s32 $0xFFFFFB00  }
0x24: {  	[spmem:s6] =	stream.linear.scatter [tilespmem:s15], [sflag:$0x2], $0x500, $0x38;
	[tilespmem:$0x5C80] =	vst v63  }
0x25: {  	_ =	swait.ge [sflag:s16], $0x500  }
0x26: {  	[sflag:s16] =	ssyncset.done $0x0  }
0x27: {  	[sflag:s16] =	ssyncadd.s32 $0xFFFFFB00  }
0x28: {  	[spmem:s7] =	stream.linear.scatter [tilespmem:s15], [sflag:$0x2], $0x500, $0x38;
	[tilespmem:$0x5C80] =	vst v63  }
0x29: {  	_ =	swait.ge [sflag:s16], $0x500  }
0x2a: {  	[sflag:s16] =	ssyncset.done $0x0  }
0x2b: {  	[sflag:s16] =	ssyncadd.s32 $0xFFFFFB00  }
0x2c: {  	[spmem:s8] =	stream.linear.scatter [tilespmem:s15], [sflag:$0x2], $0x500, $0x38;
	[tilespmem:$0x5C80] =	vst v63  }
0x2d: {  	_ =	swait.ge [sflag:s16], $0x500  }
0x2e: {  	[sflag:s16] =	ssyncset.done $0x0  }
0x2f: {  	[sflag:s16] =	ssyncadd.s32 $0xFFFFFB00  }
0x30: {  	[spmem:s9] =	stream.linear.scatter [tilespmem:s15], [sflag:$0x2], $0x500, $0x38;
	[tilespmem:$0x5C80] =	vst v63  }
0x31: {  	_ =	swait.ge [sflag:s16], $0x500  }
0x32: {  	[sflag:s16] =	ssyncset.done $0x0  }
0x33: {  	[sflag:s16] =	ssyncadd.s32 $0xFFFFFB00  }
0x34: {  	[spmem:s10] =	stream.linear.scatter [tilespmem:s15], [sflag:$0x2], $0x500, $0x38;
	[tilespmem:$0x5C80] =	vst v63  }
0x35: {  	_ =	swait.ge [sflag:s16], $0x500  }
0x36: {  	[sflag:s16] =	ssyncset.done $0x0  }
0x37: {  	[sflag:s16] =	ssyncadd.s32 $0xFFFFFB00  }
0x38: {  	[spmem:s11] =	stream.linear.scatter [tilespmem:s15], [sflag:$0x2], $0x500, $0x38;
	[tilespmem:$0x5C80] =	vst v63  }
0x39: {  	_ =	swait.ge [sflag:s16], $0x500  }
0x3a: {  	[sflag:s16] =	ssyncset.done $0x0  }
0x3b: {  	s20 =	simm.s32 $0x0;
	[sflag:s16] =	ssyncadd.s32 $0xFFFFFB00  }
0x3c: {  	[tilespmem:s20], [sflag:$0x2] =	stream.linear.gather [hbm4b:s12+s20], $0x2780, $0x38;
	[tilespmem:$0x5C80] =	vst v63  }
0x3d: {  	_ =	swait.ge [sflag:s16], $0x2780  }
0x3e: {  	[sflag:s16] =	ssyncset.done $0x0  }
0x3f: {  	[sflag:s16] =	ssyncadd.s32 $0xFFFFD880  }
0x40: {  	[bflag:$0x0] =	sbarrier.arrive $0xFFFF  }
.LBB2_6:
0x41: {  	p0 =	sne.s32 s20, $0x9C00  }
.Ltmp2:
0x42: {  	_ = 	snop;
	(pc) =	sbr.rel @p0 .LBB2_6-.Ltmp2, $3  }
0x43: {  	_ =	sdelay $0x1  }
0x44: {  	s21 =	sshra.s32 s20, $0x2;
	s20 =	sadd.s32 $0x200, s20  }
0x45: {  	[spmem:s2] =	stream.indirect.scatter.add.f32 [tilespmem:s18], [sflag:$0x1], $0x10, s21, s17, $0xb8;
	[tilespmem:$0x5C80] =	vst v63  }
0x46: {  	_ =	swait.ge [sflag:s19], $0x800  }
0x47: {  	s20 =	simm.s32 $0x4E;
	[sflag:s19] =	ssyncset.done $0x0  }
.LBB2_8:
0x48: {  	p0 =	sne.s32 s20, $0x1;
	s20 =	sadd.s32 $0xFFFFFFFF, s20;
	[sflag:s19] =	ssyncadd.s32 $0xFFFFF800  }
.Ltmp3:
0x49: {  	(pc) =	sbr.rel @p0 .LBB2_8-.Ltmp3, $3  }
0x4a: {  	_ =	sdelay $0x1  }
0x4b: {  	_ =	swait.ge [sflag:s19], $0x800  }
0x4c: {  	[sflag:s19] =	ssyncset.done $0x0  }
0x4d: {  	[sflag:s19] =	ssyncadd.s32 $0xFFFFF800;
	s3 =	sadd.s32 $0x1, s3  }
0x4e: {  	s20 =	sshll.u32 s0, $0x6;
	s21 =	sshrl.u32 s4, $0x3;
	p0 =	sne.s32 s3, s14  }
.Ltmp4:
0x4f: {  	[bflag:$0x0] =	sbarrier.arrive $0xFFFF;
	s20 =	sor.u32 $0x1C02, s20;
	(pc) =	sbr.rel @p0 .LBB2_1-.Ltmp4, $4  }
0x50: {  	[hbm:s13], [sflag:s20] =	dma.local [spmem:s21], $0x500  }
0x51: {  	_ =	swait.ge [sflag:s16], $0x500  }
0x52: {  	[sflag:s16] =	ssyncset.done $0x0  }
0x53: {  	[sflag:s16] =	ssyncadd.s32 $0xFFFFFB00  }
0x54: {  	_ =	sfence.sel $0x180000  }
0x55: {  	[bflag:$0x0] =	sbarrier.arrive $0xFFFF  }
0x56: {  	p0 =	sne.s32 s0, $0x0;
	_ =	strace $0x90000047  }
0x57: {  	s0 =	sadd.s32 @!p0 $0x100000, s1;
	[bflag:$0x2] =	sbarrier.arrive $0xFFFF  }
0x58: {  	[sflag:s0] =	ssyncadd.tile.s32 @!p0 $0x1;
	_ =	shalt  }
.Lfunc_end2:
_tile_overlayer_lowered:
.L_overlay_start_2:
0x59: {  	(tag) =	ssettag $0x2  }
0x5a: {  	s0 =	rddreg [dreg:$0x0];
	s2 =	stileid.u32  }
0x5b: {  	s1 =	rddreg [dreg:$0x1];
	p0 =	sne.s32 s2, $0x0  }
0x5c: {  	s3 =	rddreg [dreg:$0x2];
	[bflag:$0x3] =	sbarrier.arrive $0xFFFF;
	s2 =	simm.s32 @!p0 $0x1C02  }
0x5d: {  	[timem:s3], [sflag:s2] =	dma.local @!p0 [hbm:s0], s1  }
0x5e: {  	s0 =	simm.s32 @!p0 $0x2  }
0x5f: {  	_ =	swait.ge @!p0 [sflag:s0], s1  }
0x60: {  	s1 =	ssub.s32 @!p0 $0x0, s1;
	[sflag:s0] =	ssyncset.done @!p0 $0x0  }
0x61: {  	[sflag:s0] =	ssyncadd.s32 @!p0 s1  }
0x62: {  	[bflag:$0x3] =	sbarrier.arrive $0xFFFF  }
0x63: {  	_ =	shalt  }

</sc_bundles>
